<compile_context>
chip_gen: v7x
topology: tpu7x:2x2x1
jax: 0.10.2.dev20260603
libtpu: 0.0.44.dev20260713+nightly
codegen_flags: <defaults>
</compile_context>

<pallas_src>
import functools

import jax
import jax.numpy as jnp
from jax import lax
from jax.experimental import pallas as pl
from jax.experimental.pallas import tpu as pltpu
from jax.experimental.pallas import tpu_sc as plsc

VOCAB = 1000000
EMBED_DIM = 32
BATCH = 16384
HIST = 50

_NUM_CORES = 2
_NUM_SUBCORES = 16
_NW = _NUM_CORES * _NUM_SUBCORES

_B = BATCH * HIST
_BPW = BATCH // _NW
_NB = 16
_CIDX = _NB * HIST
_NCHUNK = _BPW // _NB


def _gather_kernel(idx_hbm, table_hbm, out_hbm, idx0, idx1, rows0, rows1,
                   si0, si1, sg0, sg1, ss0, ss1):
    wid = lax.axis_index("s") * _NUM_CORES + lax.axis_index("c")
    base_b = wid * _BPW

    def idx_src(i):
        return idx_hbm.at[pl.ds(base_b + i * _NB, _NB)]

    def out_dst(i):
        return out_hbm.at[pl.ds(base_b + i * _NB, _NB)]

    def start_gathers(idx_v, rows_v, sem):
        for j in range(_NB):
            pltpu.async_copy(
                table_hbm.at[idx_v.at[j]], rows_v.at[j], sem)

    def wait_gathers(idx_v, rows_v, sem):
        for j in range(_NB):
            pltpu.make_async_copy(
                table_hbm.at[idx_v.at[j]], rows_v.at[j], sem).wait()

    pltpu.async_copy(idx_src(0), idx0, si0)
    pltpu.async_copy(idx_src(1), idx1, si1)

    pltpu.make_async_copy(idx_src(0), idx0, si0).wait()
    start_gathers(idx0, rows0, sg0)

    pltpu.make_async_copy(idx_src(1), idx1, si1).wait()
    start_gathers(idx1, rows1, sg1)
    wait_gathers(idx0, rows0, sg0)
    pltpu.async_copy(rows0, out_dst(0), ss0)
    pltpu.async_copy(idx_src(2), idx0, si0)

    def pair_body(g, carry):
        i0 = 2 * g
        i1 = i0 + 1

        pltpu.make_async_copy(idx_src(i0), idx0, si0).wait()
        pltpu.make_async_copy(rows0, out_dst(i0 - 2), ss0).wait()
        start_gathers(idx0, rows0, sg0)

        wait_gathers(idx1, rows1, sg1)
        pltpu.async_copy(rows1, out_dst(i0 - 1), ss1)
        pltpu.async_copy(idx_src(i1), idx1, si1)

        pltpu.make_async_copy(idx_src(i1), idx1, si1).wait()
        pltpu.make_async_copy(rows1, out_dst(i0 - 1), ss1).wait()
        start_gathers(idx1, rows1, sg1)

        wait_gathers(idx0, rows0, sg0)
        pltpu.async_copy(rows0, out_dst(i0), ss0)

        @pl.when(i1 + 1 < _NCHUNK)
        def _():
            pltpu.async_copy(idx_src(i1 + 1), idx0, si0)

        return carry

    lax.fori_loop(1, _NCHUNK // 2, pair_body, 0, unroll=False)

    last = _NCHUNK - 1
    wait_gathers(idx1, rows1, sg1)
    pltpu.async_copy(rows1, out_dst(last), ss1)
    pltpu.make_async_copy(rows0, out_dst(last - 1), ss0).wait()
    pltpu.make_async_copy(rows1, out_dst(last), ss1).wait()


@jax.jit
def _embedding_gather(idx2d, table):
    mesh = plsc.VectorSubcoreMesh(core_axis_name="c", subcore_axis_name="s")
    k = functools.partial(
        pl.kernel,
        mesh=mesh,
        out_type=jax.ShapeDtypeStruct((BATCH, HIST, EMBED_DIM), jnp.float32),
        scratch_types=[
            pltpu.VMEM((_NB, HIST), jnp.int32),
            pltpu.VMEM((_NB, HIST), jnp.int32),
            pltpu.VMEM((_NB, HIST, EMBED_DIM), jnp.float32),
            pltpu.VMEM((_NB, HIST, EMBED_DIM), jnp.float32),
            pltpu.SemaphoreType.DMA,
            pltpu.SemaphoreType.DMA,
            pltpu.SemaphoreType.DMA,
            pltpu.SemaphoreType.DMA,
            pltpu.SemaphoreType.DMA,
            pltpu.SemaphoreType.DMA,
        ],
        compiler_params=pltpu.CompilerParams(use_tc_tiling_on_sc=False),
    )(_gather_kernel)
    return k(idx2d, table)


def kernel(x, table):
    return _embedding_gather(x, table)

# --- scband reference (transcript-rebuilt; emitter-appended) ---
"""Pipeline reference for scband-embedding-layer-18081812316650 (READ-ONLY COPY).

The authoritative reference and input builder live on the scoring server;
editing this copy changes nothing except your own understanding.
"""

import jax, jax.numpy as jnp
import numpy as np

VOCAB = 1000000
EMBED_DIM = 32
BATCH = 16384
HIST = 50

def setup_inputs(seed: int = 0) -> dict:
    key = jax.random.key(seed)
    k_idx, k_tab = jax.random.split(key)
    x = jax.random.randint(k_idx, (BATCH, HIST), 0, VOCAB, dtype=jnp.int64 if jax.config.jax_enable_x64 else jnp.int32)
    # embedding table initialized uniform(-0.1, 0.1) per init_weights
    table = jax.random.uniform(k_tab, (VOCAB, EMBED_DIM), dtype=jnp.float32, minval=-0.1, maxval=0.1)
    return {"x": x, "table": table}

def reference(x, table):
    # EmbeddingLayer.forward: plain embedding lookup
    return jnp.take(table, x, axis=0)

if __name__ == "__main__":
    import jax
    _d = setup_inputs()
    print(jax.jit(kernel)(*tuple(_d.values())))

</pallas_src>

<mosaic_0001>
#map = affine_map<(d0, d1) -> (0, 0)>
#map1 = affine_map<(d0, d1) -> (0, 0, 0)>
module attributes {stable_mosaic.version = 14 : i64} {
  func.func @_gather_kernel(%arg0: i32, %arg1: i32, %arg2: memref<16384x50xi32, #tpu.memory_space<hbm>>, %arg3: memref<1000000x32xf32, #tpu.memory_space<hbm>>, %arg4: memref<16384x50x32xf32, #tpu.memory_space<hbm>>, %arg5: memref<16x50xi32, #tpu.memory_space<vmem>>, %arg6: memref<16x50xi32, #tpu.memory_space<vmem>>, %arg7: memref<16x50x32xf32, #tpu.memory_space<vmem>>, %arg8: memref<16x50x32xf32, #tpu.memory_space<vmem>>, %arg9: memref<!tpu.dma_semaphore, #tpu.memory_space<semaphore_mem>>, %arg10: memref<!tpu.dma_semaphore, #tpu.memory_space<semaphore_mem>>, %arg11: memref<!tpu.dma_semaphore, #tpu.memory_space<semaphore_mem>>, %arg12: memref<!tpu.dma_semaphore, #tpu.memory_space<semaphore_mem>>, %arg13: memref<!tpu.dma_semaphore, #tpu.memory_space<semaphore_mem>>, %arg14: memref<!tpu.dma_semaphore, #tpu.memory_space<semaphore_mem>>) attributes {dimension_semantics = [#tpu.dimension_semantics<core_parallel>, #tpu.dimension_semantics<subcore_parallel>], iteration_bounds = array<i64: 2, 16>, scalar_prefetch = 0 : i64, scratch_operands = 10 : i64, tpu.core_type = #tpu.core_type<sc_vector_subcore>, window_params = [{transform_indices = #map}, {transform_indices = #map}, {transform_indices = #map1}]} {
    %mul3A = arith.constant 2 : i32
    %mul3A_0 = arith.muli %arg1, %mul3A : i32
    %add3A = arith.addi %mul3A_0, %arg0 : i32
    %mul3A_1 = arith.constant 512 : i32
    %mul3A_2 = arith.muli %add3A, %mul3A_1 : i32
    %add3A_3 = arith.constant 0 : i32
    %add3A_4 = arith.addi %mul3A_2, %add3A_3 : i32
    %dma_start3A = arith.constant 0 : i32
    %dma_start3A_5 = tpu.memref_slice %arg2[%add3A_4, %dma_start3A] : memref<16384x50xi32, #tpu.memory_space<hbm>> -> memref<16x50xi32, #tpu.memory_space<hbm>>
    %dma_start3A_6 = arith.constant 0 : i32
    %dma_start3A_7 = tpu.memref_slice %arg2[%add3A_4, %dma_start3A_6] : memref<16384x50xi32, #tpu.memory_space<hbm>> -> memref<16x50xi32, #tpu.memory_space<hbm>>
    tpu.enqueue_dma source(%dma_start3A_7 : memref<16x50xi32, #tpu.memory_space<hbm>>) target(%arg5 : memref<16x50xi32, #tpu.memory_space<vmem>>) target_semaphore(%arg9 : memref<!tpu.dma_semaphore, #tpu.memory_space<semaphore_mem>>)
    %add3A_8 = arith.constant 16 : i32
    %add3A_9 = arith.addi %mul3A_2, %add3A_8 : i32
    %dma_start3A_10 = arith.constant 0 : i32
    %dma_start3A_11 = tpu.memref_slice %arg2[%add3A_9, %dma_start3A_10] : memref<16384x50xi32, #tpu.memory_space<hbm>> -> memref<16x50xi32, #tpu.memory_space<hbm>>
    %dma_start3A_12 = arith.constant 0 : i32
    %dma_start3A_13 = tpu.memref_slice %arg2[%add3A_9, %dma_start3A_12] : memref<16384x50xi32, #tpu.memory_space<hbm>> -> memref<16x50xi32, #tpu.memory_space<hbm>>
    tpu.enqueue_dma source(%dma_start3A_13 : memref<16x50xi32, #tpu.memory_space<hbm>>) target(%arg6 : memref<16x50xi32, #tpu.memory_space<vmem>>) target_semaphore(%arg10 : memref<!tpu.dma_semaphore, #tpu.memory_space<semaphore_mem>>)
    %add3A_14 = arith.constant 0 : i32
    %add3A_15 = arith.addi %mul3A_2, %add3A_14 : i32
    %dma_wait3A = arith.constant 0 : i32
    %dma_wait3A_16 = tpu.memref_slice %arg2[%add3A_15, %dma_wait3A] : memref<16384x50xi32, #tpu.memory_space<hbm>> -> memref<16x50xi32, #tpu.memory_space<hbm>>
    %dma_wait3A_17 = arith.constant 0 : i32
    %dma_wait3A_18 = tpu.memref_slice %arg2[%add3A_15, %dma_wait3A_17] : memref<16384x50xi32, #tpu.memory_space<hbm>> -> memref<16x50xi32, #tpu.memory_space<hbm>>
    tpu.wait_dma2 semaphore(%arg9 : memref<!tpu.dma_semaphore, #tpu.memory_space<semaphore_mem>>) src(%dma_wait3A_18 : memref<16x50xi32, #tpu.memory_space<hbm>>) dst(%arg5 : memref<16x50xi32, #tpu.memory_space<vmem>>)
    %dma_start3A_19 = arith.constant 0 : i32
    %dma_start3A_20 = arith.constant 0 : i32
    %dma_start3A_21 = arith.constant 0 : i32
    %dma_start3A_22 = arith.constant 0 : i32
    %dma_start3A_23 = tpu.memref_slice %arg7[%dma_start3A_20, %dma_start3A_21, %dma_start3A_22] : memref<16x50x32xf32, #tpu.memory_space<vmem>> -> memref<1x50x32xf32, #tpu.memory_space<vmem>>
    %dma_start3A_24 = tpu.memref_squeeze %dma_start3A_23 : memref<1x50x32xf32, #tpu.memory_space<vmem>> -> memref<50x32xf32, #tpu.memory_space<vmem>>
    %dma_start3A_25 = arith.constant 0 : i32
    %dma_start3A_26 = tpu.memref_slice %arg5[%dma_start3A_19, %dma_start3A_25] : memref<16x50xi32, #tpu.memory_space<vmem>> -> memref<1x50xi32, #tpu.memory_space<vmem>>
    %dma_start3A_27 = tpu.memref_squeeze %dma_start3A_26 : memref<1x50xi32, #tpu.memory_space<vmem>> -> memref<50xi32, #tpu.memory_space<vmem>>
    %dma_start3A_28 = arith.constant 0 : i32
    %dma_start3A_29 = arith.constant 0 : i32
    %dma_start3A_30 = tpu.memref_slice %arg3[%dma_start3A_28, %dma_start3A_29] : memref<1000000x32xf32, #tpu.memory_space<hbm>> -> memref<1000000x32xf32, #tpu.memory_space<hbm>>
    tpu.enqueue_indirect_dma source(%dma_start3A_30 : memref<1000000x32xf32, #tpu.memory_space<hbm>>) target(%dma_start3A_24 : memref<50x32xf32, #tpu.memory_space<vmem>>) offsets(%dma_start3A_27 : memref<50xi32, #tpu.memory_space<vmem>>) semaphore(%arg11 : memref<!tpu.dma_semaphore, #tpu.memory_space<semaphore_mem>>)
    %dma_start3A_31 = arith.constant 1 : i32
    %dma_start3A_32 = arith.constant 1 : i32
    %dma_start3A_33 = arith.constant 0 : i32
    %dma_start3A_34 = arith.constant 0 : i32
    %dma_start3A_35 = tpu.memref_slice %arg7[%dma_start3A_32, %dma_start3A_33, %dma_start3A_34] : memref<16x50x32xf32, #tpu.memory_space<vmem>> -> memref<1x50x32xf32, #tpu.memory_space<vmem>>
    %dma_start3A_36 = tpu.memref_squeeze %dma_start3A_35 : memref<1x50x32xf32, #tpu.memory_space<vmem>> -> memref<50x32xf32, #tpu.memory_space<vmem>>
    %dma_start3A_37 = arith.constant 0 : i32
    %dma_start3A_38 = tpu.memref_slice %arg5[%dma_start3A_31, %dma_start3A_37] : memref<16x50xi32, #tpu.memory_space<vmem>> -> memref<1x50xi32, #tpu.memory_space<vmem>>
    %dma_start3A_39 = tpu.memref_squeeze %dma_start3A_38 : memref<1x50xi32, #tpu.memory_space<vmem>> -> memref<50xi32, #tpu.memory_space<vmem>>
    %dma_start3A_40 = arith.constant 0 : i32
    %dma_start3A_41 = arith.constant 0 : i32
    %dma_start3A_42 = tpu.memref_slice %arg3[%dma_start3A_40, %dma_start3A_41] : memref<1000000x32xf32, #tpu.memory_space<hbm>> -> memref<1000000x32xf32, #tpu.memory_space<hbm>>
    tpu.enqueue_indirect_dma source(%dma_start3A_42 : memref<1000000x32xf32, #tpu.memory_space<hbm>>) target(%dma_start3A_36 : memref<50x32xf32, #tpu.memory_space<vmem>>) offsets(%dma_start3A_39 : memref<50xi32, #tpu.memory_space<vmem>>) semaphore(%arg11 : memref<!tpu.dma_semaphore, #tpu.memory_space<semaphore_mem>>)
    %dma_start3A_43 = arith.constant 2 : i32
    %dma_start3A_44 = arith.constant 2 : i32
    %dma_start3A_45 = arith.constant 0 : i32
    %dma_start3A_46 = arith.constant 0 : i32
    %dma_start3A_47 = tpu.memref_slice %arg7[%dma_start3A_44, %dma_start3A_45, %dma_start3A_46] : memref<16x50x32xf32, #tpu.memory_space<vmem>> -> memref<1x50x32xf32, #tpu.memory_space<vmem>>
    %dma_start3A_48 = tpu.memref_squeeze %dma_start3A_47 : memref<1x50x32xf32, #tpu.memory_space<vmem>> -> memref<50x32xf32, #tpu.memory_space<vmem>>
    %dma_start3A_49 = arith.constant 0 : i32
    %dma_start3A_50 = tpu.memref_slice %arg5[%dma_start3A_43, %dma_start3A_49] : memref<16x50xi32, #tpu.memory_space<vmem>> -> memref<1x50xi32, #tpu.memory_space<vmem>>
    %dma_start3A_51 = tpu.memref_squeeze %dma_start3A_50 : memref<1x50xi32, #tpu.memory_space<vmem>> -> memref<50xi32, #tpu.memory_space<vmem>>
    %dma_start3A_52 = arith.constant 0 : i32
    %dma_start3A_53 = arith.constant 0 : i32
    %dma_start3A_54 = tpu.memref_slice %arg3[%dma_start3A_52, %dma_start3A_53] : memref<1000000x32xf32, #tpu.memory_space<hbm>> -> memref<1000000x32xf32, #tpu.memory_space<hbm>>
    tpu.enqueue_indirect_dma source(%dma_start3A_54 : memref<1000000x32xf32, #tpu.memory_space<hbm>>) target(%dma_start3A_48 : memref<50x32xf32, #tpu.memory_space<vmem>>) offsets(%dma_start3A_51 : memref<50xi32, #tpu.memory_space<vmem>>) semaphore(%arg11 : memref<!tpu.dma_semaphore, #tpu.memory_space<semaphore_mem>>)
    %dma_start3A_55 = arith.constant 3 : i32
    %dma_start3A_56 = arith.constant 3 : i32
    %dma_start3A_57 = arith.constant 0 : i32
    %dma_start3A_58 = arith.constant 0 : i32
    %dma_start3A_59 = tpu.memref_slice %arg7[%dma_start3A_56, %dma_start3A_57, %dma_start3A_58] : memref<16x50x32xf32, #tpu.memory_space<vmem>> -> memref<1x50x32xf32, #tpu.memory_space<vmem>>
    %dma_start3A_60 = tpu.memref_squeeze %dma_start3A_59 : memref<1x50x32xf32, #tpu.memory_space<vmem>> -> memref<50x32xf32, #tpu.memory_space<vmem>>
    %dma_start3A_61 = arith.constant 0 : i32
    %dma_start3A_62 = tpu.memref_slice %arg5[%dma_start3A_55, %dma_start3A_61] : memref<16x50xi32, #tpu.memory_space<vmem>> -> memref<1x50xi32, #tpu.memory_space<vmem>>
    %dma_start3A_63 = tpu.memref_squeeze %dma_start3A_62 : memref<1x50xi32, #tpu.memory_space<vmem>> -> memref<50xi32, #tpu.memory_space<vmem>>
    %dma_start3A_64 = arith.constant 0 : i32
    %dma_start3A_65 = arith.constant 0 : i32
    %dma_start3A_66 = tpu.memref_slice %arg3[%dma_start3A_64, %dma_start3A_65] : memref<1000000x32xf32, #tpu.memory_space<hbm>> -> memref<1000000x32xf32, #tpu.memory_space<hbm>>
    tpu.enqueue_indirect_dma source(%dma_start3A_66 : memref<1000000x32xf32, #tpu.memory_space<hbm>>) target(%dma_start3A_60 : memref<50x32xf32, #tpu.memory_space<vmem>>) offsets(%dma_start3A_63 : memref<50xi32, #tpu.memory_space<vmem>>) semaphore(%arg11 : memref<!tpu.dma_semaphore, #tpu.memory_space<semaphore_mem>>)
    %dma_start3A_67 = arith.constant 4 : i32
    %dma_start3A_68 = arith.constant 4 : i32
    %dma_start3A_69 = arith.constant 0 : i32
    %dma_start3A_70 = arith.constant 0 : i32
    %dma_start3A_71 = tpu.memref_slice %arg7[%dma_start3A_68, %dma_start3A_69, %dma_start3A_70] : memref<16x50x32xf32, #tpu.memory_space<vmem>> -> memref<1x50x32xf32, #tpu.memory_space<vmem>>
    %dma_start3A_72 = tpu.memref_squeeze %dma_start3A_71 : memref<1x50x32xf32, #tpu.memory_space<vmem>> -> memref<50x32xf32, #tpu.memory_space<vmem>>
    %dma_start3A_73 = arith.constant 0 : i32
    %dma_start3A_74 = tpu.memref_slice %arg5[%dma_start3A_67, %dma_start3A_73] : memref<16x50xi32, #tpu.memory_space<vmem>> -> memref<1x50xi32, #tpu.memory_space<vmem>>
    %dma_start3A_75 = tpu.memref_squeeze %dma_start3A_74 : memref<1x50xi32, #tpu.memory_space<vmem>> -> memref<50xi32, #tpu.memory_space<vmem>>
    %dma_start3A_76 = arith.constant 0 : i32
    %dma_start3A_77 = arith.constant 0 : i32
    %dma_start3A_78 = tpu.memref_slice %arg3[%dma_start3A_76, %dma_start3A_77] : memref<1000000x32xf32, #tpu.memory_space<hbm>> -> memref<1000000x32xf32, #tpu.memory_space<hbm>>
    tpu.enqueue_indirect_dma source(%dma_start3A_78 : memref<1000000x32xf32, #tpu.memory_space<hbm>>) target(%dma_start3A_72 : memref<50x32xf32, #tpu.memory_space<vmem>>) offsets(%dma_start3A_75 : memref<50xi32, #tpu.memory_space<vmem>>) semaphore(%arg11 : memref<!tpu.dma_semaphore, #tpu.memory_space<semaphore_mem>>)
    %dma_start3A_79 = arith.constant 5 : i32
    %dma_start3A_80 = arith.constant 5 : i32
    %dma_start3A_81 = arith.constant 0 : i32
    %dma_start3A_82 = arith.constant 0 : i32
    %dma_start3A_83 = tpu.memref_slice %arg7[%dma_start3A_80, %dma_start3A_81, %dma_start3A_82] : memref<16x50x32xf32, #tpu.memory_space<vmem>> -> memref<1x50x32xf32, #tpu.memory_space<vmem>>
    %dma_start3A_84 = tpu.memref_squeeze %dma_start3A_83 : memref<1x50x32xf32, #tpu.memory_space<vmem>> -> memref<50x32xf32, #tpu.memory_space<vmem>>
    %dma_start3A_85 = arith.constant 0 : i32
    %dma_start3A_86 = tpu.memref_slice %arg5[%dma_start3A_79, %dma_start3A_85] : memref<16x50xi32, #tpu.memory_space<vmem>> -> memref<1x50xi32, #tpu.memory_space<vmem>>
    %dma_start3A_87 = tpu.memref_squeeze %dma_start3A_86 : memref<1x50xi32, #tpu.memory_space<vmem>> -> memref<50xi32, #tpu.memory_space<vmem>>
    %dma_start3A_88 = arith.constant 0 : i32
    %dma_start3A_89 = arith.constant 0 : i32
    %dma_start3A_90 = tpu.memref_slice %arg3[%dma_start3A_88, %dma_start3A_89] : memref<1000000x32xf32, #tpu.memory_space<hbm>> -> memref<1000000x32xf32, #tpu.memory_space<hbm>>
    tpu.enqueue_indirect_dma source(%dma_start3A_90 : memref<1000000x32xf32, #tpu.memory_space<hbm>>) target(%dma_start3A_84 : memref<50x32xf32, #tpu.memory_space<vmem>>) offsets(%dma_start3A_87 : memref<50xi32, #tpu.memory_space<vmem>>) semaphore(%arg11 : memref<!tpu.dma_semaphore, #tpu.memory_space<semaphore_mem>>)
    %dma_start3A_91 = arith.constant 6 : i32
    %dma_start3A_92 = arith.constant 6 : i32
    %dma_start3A_93 = arith.constant 0 : i32
    %dma_start3A_94 = arith.constant 0 : i32
    %dma_start3A_95 = tpu.memref_slice %arg7[%dma_start3A_92, %dma_start3A_93, %dma_start3A_94] : memref<16x50x32xf32, #tpu.memory_space<vmem>> -> memref<1x50x32xf32, #tpu.memory_space<vmem>>
    %dma_start3A_96 = tpu.memref_squeeze %dma_start3A_95 : memref<1x50x32xf32, #tpu.memory_space<vmem>> -> memref<50x32xf32, #tpu.memory_space<vmem>>
    %dma_start3A_97 = arith.constant 0 : i32
    %dma_start3A_98 = tpu.memref_slice %arg5[%dma_start3A_91, %dma_start3A_97] : memref<16x50xi32, #tpu.memory_space<vmem>> -> memref<1x50xi32, #tpu.memory_space<vmem>>
    %dma_start3A_99 = tpu.memref_squeeze %dma_start3A_98 : memref<1x50xi32, #tpu.memory_space<vmem>> -> memref<50xi32, #tpu.memory_space<vmem>>
    %dma_start3A_100 = arith.constant 0 : i32
    %dma_start3A_101 = arith.constant 0 : i32
    %dma_start3A_102 = tpu.memref_slice %arg3[%dma_start3A_100, %dma_start3A_101] : memref<1000000x32xf32, #tpu.memory_space<hbm>> -> memref<1000000x32xf32, #tpu.memory_space<hbm>>
    tpu.enqueue_indirect_dma source(%dma_start3A_102 : memref<1000000x32xf32, #tpu.memory_space<hbm>>) target(%dma_start3A_96 : memref<50x32xf32, #tpu.memory_space<vmem>>) offsets(%dma_start3A_99 : memref<50xi32, #tpu.memory_space<vmem>>) semaphore(%arg11 : memref<!tpu.dma_semaphore, #tpu.memory_space<semaphore_mem>>)
    %dma_start3A_103 = arith.constant 7 : i32
    %dma_start3A_104 = arith.constant 7 : i32
    %dma_start3A_105 = arith.constant 0 : i32
    %dma_start3A_106 = arith.constant 0 : i32
    %dma_start3A_107 = tpu.memref_slice %arg7[%dma_start3A_104, %dma_start3A_105, %dma_start3A_106] : memref<16x50x32xf32, #tpu.memory_space<vmem>> -> memref<1x50x32xf32, #tpu.memory_space<vmem>>
    %dma_start3A_108 = tpu.memref_squeeze %dma_start3A_107 : memref<1x50x32xf32, #tpu.memory_space<vmem>> -> memref<50x32xf32, #tpu.memory_space<vmem>>
    %dma_start3A_109 = arith.constant 0 : i32
    %dma_start3A_110 = tpu.memref_slice %arg5[%dma_start3A_103, %dma_start3A_109] : memref<16x50xi32, #tpu.memory_space<vmem>> -> memref<1x50xi32, #tpu.memory_space<vmem>>
    %dma_start3A_111 = tpu.memref_squeeze %dma_start3A_110 : memref<1x50xi32, #tpu.memory_space<vmem>> -> memref<50xi32, #tpu.memory_space<vmem>>
    %dma_start3A_112 = arith.constant 0 : i32
    %dma_start3A_113 = arith.constant 0 : i32
    %dma_start3A_114 = tpu.memref_slice %arg3[%dma_start3A_112, %dma_start3A_113] : memref<1000000x32xf32, #tpu.memory_space<hbm>> -> memref<1000000x32xf32, #tpu.memory_space<hbm>>
    tpu.enqueue_indirect_dma source(%dma_start3A_114 : memref<1000000x32xf32, #tpu.memory_space<hbm>>) target(%dma_start3A_108 : memref<50x32xf32, #tpu.memory_space<vmem>>) offsets(%dma_start3A_111 : memref<50xi32, #tpu.memory_space<vmem>>) semaphore(%arg11 : memref<!tpu.dma_semaphore, #tpu.memory_space<semaphore_mem>>)
    %dma_start3A_115 = arith.constant 8 : i32
    %dma_start3A_116 = arith.constant 8 : i32
    %dma_start3A_117 = arith.constant 0 : i32
    %dma_start3A_118 = arith.constant 0 : i32
    %dma_start3A_119 = tpu.memref_slice %arg7[%dma_start3A_116, %dma_start3A_117, %dma_start3A_118] : memref<16x50x32xf32, #tpu.memory_space<vmem>> -> memref<1x50x32xf32, #tpu.memory_space<vmem>>
    %dma_start3A_120 = tpu.memref_squeeze %dma_start3A_119 : memref<1x50x32xf32, #tpu.memory_space<vmem>> -> memref<50x32xf32, #tpu.memory_space<vmem>>
    %dma_start3A_121 = arith.constant 0 : i32
    %dma_start3A_122 = tpu.memref_slice %arg5[%dma_start3A_115, %dma_start3A_121] : memref<16x50xi32, #tpu.memory_space<vmem>> -> memref<1x50xi32, #tpu.memory_space<vmem>>
    %dma_start3A_123 = tpu.memref_squeeze %dma_start3A_122 : memref<1x50xi32, #tpu.memory_space<vmem>> -> memref<50xi32, #tpu.memory_space<vmem>>
    %dma_start3A_124 = arith.constant 0 : i32
    %dma_start3A_125 = arith.constant 0 : i32
    %dma_start3A_126 = tpu.memref_slice %arg3[%dma_start3A_124, %dma_start3A_125] : memref<1000000x32xf32, #tpu.memory_space<hbm>> -> memref<1000000x32xf32, #tpu.memory_space<hbm>>
    tpu.enqueue_indirect_dma source(%dma_start3A_126 : memref<1000000x32xf32, #tpu.memory_space<hbm>>) target(%dma_start3A_120 : memref<50x32xf32, #tpu.memory_space<vmem>>) offsets(%dma_start3A_123 : memref<50xi32, #tpu.memory_space<vmem>>) semaphore(%arg11 : memref<!tpu.dma_semaphore, #tpu.memory_space<semaphore_mem>>)
    %dma_start3A_127 = arith.constant 9 : i32
    %dma_start3A_128 = arith.constant 9 : i32
    %dma_start3A_129 = arith.constant 0 : i32
    %dma_start3A_130 = arith.constant 0 : i32
    %dma_start3A_131 = tpu.memref_slice %arg7[%dma_start3A_128, %dma_start3A_129, %dma_start3A_130] : memref<16x50x32xf32, #tpu.memory_space<vmem>> -> memref<1x50x32xf32, #tpu.memory_space<vmem>>
    %dma_start3A_132 = tpu.memref_squeeze %dma_start3A_131 : memref<1x50x32xf32, #tpu.memory_space<vmem>> -> memref<50x32xf32, #tpu.memory_space<vmem>>
    %dma_start3A_133 = arith.constant 0 : i32
    %dma_start3A_134 = tpu.memref_slice %arg5[%dma_start3A_127, %dma_start3A_133] : memref<16x50xi32, #tpu.memory_space<vmem>> -> memref<1x50xi32, #tpu.memory_space<vmem>>
    %dma_start3A_135 = tpu.memref_squeeze %dma_start3A_134 : memref<1x50xi32, #tpu.memory_space<vmem>> -> memref<50xi32, #tpu.memory_space<vmem>>
    %dma_start3A_136 = arith.constant 0 : i32
    %dma_start3A_137 = arith.constant 0 : i32
    %dma_start3A_138 = tpu.memref_slice %arg3[%dma_start3A_136, %dma_start3A_137] : memref<1000000x32xf32, #tpu.memory_space<hbm>> -> memref<1000000x32xf32, #tpu.memory_space<hbm>>
    tpu.enqueue_indirect_dma source(%dma_start3A_138 : memref<1000000x32xf32, #tpu.memory_space<hbm>>) target(%dma_start3A_132 : memref<50x32xf32, #tpu.memory_space<vmem>>) offsets(%dma_start3A_135 : memref<50xi32, #tpu.memory_space<vmem>>) semaphore(%arg11 : memref<!tpu.dma_semaphore, #tpu.memory_space<semaphore_mem>>)
    %dma_start3A_139 = arith.constant 10 : i32
    %dma_start3A_140 = arith.constant 10 : i32
    %dma_start3A_141 = arith.constant 0 : i32
    %dma_start3A_142 = arith.constant 0 : i32
    %dma_start3A_143 = tpu.memref_slice %arg7[%dma_start3A_140, %dma_start3A_141, %dma_start3A_142] : memref<16x50x32xf32, #tpu.memory_space<vmem>> -> memref<1x50x32xf32, #tpu.memory_space<vmem>>
    %dma_start3A_144 = tpu.memref_squeeze %dma_start3A_143 : memref<1x50x32xf32, #tpu.memory_space<vmem>> -> memref<50x32xf32, #tpu.memory_space<vmem>>
    %dma_start3A_145 = arith.constant 0 : i32
    %dma_start3A_146 = tpu.memref_slice %arg5[%dma_start3A_139, %dma_start3A_145] : memref<16x50xi32, #tpu.memory_space<vmem>> -> memref<1x50xi32, #tpu.memory_space<vmem>>
    %dma_start3A_147 = tpu.memref_squeeze %dma_start3A_146 : memref<1x50xi32, #tpu.memory_space<vmem>> -> memref<50xi32, #tpu.memory_space<vmem>>
    %dma_start3A_148 = arith.constant 0 : i32
    %dma_start3A_149 = arith.constant 0 : i32
    %dma_start3A_150 = tpu.memref_slice %arg3[%dma_start3A_148, %dma_start3A_149] : memref<1000000x32xf32, #tpu.memory_space<hbm>> -> memref<1000000x32xf32, #tpu.memory_space<hbm>>
    tpu.enqueue_indirect_dma source(%dma_start3A_150 : memref<1000000x32xf32, #tpu.memory_space<hbm>>) target(%dma_start3A_144 : memref<50x32xf32, #tpu.memory_space<vmem>>) offsets(%dma_start3A_147 : memref<50xi32, #tpu.memory_space<vmem>>) semaphore(%arg11 : memref<!tpu.dma_semaphore, #tpu.memory_space<semaphore_mem>>)
    %dma_start3A_151 = arith.constant 11 : i32
    %dma_start3A_152 = arith.constant 11 : i32
    %dma_start3A_153 = arith.constant 0 : i32
    %dma_start3A_154 = arith.constant 0 : i32
    %dma_start3A_155 = tpu.memref_slice %arg7[%dma_start3A_152, %dma_start3A_153, %dma_start3A_154] : memref<16x50x32xf32, #tpu.memory_space<vmem>> -> memref<1x50x32xf32, #tpu.memory_space<vmem>>
    %dma_start3A_156 = tpu.memref_squeeze %dma_start3A_155 : memref<1x50x32xf32, #tpu.memory_space<vmem>> -> memref<50x32xf32, #tpu.memory_space<vmem>>
    %dma_start3A_157 = arith.constant 0 : i32
    %dma_start3A_158 = tpu.memref_slice %arg5[%dma_start3A_151, %dma_start3A_157] : memref<16x50xi32, #tpu.memory_space<vmem>> -> memref<1x50xi32, #tpu.memory_space<vmem>>
    %dma_start3A_159 = tpu.memref_squeeze %dma_start3A_158 : memref<1x50xi32, #tpu.memory_space<vmem>> -> memref<50xi32, #tpu.memory_space<vmem>>
    %dma_start3A_160 = arith.constant 0 : i32
    %dma_start3A_161 = arith.constant 0 : i32
    %dma_start3A_162 = tpu.memref_slice %arg3[%dma_start3A_160, %dma_start3A_161] : memref<1000000x32xf32, #tpu.memory_space<hbm>> -> memref<1000000x32xf32, #tpu.memory_space<hbm>>
    tpu.enqueue_indirect_dma source(%dma_start3A_162 : memref<1000000x32xf32, #tpu.memory_space<hbm>>) target(%dma_start3A_156 : memref<50x32xf32, #tpu.memory_space<vmem>>) offsets(%dma_start3A_159 : memref<50xi32, #tpu.memory_space<vmem>>) semaphore(%arg11 : memref<!tpu.dma_semaphore, #tpu.memory_space<semaphore_mem>>)
    %dma_start3A_163 = arith.constant 12 : i32
    %dma_start3A_164 = arith.constant 12 : i32
    %dma_start3A_165 = arith.constant 0 : i32
    %dma_start3A_166 = arith.constant 0 : i32
    %dma_start3A_167 = tpu.memref_slice %arg7[%dma_start3A_164, %dma_start3A_165, %dma_start3A_166] : memref<16x50x32xf32, #tpu.memory_space<vmem>> -> memref<1x50x32xf32, #tpu.memory_space<vmem>>
    %dma_start3A_168 = tpu.memref_squeeze %dma_start3A_167 : memref<1x50x32xf32, #tpu.memory_space<vmem>> -> memref<50x32xf32, #tpu.memory_space<vmem>>
    %dma_start3A_169 = arith.constant 0 : i32
    %dma_start3A_170 = tpu.memref_slice %arg5[%dma_start3A_163, %dma_start3A_169] : memref<16x50xi32, #tpu.memory_space<vmem>> -> memref<1x50xi32, #tpu.memory_space<vmem>>
    %dma_start3A_171 = tpu.memref_squeeze %dma_start3A_170 : memref<1x50xi32, #tpu.memory_space<vmem>> -> memref<50xi32, #tpu.memory_space<vmem>>
    %dma_start3A_172 = arith.constant 0 : i32
    %dma_start3A_173 = arith.constant 0 : i32
    %dma_start3A_174 = tpu.memref_slice %arg3[%dma_start3A_172, %dma_start3A_173] : memref<1000000x32xf32, #tpu.memory_space<hbm>> -> memref<1000000x32xf32, #tpu.memory_space<hbm>>
    tpu.enqueue_indirect_dma source(%dma_start3A_174 : memref<1000000x32xf32, #tpu.memory_space<hbm>>) target(%dma_start3A_168 : memref<50x32xf32, #tpu.memory_space<vmem>>) offsets(%dma_start3A_171 : memref<50xi32, #tpu.memory_space<vmem>>) semaphore(%arg11 : memref<!tpu.dma_semaphore, #tpu.memory_space<semaphore_mem>>)
    %dma_start3A_175 = arith.constant 13 : i32
    %dma_start3A_176 = arith.constant 13 : i32
    %dma_start3A_177 = arith.constant 0 : i32
    %dma_start3A_178 = arith.constant 0 : i32
    %dma_start3A_179 = tpu.memref_slice %arg7[%dma_start3A_176, %dma_start3A_177, %dma_start3A_178] : memref<16x50x32xf32, #tpu.memory_space<vmem>> -> memref<1x50x32xf32, #tpu.memory_space<vmem>>
    %dma_start3A_180 = tpu.memref_squeeze %dma_start3A_179 : memref<1x50x32xf32, #tpu.memory_space<vmem>> -> memref<50x32xf32, #tpu.memory_space<vmem>>
    %dma_start3A_181 = arith.constant 0 : i32
    %dma_start3A_182 = tpu.memref_slice %arg5[%dma_start3A_175, %dma_start3A_181] : memref<16x50xi32, #tpu.memory_space<vmem>> -> memref<1x50xi32, #tpu.memory_space<vmem>>
    %dma_start3A_183 = tpu.memref_squeeze %dma_start3A_182 : memref<1x50xi32, #tpu.memory_space<vmem>> -> memref<50xi32, #tpu.memory_space<vmem>>
    %dma_start3A_184 = arith.constant 0 : i32
    %dma_start3A_185 = arith.constant 0 : i32
    %dma_start3A_186 = tpu.memref_slice %arg3[%dma_start3A_184, %dma_start3A_185] : memref<1000000x32xf32, #tpu.memory_space<hbm>> -> memref<1000000x32xf32, #tpu.memory_space<hbm>>
    tpu.enqueue_indirect_dma source(%dma_start3A_186 : memref<1000000x32xf32, #tpu.memory_space<hbm>>) target(%dma_start3A_180 : memref<50x32xf32, #tpu.memory_space<vmem>>) offsets(%dma_start3A_183 : memref<50xi32, #tpu.memory_space<vmem>>) semaphore(%arg11 : memref<!tpu.dma_semaphore, #tpu.memory_space<semaphore_mem>>)
    %dma_start3A_187 = arith.constant 14 : i32
    %dma_start3A_188 = arith.constant 14 : i32
    %dma_start3A_189 = arith.constant 0 : i32
    %dma_start3A_190 = arith.constant 0 : i32
    %dma_start3A_191 = tpu.memref_slice %arg7[%dma_start3A_188, %dma_start3A_189, %dma_start3A_190] : memref<16x50x32xf32, #tpu.memory_space<vmem>> -> memref<1x50x32xf32, #tpu.memory_space<vmem>>
    %dma_start3A_192 = tpu.memref_squeeze %dma_start3A_191 : memref<1x50x32xf32, #tpu.memory_space<vmem>> -> memref<50x32xf32, #tpu.memory_space<vmem>>
    %dma_start3A_193 = arith.constant 0 : i32
    %dma_start3A_194 = tpu.memref_slice %arg5[%dma_start3A_187, %dma_start3A_193] : memref<16x50xi32, #tpu.memory_space<vmem>> -> memref<1x50xi32, #tpu.memory_space<vmem>>
    %dma_start3A_195 = tpu.memref_squeeze %dma_start3A_194 : memref<1x50xi32, #tpu.memory_space<vmem>> -> memref<50xi32, #tpu.memory_space<vmem>>
    %dma_start3A_196 = arith.constant 0 : i32
    %dma_start3A_197 = arith.constant 0 : i32
    %dma_start3A_198 = tpu.memref_slice %arg3[%dma_start3A_196, %dma_start3A_197] : memref<1000000x32xf32, #tpu.memory_space<hbm>> -> memref<1000000x32xf32, #tpu.memory_space<hbm>>
    tpu.enqueue_indirect_dma source(%dma_start3A_198 : memref<1000000x32xf32, #tpu.memory_space<hbm>>) target(%dma_start3A_192 : memref<50x32xf32, #tpu.memory_space<vmem>>) offsets(%dma_start3A_195 : memref<50xi32, #tpu.memory_space<vmem>>) semaphore(%arg11 : memref<!tpu.dma_semaphore, #tpu.memory_space<semaphore_mem>>)
    %dma_start3A_199 = arith.constant 15 : i32
    %dma_start3A_200 = arith.constant 15 : i32
    %dma_start3A_201 = arith.constant 0 : i32
    %dma_start3A_202 = arith.constant 0 : i32
    %dma_start3A_203 = tpu.memref_slice %arg7[%dma_start3A_200, %dma_start3A_201, %dma_start3A_202] : memref<16x50x32xf32, #tpu.memory_space<vmem>> -> memref<1x50x32xf32, #tpu.memory_space<vmem>>
    %dma_start3A_204 = tpu.memref_squeeze %dma_start3A_203 : memref<1x50x32xf32, #tpu.memory_space<vmem>> -> memref<50x32xf32, #tpu.memory_space<vmem>>
    %dma_start3A_205 = arith.constant 0 : i32
    %dma_start3A_206 = tpu.memref_slice %arg5[%dma_start3A_199, %dma_start3A_205] : memref<16x50xi32, #tpu.memory_space<vmem>> -> memref<1x50xi32, #tpu.memory_space<vmem>>
    %dma_start3A_207 = tpu.memref_squeeze %dma_start3A_206 : memref<1x50xi32, #tpu.memory_space<vmem>> -> memref<50xi32, #tpu.memory_space<vmem>>
    %dma_start3A_208 = arith.constant 0 : i32
    %dma_start3A_209 = arith.constant 0 : i32
    %dma_start3A_210 = tpu.memref_slice %arg3[%dma_start3A_208, %dma_start3A_209] : memref<1000000x32xf32, #tpu.memory_space<hbm>> -> memref<1000000x32xf32, #tpu.memory_space<hbm>>
    tpu.enqueue_indirect_dma source(%dma_start3A_210 : memref<1000000x32xf32, #tpu.memory_space<hbm>>) target(%dma_start3A_204 : memref<50x32xf32, #tpu.memory_space<vmem>>) offsets(%dma_start3A_207 : memref<50xi32, #tpu.memory_space<vmem>>) semaphore(%arg11 : memref<!tpu.dma_semaphore, #tpu.memory_space<semaphore_mem>>)
    %add3A_211 = arith.constant 16 : i32
    %add3A_212 = arith.addi %mul3A_2, %add3A_211 : i32
    %dma_wait3A_213 = arith.constant 0 : i32
    %dma_wait3A_214 = tpu.memref_slice %arg2[%add3A_212, %dma_wait3A_213] : memref<16384x50xi32, #tpu.memory_space<hbm>> -> memref<16x50xi32, #tpu.memory_space<hbm>>
    %dma_wait3A_215 = arith.constant 0 : i32
    %dma_wait3A_216 = tpu.memref_slice %arg2[%add3A_212, %dma_wait3A_215] : memref<16384x50xi32, #tpu.memory_space<hbm>> -> memref<16x50xi32, #tpu.memory_space<hbm>>
    tpu.wait_dma2 semaphore(%arg10 : memref<!tpu.dma_semaphore, #tpu.memory_space<semaphore_mem>>) src(%dma_wait3A_216 : memref<16x50xi32, #tpu.memory_space<hbm>>) dst(%arg6 : memref<16x50xi32, #tpu.memory_space<vmem>>)
    %dma_start3A_217 = arith.constant 0 : i32
    %dma_start3A_218 = arith.constant 0 : i32
    %dma_start3A_219 = arith.constant 0 : i32
    %dma_start3A_220 = arith.constant 0 : i32
    %dma_start3A_221 = tpu.memref_slice %arg8[%dma_start3A_218, %dma_start3A_219, %dma_start3A_220] : memref<16x50x32xf32, #tpu.memory_space<vmem>> -> memref<1x50x32xf32, #tpu.memory_space<vmem>>
    %dma_start3A_222 = tpu.memref_squeeze %dma_start3A_221 : memref<1x50x32xf32, #tpu.memory_space<vmem>> -> memref<50x32xf32, #tpu.memory_space<vmem>>
    %dma_start3A_223 = arith.constant 0 : i32
    %dma_start3A_224 = tpu.memref_slice %arg6[%dma_start3A_217, %dma_start3A_223] : memref<16x50xi32, #tpu.memory_space<vmem>> -> memref<1x50xi32, #tpu.memory_space<vmem>>
    %dma_start3A_225 = tpu.memref_squeeze %dma_start3A_224 : memref<1x50xi32, #tpu.memory_space<vmem>> -> memref<50xi32, #tpu.memory_space<vmem>>
    %dma_start3A_226 = arith.constant 0 : i32
    %dma_start3A_227 = arith.constant 0 : i32
    %dma_start3A_228 = tpu.memref_slice %arg3[%dma_start3A_226, %dma_start3A_227] : memref<1000000x32xf32, #tpu.memory_space<hbm>> -> memref<1000000x32xf32, #tpu.memory_space<hbm>>
    tpu.enqueue_indirect_dma source(%dma_start3A_228 : memref<1000000x32xf32, #tpu.memory_space<hbm>>) target(%dma_start3A_222 : memref<50x32xf32, #tpu.memory_space<vmem>>) offsets(%dma_start3A_225 : memref<50xi32, #tpu.memory_space<vmem>>) semaphore(%arg12 : memref<!tpu.dma_semaphore, #tpu.memory_space<semaphore_mem>>)
    %dma_start3A_229 = arith.constant 1 : i32
    %dma_start3A_230 = arith.constant 1 : i32
    %dma_start3A_231 = arith.constant 0 : i32
    %dma_start3A_232 = arith.constant 0 : i32
    %dma_start3A_233 = tpu.memref_slice %arg8[%dma_start3A_230, %dma_start3A_231, %dma_start3A_232] : memref<16x50x32xf32, #tpu.memory_space<vmem>> -> memref<1x50x32xf32, #tpu.memory_space<vmem>>
    %dma_start3A_234 = tpu.memref_squeeze %dma_start3A_233 : memref<1x50x32xf32, #tpu.memory_space<vmem>> -> memref<50x32xf32, #tpu.memory_space<vmem>>
    %dma_start3A_235 = arith.constant 0 : i32
    %dma_start3A_236 = tpu.memref_slice %arg6[%dma_start3A_229, %dma_start3A_235] : memref<16x50xi32, #tpu.memory_space<vmem>> -> memref<1x50xi32, #tpu.memory_space<vmem>>
    %dma_start3A_237 = tpu.memref_squeeze %dma_start3A_236 : memref<1x50xi32, #tpu.memory_space<vmem>> -> memref<50xi32, #tpu.memory_space<vmem>>
    %dma_start3A_238 = arith.constant 0 : i32
    %dma_start3A_239 = arith.constant 0 : i32
    %dma_start3A_240 = tpu.memref_slice %arg3[%dma_start3A_238, %dma_start3A_239] : memref<1000000x32xf32, #tpu.memory_space<hbm>> -> memref<1000000x32xf32, #tpu.memory_space<hbm>>
    tpu.enqueue_indirect_dma source(%dma_start3A_240 : memref<1000000x32xf32, #tpu.memory_space<hbm>>) target(%dma_start3A_234 : memref<50x32xf32, #tpu.memory_space<vmem>>) offsets(%dma_start3A_237 : memref<50xi32, #tpu.memory_space<vmem>>) semaphore(%arg12 : memref<!tpu.dma_semaphore, #tpu.memory_space<semaphore_mem>>)
    %dma_start3A_241 = arith.constant 2 : i32
    %dma_start3A_242 = arith.constant 2 : i32
    %dma_start3A_243 = arith.constant 0 : i32
    %dma_start3A_244 = arith.constant 0 : i32
    %dma_start3A_245 = tpu.memref_slice %arg8[%dma_start3A_242, %dma_start3A_243, %dma_start3A_244] : memref<16x50x32xf32, #tpu.memory_space<vmem>> -> memref<1x50x32xf32, #tpu.memory_space<vmem>>
    %dma_start3A_246 = tpu.memref_squeeze %dma_start3A_245 : memref<1x50x32xf32, #tpu.memory_space<vmem>> -> memref<50x32xf32, #tpu.memory_space<vmem>>
    %dma_start3A_247 = arith.constant 0 : i32
    %dma_start3A_248 = tpu.memref_slice %arg6[%dma_start3A_241, %dma_start3A_247] : memref<16x50xi32, #tpu.memory_space<vmem>> -> memref<1x50xi32, #tpu.memory_space<vmem>>
    %dma_start3A_249 = tpu.memref_squeeze %dma_start3A_248 : memref<1x50xi32, #tpu.memory_space<vmem>> -> memref<50xi32, #tpu.memory_space<vmem>>
    %dma_start3A_250 = arith.constant 0 : i32
    %dma_start3A_251 = arith.constant 0 : i32
    %dma_start3A_252 = tpu.memref_slice %arg3[%dma_start3A_250, %dma_start3A_251] : memref<1000000x32xf32, #tpu.memory_space<hbm>> -> memref<1000000x32xf32, #tpu.memory_space<hbm>>
    tpu.enqueue_indirect_dma source(%dma_start3A_252 : memref<1000000x32xf32, #tpu.memory_space<hbm>>) target(%dma_start3A_246 : memref<50x32xf32, #tpu.memory_space<vmem>>) offsets(%dma_start3A_249 : memref<50xi32, #tpu.memory_space<vmem>>) semaphore(%arg12 : memref<!tpu.dma_semaphore, #tpu.memory_space<semaphore_mem>>)
    %dma_start3A_253 = arith.constant 3 : i32
    %dma_start3A_254 = arith.constant 3 : i32
    %dma_start3A_255 = arith.constant 0 : i32
    %dma_start3A_256 = arith.constant 0 : i32
    %dma_start3A_257 = tpu.memref_slice %arg8[%dma_start3A_254, %dma_start3A_255, %dma_start3A_256] : memref<16x50x32xf32, #tpu.memory_space<vmem>> -> memref<1x50x32xf32, #tpu.memory_space<vmem>>
    %dma_start3A_258 = tpu.memref_squeeze %dma_start3A_257 : memref<1x50x32xf32, #tpu.memory_space<vmem>> -> memref<50x32xf32, #tpu.memory_space<vmem>>
    %dma_start3A_259 = arith.constant 0 : i32
    %dma_start3A_260 = tpu.memref_slice %arg6[%dma_start3A_253, %dma_start3A_259] : memref<16x50xi32, #tpu.memory_space<vmem>> -> memref<1x50xi32, #tpu.memory_space<vmem>>
    %dma_start3A_261 = tpu.memref_squeeze %dma_start3A_260 : memref<1x50xi32, #tpu.memory_space<vmem>> -> memref<50xi32, #tpu.memory_space<vmem>>
    %dma_start3A_262 = arith.constant 0 : i32
    %dma_start3A_263 = arith.constant 0 : i32
    %dma_start3A_264 = tpu.memref_slice %arg3[%dma_start3A_262, %dma_start3A_263] : memref<1000000x32xf32, #tpu.memory_space<hbm>> -> memref<1000000x32xf32, #tpu.memory_space<hbm>>
    tpu.enqueue_indirect_dma source(%dma_start3A_264 : memref<1000000x32xf32, #tpu.memory_space<hbm>>) target(%dma_start3A_258 : memref<50x32xf32, #tpu.memory_space<vmem>>) offsets(%dma_start3A_261 : memref<50xi32, #tpu.memory_space<vmem>>) semaphore(%arg12 : memref<!tpu.dma_semaphore, #tpu.memory_space<semaphore_mem>>)
    %dma_start3A_265 = arith.constant 4 : i32
    %dma_start3A_266 = arith.constant 4 : i32
    %dma_start3A_267 = arith.constant 0 : i32
    %dma_start3A_268 = arith.constant 0 : i32
    %dma_start3A_269 = tpu.memref_slice %arg8[%dma_start3A_266, %dma_start3A_267, %dma_start3A_268] : memref<16x50x32xf32, #tpu.memory_space<vmem>> -> memref<1x50x32xf32, #tpu.memory_space<vmem>>
    %dma_start3A_270 = tpu.memref_squeeze %dma_start3A_269 : memref<1x50x32xf32, #tpu.memory_space<vmem>> -> memref<50x32xf32, #tpu.memory_space<vmem>>
    %dma_start3A_271 = arith.constant 0 : i32
    %dma_start3A_272 = tpu.memref_slice %arg6[%dma_start3A_265, %dma_start3A_271] : memref<16x50xi32, #tpu.memory_space<vmem>> -> memref<1x50xi32, #tpu.memory_space<vmem>>
    %dma_start3A_273 = tpu.memref_squeeze %dma_start3A_272 : memref<1x50xi32, #tpu.memory_space<vmem>> -> memref<50xi32, #tpu.memory_space<vmem>>
    %dma_start3A_274 = arith.constant 0 : i32
    %dma_start3A_275 = arith.constant 0 : i32
    %dma_start3A_276 = tpu.memref_slice %arg3[%dma_start3A_274, %dma_start3A_275] : memref<1000000x32xf32, #tpu.memory_space<hbm>> -> memref<1000000x32xf32, #tpu.memory_space<hbm>>
    tpu.enqueue_indirect_dma source(%dma_start3A_276 : memref<1000000x32xf32, #tpu.memory_space<hbm>>) target(%dma_start3A_270 : memref<50x32xf32, #tpu.memory_space<vmem>>) offsets(%dma_start3A_273 : memref<50xi32, #tpu.memory_space<vmem>>) semaphore(%arg12 : memref<!tpu.dma_semaphore, #tpu.memory_space<semaphore_mem>>)
    %dma_start3A_277 = arith.constant 5 : i32
    %dma_start3A_278 = arith.constant 5 : i32
    %dma_start3A_279 = arith.constant 0 : i32
    %dma_start3A_280 = arith.constant 0 : i32
    %dma_start3A_281 = tpu.memref_slice %arg8[%dma_start3A_278, %dma_start3A_279, %dma_start3A_280] : memref<16x50x32xf32, #tpu.memory_space<vmem>> -> memref<1x50x32xf32, #tpu.memory_space<vmem>>
    %dma_start3A_282 = tpu.memref_squeeze %dma_start3A_281 : memref<1x50x32xf32, #tpu.memory_space<vmem>> -> memref<50x32xf32, #tpu.memory_space<vmem>>
    %dma_start3A_283 = arith.constant 0 : i32
    %dma_start3A_284 = tpu.memref_slice %arg6[%dma_start3A_277, %dma_start3A_283] : memref<16x50xi32, #tpu.memory_space<vmem>> -> memref<1x50xi32, #tpu.memory_space<vmem>>
    %dma_start3A_285 = tpu.memref_squeeze %dma_start3A_284 : memref<1x50xi32, #tpu.memory_space<vmem>> -> memref<50xi32, #tpu.memory_space<vmem>>
    %dma_start3A_286 = arith.constant 0 : i32
    %dma_start3A_287 = arith.constant 0 : i32
    %dma_start3A_288 = tpu.memref_slice %arg3[%dma_start3A_286, %dma_start3A_287] : memref<1000000x32xf32, #tpu.memory_space<hbm>> -> memref<1000000x32xf32, #tpu.memory_space<hbm>>
    tpu.enqueue_indirect_dma source(%dma_start3A_288 : memref<1000000x32xf32, #tpu.memory_space<hbm>>) target(%dma_start3A_282 : memref<50x32xf32, #tpu.memory_space<vmem>>) offsets(%dma_start3A_285 : memref<50xi32, #tpu.memory_space<vmem>>) semaphore(%arg12 : memref<!tpu.dma_semaphore, #tpu.memory_space<semaphore_mem>>)
    %dma_start3A_289 = arith.constant 6 : i32
    %dma_start3A_290 = arith.constant 6 : i32
    %dma_start3A_291 = arith.constant 0 : i32
    %dma_start3A_292 = arith.constant 0 : i32
    %dma_start3A_293 = tpu.memref_slice %arg8[%dma_start3A_290, %dma_start3A_291, %dma_start3A_292] : memref<16x50x32xf32, #tpu.memory_space<vmem>> -> memref<1x50x32xf32, #tpu.memory_space<vmem>>
    %dma_start3A_294 = tpu.memref_squeeze %dma_start3A_293 : memref<1x50x32xf32, #tpu.memory_space<vmem>> -> memref<50x32xf32, #tpu.memory_space<vmem>>
    %dma_start3A_295 = arith.constant 0 : i32
    %dma_start3A_296 = tpu.memref_slice %arg6[%dma_start3A_289, %dma_start3A_295] : memref<16x50xi32, #tpu.memory_space<vmem>> -> memref<1x50xi32, #tpu.memory_space<vmem>>
    %dma_start3A_297 = tpu.memref_squeeze %dma_start3A_296 : memref<1x50xi32, #tpu.memory_space<vmem>> -> memref<50xi32, #tpu.memory_space<vmem>>
    %dma_start3A_298 = arith.constant 0 : i32
    %dma_start3A_299 = arith.constant 0 : i32
    %dma_start3A_300 = tpu.memref_slice %arg3[%dma_start3A_298, %dma_start3A_299] : memref<1000000x32xf32, #tpu.memory_space<hbm>> -> memref<1000000x32xf32, #tpu.memory_space<hbm>>
    tpu.enqueue_indirect_dma source(%dma_start3A_300 : memref<1000000x32xf32, #tpu.memory_space<hbm>>) target(%dma_start3A_294 : memref<50x32xf32, #tpu.memory_space<vmem>>) offsets(%dma_start3A_297 : memref<50xi32, #tpu.memory_space<vmem>>) semaphore(%arg12 : memref<!tpu.dma_semaphore, #tpu.memory_space<semaphore_mem>>)
    %dma_start3A_301 = arith.constant 7 : i32
    %dma_start3A_302 = arith.constant 7 : i32
    %dma_start3A_303 = arith.constant 0 : i32
    %dma_start3A_304 = arith.constant 0 : i32
    %dma_start3A_305 = tpu.memref_slice %arg8[%dma_start3A_302, %dma_start3A_303, %dma_start3A_304] : memref<16x50x32xf32, #tpu.memory_space<vmem>> -> memref<1x50x32xf32, #tpu.memory_space<vmem>>
    %dma_start3A_306 = tpu.memref_squeeze %dma_start3A_305 : memref<1x50x32xf32, #tpu.memory_space<vmem>> -> memref<50x32xf32, #tpu.memory_space<vmem>>
    %dma_start3A_307 = arith.constant 0 : i32
    %dma_start3A_308 = tpu.memref_slice %arg6[%dma_start3A_301, %dma_start3A_307] : memref<16x50xi32, #tpu.memory_space<vmem>> -> memref<1x50xi32, #tpu.memory_space<vmem>>
    %dma_start3A_309 = tpu.memref_squeeze %dma_start3A_308 : memref<1x50xi32, #tpu.memory_space<vmem>> -> memref<50xi32, #tpu.memory_space<vmem>>
    %dma_start3A_310 = arith.constant 0 : i32
    %dma_start3A_311 = arith.constant 0 : i32
    %dma_start3A_312 = tpu.memref_slice %arg3[%dma_start3A_310, %dma_start3A_311] : memref<1000000x32xf32, #tpu.memory_space<hbm>> -> memref<1000000x32xf32, #tpu.memory_space<hbm>>
    tpu.enqueue_indirect_dma source(%dma_start3A_312 : memref<1000000x32xf32, #tpu.memory_space<hbm>>) target(%dma_start3A_306 : memref<50x32xf32, #tpu.memory_space<vmem>>) offsets(%dma_start3A_309 : memref<50xi32, #tpu.memory_space<vmem>>) semaphore(%arg12 : memref<!tpu.dma_semaphore, #tpu.memory_space<semaphore_mem>>)
    %dma_start3A_313 = arith.constant 8 : i32
    %dma_start3A_314 = arith.constant 8 : i32
    %dma_start3A_315 = arith.constant 0 : i32
    %dma_start3A_316 = arith.constant 0 : i32
    %dma_start3A_317 = tpu.memref_slice %arg8[%dma_start3A_314, %dma_start3A_315, %dma_start3A_316] : memref<16x50x32xf32, #tpu.memory_space<vmem>> -> memref<1x50x32xf32, #tpu.memory_space<vmem>>
    %dma_start3A_318 = tpu.memref_squeeze %dma_start3A_317 : memref<1x50x32xf32, #tpu.memory_space<vmem>> -> memref<50x32xf32, #tpu.memory_space<vmem>>
    %dma_start3A_319 = arith.constant 0 : i32
    %dma_start3A_320 = tpu.memref_slice %arg6[%dma_start3A_313, %dma_start3A_319] : memref<16x50xi32, #tpu.memory_space<vmem>> -> memref<1x50xi32, #tpu.memory_space<vmem>>
    %dma_start3A_321 = tpu.memref_squeeze %dma_start3A_320 : memref<1x50xi32, #tpu.memory_space<vmem>> -> memref<50xi32, #tpu.memory_space<vmem>>
    %dma_start3A_322 = arith.constant 0 : i32
    %dma_start3A_323 = arith.constant 0 : i32
    %dma_start3A_324 = tpu.memref_slice %arg3[%dma_start3A_322, %dma_start3A_323] : memref<1000000x32xf32, #tpu.memory_space<hbm>> -> memref<1000000x32xf32, #tpu.memory_space<hbm>>
    tpu.enqueue_indirect_dma source(%dma_start3A_324 : memref<1000000x32xf32, #tpu.memory_space<hbm>>) target(%dma_start3A_318 : memref<50x32xf32, #tpu.memory_space<vmem>>) offsets(%dma_start3A_321 : memref<50xi32, #tpu.memory_space<vmem>>) semaphore(%arg12 : memref<!tpu.dma_semaphore, #tpu.memory_space<semaphore_mem>>)
    %dma_start3A_325 = arith.constant 9 : i32
    %dma_start3A_326 = arith.constant 9 : i32
    %dma_start3A_327 = arith.constant 0 : i32
    %dma_start3A_328 = arith.constant 0 : i32
    %dma_start3A_329 = tpu.memref_slice %arg8[%dma_start3A_326, %dma_start3A_327, %dma_start3A_328] : memref<16x50x32xf32, #tpu.memory_space<vmem>> -> memref<1x50x32xf32, #tpu.memory_space<vmem>>
    %dma_start3A_330 = tpu.memref_squeeze %dma_start3A_329 : memref<1x50x32xf32, #tpu.memory_space<vmem>> -> memref<50x32xf32, #tpu.memory_space<vmem>>
    %dma_start3A_331 = arith.constant 0 : i32
    %dma_start3A_332 = tpu.memref_slice %arg6[%dma_start3A_325, %dma_start3A_331] : memref<16x50xi32, #tpu.memory_space<vmem>> -> memref<1x50xi32, #tpu.memory_space<vmem>>
    %dma_start3A_333 = tpu.memref_squeeze %dma_start3A_332 : memref<1x50xi32, #tpu.memory_space<vmem>> -> memref<50xi32, #tpu.memory_space<vmem>>
    %dma_start3A_334 = arith.constant 0 : i32
    %dma_start3A_335 = arith.constant 0 : i32
    %dma_start3A_336 = tpu.memref_slice %arg3[%dma_start3A_334, %dma_start3A_335] : memref<1000000x32xf32, #tpu.memory_space<hbm>> -> memref<1000000x32xf32, #tpu.memory_space<hbm>>
    tpu.enqueue_indirect_dma source(%dma_start3A_336 : memref<1000000x32xf32, #tpu.memory_space<hbm>>) target(%dma_start3A_330 : memref<50x32xf32, #tpu.memory_space<vmem>>) offsets(%dma_start3A_333 : memref<50xi32, #tpu.memory_space<vmem>>) semaphore(%arg12 : memref<!tpu.dma_semaphore, #tpu.memory_space<semaphore_mem>>)
    %dma_start3A_337 = arith.constant 10 : i32
    %dma_start3A_338 = arith.constant 10 : i32
    %dma_start3A_339 = arith.constant 0 : i32
    %dma_start3A_340 = arith.constant 0 : i32
    %dma_start3A_341 = tpu.memref_slice %arg8[%dma_start3A_338, %dma_start3A_339, %dma_start3A_340] : memref<16x50x32xf32, #tpu.memory_space<vmem>> -> memref<1x50x32xf32, #tpu.memory_space<vmem>>
    %dma_start3A_342 = tpu.memref_squeeze %dma_start3A_341 : memref<1x50x32xf32, #tpu.memory_space<vmem>> -> memref<50x32xf32, #tpu.memory_space<vmem>>
    %dma_start3A_343 = arith.constant 0 : i32
    %dma_start3A_344 = tpu.memref_slice %arg6[%dma_start3A_337, %dma_start3A_343] : memref<16x50xi32, #tpu.memory_space<vmem>> -> memref<1x50xi32, #tpu.memory_space<vmem>>
    %dma_start3A_345 = tpu.memref_squeeze %dma_start3A_344 : memref<1x50xi32, #tpu.memory_space<vmem>> -> memref<50xi32, #tpu.memory_space<vmem>>
    %dma_start3A_346 = arith.constant 0 : i32
    %dma_start3A_347 = arith.constant 0 : i32
    %dma_start3A_348 = tpu.memref_slice %arg3[%dma_start3A_346, %dma_start3A_347] : memref<1000000x32xf32, #tpu.memory_space<hbm>> -> memref<1000000x32xf32, #tpu.memory_space<hbm>>
    tpu.enqueue_indirect_dma source(%dma_start3A_348 : memref<1000000x32xf32, #tpu.memory_space<hbm>>) target(%dma_start3A_342 : memref<50x32xf32, #tpu.memory_space<vmem>>) offsets(%dma_start3A_345 : memref<50xi32, #tpu.memory_space<vmem>>) semaphore(%arg12 : memref<!tpu.dma_semaphore, #tpu.memory_space<semaphore_mem>>)
    %dma_start3A_349 = arith.constant 11 : i32
    %dma_start3A_350 = arith.constant 11 : i32
    %dma_start3A_351 = arith.constant 0 : i32
    %dma_start3A_352 = arith.constant 0 : i32
    %dma_start3A_353 = tpu.memref_slice %arg8[%dma_start3A_350, %dma_start3A_351, %dma_start3A_352] : memref<16x50x32xf32, #tpu.memory_space<vmem>> -> memref<1x50x32xf32, #tpu.memory_space<vmem>>
    %dma_start3A_354 = tpu.memref_squeeze %dma_start3A_353 : memref<1x50x32xf32, #tpu.memory_space<vmem>> -> memref<50x32xf32, #tpu.memory_space<vmem>>
    %dma_start3A_355 = arith.constant 0 : i32
    %dma_start3A_356 = tpu.memref_slice %arg6[%dma_start3A_349, %dma_start3A_355] : memref<16x50xi32, #tpu.memory_space<vmem>> -> memref<1x50xi32, #tpu.memory_space<vmem>>
    %dma_start3A_357 = tpu.memref_squeeze %dma_start3A_356 : memref<1x50xi32, #tpu.memory_space<vmem>> -> memref<50xi32, #tpu.memory_space<vmem>>
    %dma_start3A_358 = arith.constant 0 : i32
    %dma_start3A_359 = arith.constant 0 : i32
    %dma_start3A_360 = tpu.memref_slice %arg3[%dma_start3A_358, %dma_start3A_359] : memref<1000000x32xf32, #tpu.memory_space<hbm>> -> memref<1000000x32xf32, #tpu.memory_space<hbm>>
    tpu.enqueue_indirect_dma source(%dma_start3A_360 : memref<1000000x32xf32, #tpu.memory_space<hbm>>) target(%dma_start3A_354 : memref<50x32xf32, #tpu.memory_space<vmem>>) offsets(%dma_start3A_357 : memref<50xi32, #tpu.memory_space<vmem>>) semaphore(%arg12 : memref<!tpu.dma_semaphore, #tpu.memory_space<semaphore_mem>>)
    %dma_start3A_361 = arith.constant 12 : i32
    %dma_start3A_362 = arith.constant 12 : i32
    %dma_start3A_363 = arith.constant 0 : i32
    %dma_start3A_364 = arith.constant 0 : i32
    %dma_start3A_365 = tpu.memref_slice %arg8[%dma_start3A_362, %dma_start3A_363, %dma_start3A_364] : memref<16x50x32xf32, #tpu.memory_space<vmem>> -> memref<1x50x32xf32, #tpu.memory_space<vmem>>
    %dma_start3A_366 = tpu.memref_squeeze %dma_start3A_365 : memref<1x50x32xf32, #tpu.memory_space<vmem>> -> memref<50x32xf32, #tpu.memory_space<vmem>>
    %dma_start3A_367 = arith.constant 0 : i32
    %dma_start3A_368 = tpu.memref_slice %arg6[%dma_start3A_361, %dma_start3A_367] : memref<16x50xi32, #tpu.memory_space<vmem>> -> memref<1x50xi32, #tpu.memory_space<vmem>>
    %dma_start3A_369 = tpu.memref_squeeze %dma_start3A_368 : memref<1x50xi32, #tpu.memory_space<vmem>> -> memref<50xi32, #tpu.memory_space<vmem>>
    %dma_start3A_370 = arith.constant 0 : i32
    %dma_start3A_371 = arith.constant 0 : i32
    %dma_start3A_372 = tpu.memref_slice %arg3[%dma_start3A_370, %dma_start3A_371] : memref<1000000x32xf32, #tpu.memory_space<hbm>> -> memref<1000000x32xf32, #tpu.memory_space<hbm>>
    tpu.enqueue_indirect_dma source(%dma_start3A_372 : memref<1000000x32xf32, #tpu.memory_space<hbm>>) target(%dma_start3A_366 : memref<50x32xf32, #tpu.memory_space<vmem>>) offsets(%dma_start3A_369 : memref<50xi32, #tpu.memory_space<vmem>>) semaphore(%arg12 : memref<!tpu.dma_semaphore, #tpu.memory_space<semaphore_mem>>)
    %dma_start3A_373 = arith.constant 13 : i32
    %dma_start3A_374 = arith.constant 13 : i32
    %dma_start3A_375 = arith.constant 0 : i32
    %dma_start3A_376 = arith.constant 0 : i32
    %dma_start3A_377 = tpu.memref_slice %arg8[%dma_start3A_374, %dma_start3A_375, %dma_start3A_376] : memref<16x50x32xf32, #tpu.memory_space<vmem>> -> memref<1x50x32xf32, #tpu.memory_space<vmem>>
    %dma_start3A_378 = tpu.memref_squeeze %dma_start3A_377 : memref<1x50x32xf32, #tpu.memory_space<vmem>> -> memref<50x32xf32, #tpu.memory_space<vmem>>
    %dma_start3A_379 = arith.constant 0 : i32
    %dma_start3A_380 = tpu.memref_slice %arg6[%dma_start3A_373, %dma_start3A_379] : memref<16x50xi32, #tpu.memory_space<vmem>> -> memref<1x50xi32, #tpu.memory_space<vmem>>
    %dma_start3A_381 = tpu.memref_squeeze %dma_start3A_380 : memref<1x50xi32, #tpu.memory_space<vmem>> -> memref<50xi32, #tpu.memory_space<vmem>>
    %dma_start3A_382 = arith.constant 0 : i32
    %dma_start3A_383 = arith.constant 0 : i32
    %dma_start3A_384 = tpu.memref_slice %arg3[%dma_start3A_382, %dma_start3A_383] : memref<1000000x32xf32, #tpu.memory_space<hbm>> -> memref<1000000x32xf32, #tpu.memory_space<hbm>>
    tpu.enqueue_indirect_dma source(%dma_start3A_384 : memref<1000000x32xf32, #tpu.memory_space<hbm>>) target(%dma_start3A_378 : memref<50x32xf32, #tpu.memory_space<vmem>>) offsets(%dma_start3A_381 : memref<50xi32, #tpu.memory_space<vmem>>) semaphore(%arg12 : memref<!tpu.dma_semaphore, #tpu.memory_space<semaphore_mem>>)
    %dma_start3A_385 = arith.constant 14 : i32
    %dma_start3A_386 = arith.constant 14 : i32
    %dma_start3A_387 = arith.constant 0 : i32
    %dma_start3A_388 = arith.constant 0 : i32
    %dma_start3A_389 = tpu.memref_slice %arg8[%dma_start3A_386, %dma_start3A_387, %dma_start3A_388] : memref<16x50x32xf32, #tpu.memory_space<vmem>> -> memref<1x50x32xf32, #tpu.memory_space<vmem>>
    %dma_start3A_390 = tpu.memref_squeeze %dma_start3A_389 : memref<1x50x32xf32, #tpu.memory_space<vmem>> -> memref<50x32xf32, #tpu.memory_space<vmem>>
    %dma_start3A_391 = arith.constant 0 : i32
    %dma_start3A_392 = tpu.memref_slice %arg6[%dma_start3A_385, %dma_start3A_391] : memref<16x50xi32, #tpu.memory_space<vmem>> -> memref<1x50xi32, #tpu.memory_space<vmem>>
    %dma_start3A_393 = tpu.memref_squeeze %dma_start3A_392 : memref<1x50xi32, #tpu.memory_space<vmem>> -> memref<50xi32, #tpu.memory_space<vmem>>
    %dma_start3A_394 = arith.constant 0 : i32
    %dma_start3A_395 = arith.constant 0 : i32
    %dma_start3A_396 = tpu.memref_slice %arg3[%dma_start3A_394, %dma_start3A_395] : memref<1000000x32xf32, #tpu.memory_space<hbm>> -> memref<1000000x32xf32, #tpu.memory_space<hbm>>
    tpu.enqueue_indirect_dma source(%dma_start3A_396 : memref<1000000x32xf32, #tpu.memory_space<hbm>>) target(%dma_start3A_390 : memref<50x32xf32, #tpu.memory_space<vmem>>) offsets(%dma_start3A_393 : memref<50xi32, #tpu.memory_space<vmem>>) semaphore(%arg12 : memref<!tpu.dma_semaphore, #tpu.memory_space<semaphore_mem>>)
    %dma_start3A_397 = arith.constant 15 : i32
    %dma_start3A_398 = arith.constant 15 : i32
    %dma_start3A_399 = arith.constant 0 : i32
    %dma_start3A_400 = arith.constant 0 : i32
    %dma_start3A_401 = tpu.memref_slice %arg8[%dma_start3A_398, %dma_start3A_399, %dma_start3A_400] : memref<16x50x32xf32, #tpu.memory_space<vmem>> -> memref<1x50x32xf32, #tpu.memory_space<vmem>>
    %dma_start3A_402 = tpu.memref_squeeze %dma_start3A_401 : memref<1x50x32xf32, #tpu.memory_space<vmem>> -> memref<50x32xf32, #tpu.memory_space<vmem>>
    %dma_start3A_403 = arith.constant 0 : i32
    %dma_start3A_404 = tpu.memref_slice %arg6[%dma_start3A_397, %dma_start3A_403] : memref<16x50xi32, #tpu.memory_space<vmem>> -> memref<1x50xi32, #tpu.memory_space<vmem>>
    %dma_start3A_405 = tpu.memref_squeeze %dma_start3A_404 : memref<1x50xi32, #tpu.memory_space<vmem>> -> memref<50xi32, #tpu.memory_space<vmem>>
    %dma_start3A_406 = arith.constant 0 : i32
    %dma_start3A_407 = arith.constant 0 : i32
    %dma_start3A_408 = tpu.memref_slice %arg3[%dma_start3A_406, %dma_start3A_407] : memref<1000000x32xf32, #tpu.memory_space<hbm>> -> memref<1000000x32xf32, #tpu.memory_space<hbm>>
    tpu.enqueue_indirect_dma source(%dma_start3A_408 : memref<1000000x32xf32, #tpu.memory_space<hbm>>) target(%dma_start3A_402 : memref<50x32xf32, #tpu.memory_space<vmem>>) offsets(%dma_start3A_405 : memref<50xi32, #tpu.memory_space<vmem>>) semaphore(%arg12 : memref<!tpu.dma_semaphore, #tpu.memory_space<semaphore_mem>>)
    %dma_wait3A_409 = arith.constant 0 : i32
    %dma_wait3A_410 = arith.constant 0 : i32
    %dma_wait3A_411 = arith.constant 0 : i32
    %dma_wait3A_412 = arith.constant 0 : i32
    %dma_wait3A_413 = tpu.memref_slice %arg7[%dma_wait3A_410, %dma_wait3A_411, %dma_wait3A_412] : memref<16x50x32xf32, #tpu.memory_space<vmem>> -> memref<1x50x32xf32, #tpu.memory_space<vmem>>
    %dma_wait3A_414 = tpu.memref_squeeze %dma_wait3A_413 : memref<1x50x32xf32, #tpu.memory_space<vmem>> -> memref<50x32xf32, #tpu.memory_space<vmem>>
    %dma_wait3A_415 = arith.constant 0 : i32
    %dma_wait3A_416 = tpu.memref_slice %arg5[%dma_wait3A_409, %dma_wait3A_415] : memref<16x50xi32, #tpu.memory_space<vmem>> -> memref<1x50xi32, #tpu.memory_space<vmem>>
    %dma_wait3A_417 = tpu.memref_squeeze %dma_wait3A_416 : memref<1x50xi32, #tpu.memory_space<vmem>> -> memref<50xi32, #tpu.memory_space<vmem>>
    %dma_wait3A_418 = arith.constant 0 : i32
    %dma_wait3A_419 = arith.constant 0 : i32
    %dma_wait3A_420 = tpu.memref_slice %arg3[%dma_wait3A_418, %dma_wait3A_419] : memref<1000000x32xf32, #tpu.memory_space<hbm>> -> memref<1000000x32xf32, #tpu.memory_space<hbm>>
    tpu.wait_indirect_dma semaphore(%arg11 : memref<!tpu.dma_semaphore, #tpu.memory_space<semaphore_mem>>) src(%dma_wait3A_420 : memref<1000000x32xf32, #tpu.memory_space<hbm>>) dst(%dma_wait3A_414 : memref<50x32xf32, #tpu.memory_space<vmem>>)
    %dma_wait3A_421 = arith.constant 1 : i32
    %dma_wait3A_422 = arith.constant 1 : i32
    %dma_wait3A_423 = arith.constant 0 : i32
    %dma_wait3A_424 = arith.constant 0 : i32
    %dma_wait3A_425 = tpu.memref_slice %arg7[%dma_wait3A_422, %dma_wait3A_423, %dma_wait3A_424] : memref<16x50x32xf32, #tpu.memory_space<vmem>> -> memref<1x50x32xf32, #tpu.memory_space<vmem>>
    %dma_wait3A_426 = tpu.memref_squeeze %dma_wait3A_425 : memref<1x50x32xf32, #tpu.memory_space<vmem>> -> memref<50x32xf32, #tpu.memory_space<vmem>>
    %dma_wait3A_427 = arith.constant 0 : i32
    %dma_wait3A_428 = tpu.memref_slice %arg5[%dma_wait3A_421, %dma_wait3A_427] : memref<16x50xi32, #tpu.memory_space<vmem>> -> memref<1x50xi32, #tpu.memory_space<vmem>>
    %dma_wait3A_429 = tpu.memref_squeeze %dma_wait3A_428 : memref<1x50xi32, #tpu.memory_space<vmem>> -> memref<50xi32, #tpu.memory_space<vmem>>
    %dma_wait3A_430 = arith.constant 0 : i32
    %dma_wait3A_431 = arith.constant 0 : i32
    %dma_wait3A_432 = tpu.memref_slice %arg3[%dma_wait3A_430, %dma_wait3A_431] : memref<1000000x32xf32, #tpu.memory_space<hbm>> -> memref<1000000x32xf32, #tpu.memory_space<hbm>>
    tpu.wait_indirect_dma semaphore(%arg11 : memref<!tpu.dma_semaphore, #tpu.memory_space<semaphore_mem>>) src(%dma_wait3A_432 : memref<1000000x32xf32, #tpu.memory_space<hbm>>) dst(%dma_wait3A_426 : memref<50x32xf32, #tpu.memory_space<vmem>>)
    %dma_wait3A_433 = arith.constant 2 : i32
    %dma_wait3A_434 = arith.constant 2 : i32
    %dma_wait3A_435 = arith.constant 0 : i32
    %dma_wait3A_436 = arith.constant 0 : i32
    %dma_wait3A_437 = tpu.memref_slice %arg7[%dma_wait3A_434, %dma_wait3A_435, %dma_wait3A_436] : memref<16x50x32xf32, #tpu.memory_space<vmem>> -> memref<1x50x32xf32, #tpu.memory_space<vmem>>
    %dma_wait3A_438 = tpu.memref_squeeze %dma_wait3A_437 : memref<1x50x32xf32, #tpu.memory_space<vmem>> -> memref<50x32xf32, #tpu.memory_space<vmem>>
    %dma_wait3A_439 = arith.constant 0 : i32
    %dma_wait3A_440 = tpu.memref_slice %arg5[%dma_wait3A_433, %dma_wait3A_439] : memref<16x50xi32, #tpu.memory_space<vmem>> -> memref<1x50xi32, #tpu.memory_space<vmem>>
    %dma_wait3A_441 = tpu.memref_squeeze %dma_wait3A_440 : memref<1x50xi32, #tpu.memory_space<vmem>> -> memref<50xi32, #tpu.memory_space<vmem>>
    %dma_wait3A_442 = arith.constant 0 : i32
    %dma_wait3A_443 = arith.constant 0 : i32
    %dma_wait3A_444 = tpu.memref_slice %arg3[%dma_wait3A_442, %dma_wait3A_443] : memref<1000000x32xf32, #tpu.memory_space<hbm>> -> memref<1000000x32xf32, #tpu.memory_space<hbm>>
    tpu.wait_indirect_dma semaphore(%arg11 : memref<!tpu.dma_semaphore, #tpu.memory_space<semaphore_mem>>) src(%dma_wait3A_444 : memref<1000000x32xf32, #tpu.memory_space<hbm>>) dst(%dma_wait3A_438 : memref<50x32xf32, #tpu.memory_space<vmem>>)
    %dma_wait3A_445 = arith.constant 3 : i32
    %dma_wait3A_446 = arith.constant 3 : i32
    %dma_wait3A_447 = arith.constant 0 : i32
    %dma_wait3A_448 = arith.constant 0 : i32
    %dma_wait3A_449 = tpu.memref_slice %arg7[%dma_wait3A_446, %dma_wait3A_447, %dma_wait3A_448] : memref<16x50x32xf32, #tpu.memory_space<vmem>> -> memref<1x50x32xf32, #tpu.memory_space<vmem>>
    %dma_wait3A_450 = tpu.memref_squeeze %dma_wait3A_449 : memref<1x50x32xf32, #tpu.memory_space<vmem>> -> memref<50x32xf32, #tpu.memory_space<vmem>>
    %dma_wait3A_451 = arith.constant 0 : i32
    %dma_wait3A_452 = tpu.memref_slice %arg5[%dma_wait3A_445, %dma_wait3A_451] : memref<16x50xi32, #tpu.memory_space<vmem>> -> memref<1x50xi32, #tpu.memory_space<vmem>>
    %dma_wait3A_453 = tpu.memref_squeeze %dma_wait3A_452 : memref<1x50xi32, #tpu.memory_space<vmem>> -> memref<50xi32, #tpu.memory_space<vmem>>
    %dma_wait3A_454 = arith.constant 0 : i32
    %dma_wait3A_455 = arith.constant 0 : i32
    %dma_wait3A_456 = tpu.memref_slice %arg3[%dma_wait3A_454, %dma_wait3A_455] : memref<1000000x32xf32, #tpu.memory_space<hbm>> -> memref<1000000x32xf32, #tpu.memory_space<hbm>>
    tpu.wait_indirect_dma semaphore(%arg11 : memref<!tpu.dma_semaphore, #tpu.memory_space<semaphore_mem>>) src(%dma_wait3A_456 : memref<1000000x32xf32, #tpu.memory_space<hbm>>) dst(%dma_wait3A_450 : memref<50x32xf32, #tpu.memory_space<vmem>>)
    %dma_wait3A_457 = arith.constant 4 : i32
    %dma_wait3A_458 = arith.constant 4 : i32
    %dma_wait3A_459 = arith.constant 0 : i32
    %dma_wait3A_460 = arith.constant 0 : i32
    %dma_wait3A_461 = tpu.memref_slice %arg7[%dma_wait3A_458, %dma_wait3A_459, %dma_wait3A_460] : memref<16x50x32xf32, #tpu.memory_space<vmem>> -> memref<1x50x32xf32, #tpu.memory_space<vmem>>
    %dma_wait3A_462 = tpu.memref_squeeze %dma_wait3A_461 : memref<1x50x32xf32, #tpu.memory_space<vmem>> -> memref<50x32xf32, #tpu.memory_space<vmem>>
    %dma_wait3A_463 = arith.constant 0 : i32
    %dma_wait3A_464 = tpu.memref_slice %arg5[%dma_wait3A_457, %dma_wait3A_463] : memref<16x50xi32, #tpu.memory_space<vmem>> -> memref<1x50xi32, #tpu.memory_space<vmem>>
    %dma_wait3A_465 = tpu.memref_squeeze %dma_wait3A_464 : memref<1x50xi32, #tpu.memory_space<vmem>> -> memref<50xi32, #tpu.memory_space<vmem>>
    %dma_wait3A_466 = arith.constant 0 : i32
    %dma_wait3A_467 = arith.constant 0 : i32
    %dma_wait3A_468 = tpu.memref_slice %arg3[%dma_wait3A_466, %dma_wait3A_467] : memref<1000000x32xf32, #tpu.memory_space<hbm>> -> memref<1000000x32xf32, #tpu.memory_space<hbm>>
    tpu.wait_indirect_dma semaphore(%arg11 : memref<!tpu.dma_semaphore, #tpu.memory_space<semaphore_mem>>) src(%dma_wait3A_468 : memref<1000000x32xf32, #tpu.memory_space<hbm>>) dst(%dma_wait3A_462 : memref<50x32xf32, #tpu.memory_space<vmem>>)
    %dma_wait3A_469 = arith.constant 5 : i32
    %dma_wait3A_470 = arith.constant 5 : i32
    %dma_wait3A_471 = arith.constant 0 : i32
    %dma_wait3A_472 = arith.constant 0 : i32
    %dma_wait3A_473 = tpu.memref_slice %arg7[%dma_wait3A_470, %dma_wait3A_471, %dma_wait3A_472] : memref<16x50x32xf32, #tpu.memory_space<vmem>> -> memref<1x50x32xf32, #tpu.memory_space<vmem>>
    %dma_wait3A_474 = tpu.memref_squeeze %dma_wait3A_473 : memref<1x50x32xf32, #tpu.memory_space<vmem>> -> memref<50x32xf32, #tpu.memory_space<vmem>>
    %dma_wait3A_475 = arith.constant 0 : i32
    %dma_wait3A_476 = tpu.memref_slice %arg5[%dma_wait3A_469, %dma_wait3A_475] : memref<16x50xi32, #tpu.memory_space<vmem>> -> memref<1x50xi32, #tpu.memory_space<vmem>>
    %dma_wait3A_477 = tpu.memref_squeeze %dma_wait3A_476 : memref<1x50xi32, #tpu.memory_space<vmem>> -> memref<50xi32, #tpu.memory_space<vmem>>
    %dma_wait3A_478 = arith.constant 0 : i32
    %dma_wait3A_479 = arith.constant 0 : i32
    %dma_wait3A_480 = tpu.memref_slice %arg3[%dma_wait3A_478, %dma_wait3A_479] : memref<1000000x32xf32, #tpu.memory_space<hbm>> -> memref<1000000x32xf32, #tpu.memory_space<hbm>>
    tpu.wait_indirect_dma semaphore(%arg11 : memref<!tpu.dma_semaphore, #tpu.memory_space<semaphore_mem>>) src(%dma_wait3A_480 : memref<1000000x32xf32, #tpu.memory_space<hbm>>) dst(%dma_wait3A_474 : memref<50x32xf32, #tpu.memory_space<vmem>>)
    %dma_wait3A_481 = arith.constant 6 : i32
    %dma_wait3A_482 = arith.constant 6 : i32
    %dma_wait3A_483 = arith.constant 0 : i32
    %dma_wait3A_484 = arith.constant 0 : i32
    %dma_wait3A_485 = tpu.memref_slice %arg7[%dma_wait3A_482, %dma_wait3A_483, %dma_wait3A_484] : memref<16x50x32xf32, #tpu.memory_space<vmem>> -> memref<1x50x32xf32, #tpu.memory_space<vmem>>
    %dma_wait3A_486 = tpu.memref_squeeze %dma_wait3A_485 : memref<1x50x32xf32, #tpu.memory_space<vmem>> -> memref<50x32xf32, #tpu.memory_space<vmem>>
    %dma_wait3A_487 = arith.constant 0 : i32
    %dma_wait3A_488 = tpu.memref_slice %arg5[%dma_wait3A_481, %dma_wait3A_487] : memref<16x50xi32, #tpu.memory_space<vmem>> -> memref<1x50xi32, #tpu.memory_space<vmem>>
    %dma_wait3A_489 = tpu.memref_squeeze %dma_wait3A_488 : memref<1x50xi32, #tpu.memory_space<vmem>> -> memref<50xi32, #tpu.memory_space<vmem>>
    %dma_wait3A_490 = arith.constant 0 : i32
    %dma_wait3A_491 = arith.constant 0 : i32
    %dma_wait3A_492 = tpu.memref_slice %arg3[%dma_wait3A_490, %dma_wait3A_491] : memref<1000000x32xf32, #tpu.memory_space<hbm>> -> memref<1000000x32xf32, #tpu.memory_space<hbm>>
    tpu.wait_indirect_dma semaphore(%arg11 : memref<!tpu.dma_semaphore, #tpu.memory_space<semaphore_mem>>) src(%dma_wait3A_492 : memref<1000000x32xf32, #tpu.memory_space<hbm>>) dst(%dma_wait3A_486 : memref<50x32xf32, #tpu.memory_space<vmem>>)
    %dma_wait3A_493 = arith.constant 7 : i32
    %dma_wait3A_494 = arith.constant 7 : i32
    %dma_wait3A_495 = arith.constant 0 : i32
    %dma_wait3A_496 = arith.constant 0 : i32
    %dma_wait3A_497 = tpu.memref_slice %arg7[%dma_wait3A_494, %dma_wait3A_495, %dma_wait3A_496] : memref<16x50x32xf32, #tpu.memory_space<vmem>> -> memref<1x50x32xf32, #tpu.memory_space<vmem>>
    %dma_wait3A_498 = tpu.memref_squeeze %dma_wait3A_497 : memref<1x50x32xf32, #tpu.memory_space<vmem>> -> memref<50x32xf32, #tpu.memory_space<vmem>>
    %dma_wait3A_499 = arith.constant 0 : i32
    %dma_wait3A_500 = tpu.memref_slice %arg5[%dma_wait3A_493, %dma_wait3A_499] : memref<16x50xi32, #tpu.memory_space<vmem>> -> memref<1x50xi32, #tpu.memory_space<vmem>>
    %dma_wait3A_501 = tpu.memref_squeeze %dma_wait3A_500 : memref<1x50xi32, #tpu.memory_space<vmem>> -> memref<50xi32, #tpu.memory_space<vmem>>
    %dma_wait3A_502 = arith.constant 0 : i32
    %dma_wait3A_503 = arith.constant 0 : i32
    %dma_wait3A_504 = tpu.memref_slice %arg3[%dma_wait3A_502, %dma_wait3A_503] : memref<1000000x32xf32, #tpu.memory_space<hbm>> -> memref<1000000x32xf32, #tpu.memory_space<hbm>>
    tpu.wait_indirect_dma semaphore(%arg11 : memref<!tpu.dma_semaphore, #tpu.memory_space<semaphore_mem>>) src(%dma_wait3A_504 : memref<1000000x32xf32, #tpu.memory_space<hbm>>) dst(%dma_wait3A_498 : memref<50x32xf32, #tpu.memory_space<vmem>>)
    %dma_wait3A_505 = arith.constant 8 : i32
    %dma_wait3A_506 = arith.constant 8 : i32
    %dma_wait3A_507 = arith.constant 0 : i32
    %dma_wait3A_508 = arith.constant 0 : i32
    %dma_wait3A_509 = tpu.memref_slice %arg7[%dma_wait3A_506, %dma_wait3A_507, %dma_wait3A_508] : memref<16x50x32xf32, #tpu.memory_space<vmem>> -> memref<1x50x32xf32, #tpu.memory_space<vmem>>
    %dma_wait3A_510 = tpu.memref_squeeze %dma_wait3A_509 : memref<1x50x32xf32, #tpu.memory_space<vmem>> -> memref<50x32xf32, #tpu.memory_space<vmem>>
    %dma_wait3A_511 = arith.constant 0 : i32
    %dma_wait3A_512 = tpu.memref_slice %arg5[%dma_wait3A_505, %dma_wait3A_511] : memref<16x50xi32, #tpu.memory_space<vmem>> -> memref<1x50xi32, #tpu.memory_space<vmem>>
    %dma_wait3A_513 = tpu.memref_squeeze %dma_wait3A_512 : memref<1x50xi32, #tpu.memory_space<vmem>> -> memref<50xi32, #tpu.memory_space<vmem>>
    %dma_wait3A_514 = arith.constant 0 : i32
    %dma_wait3A_515 = arith.constant 0 : i32
    %dma_wait3A_516 = tpu.memref_slice %arg3[%dma_wait3A_514, %dma_wait3A_515] : memref<1000000x32xf32, #tpu.memory_space<hbm>> -> memref<1000000x32xf32, #tpu.memory_space<hbm>>
    tpu.wait_indirect_dma semaphore(%arg11 : memref<!tpu.dma_semaphore, #tpu.memory_space<semaphore_mem>>) src(%dma_wait3A_516 : memref<1000000x32xf32, #tpu.memory_space<hbm>>) dst(%dma_wait3A_510 : memref<50x32xf32, #tpu.memory_space<vmem>>)
    %dma_wait3A_517 = arith.constant 9 : i32
    %dma_wait3A_518 = arith.constant 9 : i32
    %dma_wait3A_519 = arith.constant 0 : i32
    %dma_wait3A_520 = arith.constant 0 : i32
    %dma_wait3A_521 = tpu.memref_slice %arg7[%dma_wait3A_518, %dma_wait3A_519, %dma_wait3A_520] : memref<16x50x32xf32, #tpu.memory_space<vmem>> -> memref<1x50x32xf32, #tpu.memory_space<vmem>>
    %dma_wait3A_522 = tpu.memref_squeeze %dma_wait3A_521 : memref<1x50x32xf32, #tpu.memory_space<vmem>> -> memref<50x32xf32, #tpu.memory_space<vmem>>
    %dma_wait3A_523 = arith.constant 0 : i32
    %dma_wait3A_524 = tpu.memref_slice %arg5[%dma_wait3A_517, %dma_wait3A_523] : memref<16x50xi32, #tpu.memory_space<vmem>> -> memref<1x50xi32, #tpu.memory_space<vmem>>
    %dma_wait3A_525 = tpu.memref_squeeze %dma_wait3A_524 : memref<1x50xi32, #tpu.memory_space<vmem>> -> memref<50xi32, #tpu.memory_space<vmem>>
    %dma_wait3A_526 = arith.constant 0 : i32
    %dma_wait3A_527 = arith.constant 0 : i32
    %dma_wait3A_528 = tpu.memref_slice %arg3[%dma_wait3A_526, %dma_wait3A_527] : memref<1000000x32xf32, #tpu.memory_space<hbm>> -> memref<1000000x32xf32, #tpu.memory_space<hbm>>
    tpu.wait_indirect_dma semaphore(%arg11 : memref<!tpu.dma_semaphore, #tpu.memory_space<semaphore_mem>>) src(%dma_wait3A_528 : memref<1000000x32xf32, #tpu.memory_space<hbm>>) dst(%dma_wait3A_522 : memref<50x32xf32, #tpu.memory_space<vmem>>)
    %dma_wait3A_529 = arith.constant 10 : i32
    %dma_wait3A_530 = arith.constant 10 : i32
    %dma_wait3A_531 = arith.constant 0 : i32
    %dma_wait3A_532 = arith.constant 0 : i32
    %dma_wait3A_533 = tpu.memref_slice %arg7[%dma_wait3A_530, %dma_wait3A_531, %dma_wait3A_532] : memref<16x50x32xf32, #tpu.memory_space<vmem>> -> memref<1x50x32xf32, #tpu.memory_space<vmem>>
    %dma_wait3A_534 = tpu.memref_squeeze %dma_wait3A_533 : memref<1x50x32xf32, #tpu.memory_space<vmem>> -> memref<50x32xf32, #tpu.memory_space<vmem>>
    %dma_wait3A_535 = arith.constant 0 : i32
    %dma_wait3A_536 = tpu.memref_slice %arg5[%dma_wait3A_529, %dma_wait3A_535] : memref<16x50xi32, #tpu.memory_space<vmem>> -> memref<1x50xi32, #tpu.memory_space<vmem>>
    %dma_wait3A_537 = tpu.memref_squeeze %dma_wait3A_536 : memref<1x50xi32, #tpu.memory_space<vmem>> -> memref<50xi32, #tpu.memory_space<vmem>>
    %dma_wait3A_538 = arith.constant 0 : i32
    %dma_wait3A_539 = arith.constant 0 : i32
    %dma_wait3A_540 = tpu.memref_slice %arg3[%dma_wait3A_538, %dma_wait3A_539] : memref<1000000x32xf32, #tpu.memory_space<hbm>> -> memref<1000000x32xf32, #tpu.memory_space<hbm>>
    tpu.wait_indirect_dma semaphore(%arg11 : memref<!tpu.dma_semaphore, #tpu.memory_space<semaphore_mem>>) src(%dma_wait3A_540 : memref<1000000x32xf32, #tpu.memory_space<hbm>>) dst(%dma_wait3A_534 : memref<50x32xf32, #tpu.memory_space<vmem>>)
    %dma_wait3A_541 = arith.constant 11 : i32
    %dma_wait3A_542 = arith.constant 11 : i32
    %dma_wait3A_543 = arith.constant 0 : i32
    %dma_wait3A_544 = arith.constant 0 : i32
    %dma_wait3A_545 = tpu.memref_slice %arg7[%dma_wait3A_542, %dma_wait3A_543, %dma_wait3A_544] : memref<16x50x32xf32, #tpu.memory_space<vmem>> -> memref<1x50x32xf32, #tpu.memory_space<vmem>>
    %dma_wait3A_546 = tpu.memref_squeeze %dma_wait3A_545 : memref<1x50x32xf32, #tpu.memory_space<vmem>> -> memref<50x32xf32, #tpu.memory_space<vmem>>
    %dma_wait3A_547 = arith.constant 0 : i32
    %dma_wait3A_548 = tpu.memref_slice %arg5[%dma_wait3A_541, %dma_wait3A_547] : memref<16x50xi32, #tpu.memory_space<vmem>> -> memref<1x50xi32, #tpu.memory_space<vmem>>
    %dma_wait3A_549 = tpu.memref_squeeze %dma_wait3A_548 : memref<1x50xi32, #tpu.memory_space<vmem>> -> memref<50xi32, #tpu.memory_space<vmem>>
    %dma_wait3A_550 = arith.constant 0 : i32
    %dma_wait3A_551 = arith.constant 0 : i32
    %dma_wait3A_552 = tpu.memref_slice %arg3[%dma_wait3A_550, %dma_wait3A_551] : memref<1000000x32xf32, #tpu.memory_space<hbm>> -> memref<1000000x32xf32, #tpu.memory_space<hbm>>
    tpu.wait_indirect_dma semaphore(%arg11 : memref<!tpu.dma_semaphore, #tpu.memory_space<semaphore_mem>>) src(%dma_wait3A_552 : memref<1000000x32xf32, #tpu.memory_space<hbm>>) dst(%dma_wait3A_546 : memref<50x32xf32, #tpu.memory_space<vmem>>)
    %dma_wait3A_553 = arith.constant 12 : i32
    %dma_wait3A_554 = arith.constant 12 : i32
    %dma_wait3A_555 = arith.constant 0 : i32
    %dma_wait3A_556 = arith.constant 0 : i32
    %dma_wait3A_557 = tpu.memref_slice %arg7[%dma_wait3A_554, %dma_wait3A_555, %dma_wait3A_556] : memref<16x50x32xf32, #tpu.memory_space<vmem>> -> memref<1x50x32xf32, #tpu.memory_space<vmem>>
    %dma_wait3A_558 = tpu.memref_squeeze %dma_wait3A_557 : memref<1x50x32xf32, #tpu.memory_space<vmem>> -> memref<50x32xf32, #tpu.memory_space<vmem>>
    %dma_wait3A_559 = arith.constant 0 : i32
    %dma_wait3A_560 = tpu.memref_slice %arg5[%dma_wait3A_553, %dma_wait3A_559] : memref<16x50xi32, #tpu.memory_space<vmem>> -> memref<1x50xi32, #tpu.memory_space<vmem>>
    %dma_wait3A_561 = tpu.memref_squeeze %dma_wait3A_560 : memref<1x50xi32, #tpu.memory_space<vmem>> -> memref<50xi32, #tpu.memory_space<vmem>>
    %dma_wait3A_562 = arith.constant 0 : i32
    %dma_wait3A_563 = arith.constant 0 : i32
    %dma_wait3A_564 = tpu.memref_slice %arg3[%dma_wait3A_562, %dma_wait3A_563] : memref<1000000x32xf32, #tpu.memory_space<hbm>> -> memref<1000000x32xf32, #tpu.memory_space<hbm>>
    tpu.wait_indirect_dma semaphore(%arg11 : memref<!tpu.dma_semaphore, #tpu.memory_space<semaphore_mem>>) src(%dma_wait3A_564 : memref<1000000x32xf32, #tpu.memory_space<hbm>>) dst(%dma_wait3A_558 : memref<50x32xf32, #tpu.memory_space<vmem>>)
    %dma_wait3A_565 = arith.constant 13 : i32
    %dma_wait3A_566 = arith.constant 13 : i32
    %dma_wait3A_567 = arith.constant 0 : i32
    %dma_wait3A_568 = arith.constant 0 : i32
    %dma_wait3A_569 = tpu.memref_slice %arg7[%dma_wait3A_566, %dma_wait3A_567, %dma_wait3A_568] : memref<16x50x32xf32, #tpu.memory_space<vmem>> -> memref<1x50x32xf32, #tpu.memory_space<vmem>>
    %dma_wait3A_570 = tpu.memref_squeeze %dma_wait3A_569 : memref<1x50x32xf32, #tpu.memory_space<vmem>> -> memref<50x32xf32, #tpu.memory_space<vmem>>
    %dma_wait3A_571 = arith.constant 0 : i32
    %dma_wait3A_572 = tpu.memref_slice %arg5[%dma_wait3A_565, %dma_wait3A_571] : memref<16x50xi32, #tpu.memory_space<vmem>> -> memref<1x50xi32, #tpu.memory_space<vmem>>
    %dma_wait3A_573 = tpu.memref_squeeze %dma_wait3A_572 : memref<1x50xi32, #tpu.memory_space<vmem>> -> memref<50xi32, #tpu.memory_space<vmem>>
    %dma_wait3A_574 = arith.constant 0 : i32
    %dma_wait3A_575 = arith.constant 0 : i32
    %dma_wait3A_576 = tpu.memref_slice %arg3[%dma_wait3A_574, %dma_wait3A_575] : memref<1000000x32xf32, #tpu.memory_space<hbm>> -> memref<1000000x32xf32, #tpu.memory_space<hbm>>
    tpu.wait_indirect_dma semaphore(%arg11 : memref<!tpu.dma_semaphore, #tpu.memory_space<semaphore_mem>>) src(%dma_wait3A_576 : memref<1000000x32xf32, #tpu.memory_space<hbm>>) dst(%dma_wait3A_570 : memref<50x32xf32, #tpu.memory_space<vmem>>)
    %dma_wait3A_577 = arith.constant 14 : i32
    %dma_wait3A_578 = arith.constant 14 : i32
    %dma_wait3A_579 = arith.constant 0 : i32
    %dma_wait3A_580 = arith.constant 0 : i32
    %dma_wait3A_581 = tpu.memref_slice %arg7[%dma_wait3A_578, %dma_wait3A_579, %dma_wait3A_580] : memref<16x50x32xf32, #tpu.memory_space<vmem>> -> memref<1x50x32xf32, #tpu.memory_space<vmem>>
    %dma_wait3A_582 = tpu.memref_squeeze %dma_wait3A_581 : memref<1x50x32xf32, #tpu.memory_space<vmem>> -> memref<50x32xf32, #tpu.memory_space<vmem>>
    %dma_wait3A_583 = arith.constant 0 : i32
    %dma_wait3A_584 = tpu.memref_slice %arg5[%dma_wait3A_577, %dma_wait3A_583] : memref<16x50xi32, #tpu.memory_space<vmem>> -> memref<1x50xi32, #tpu.memory_space<vmem>>
    %dma_wait3A_585 = tpu.memref_squeeze %dma_wait3A_584 : memref<1x50xi32, #tpu.memory_space<vmem>> -> memref<50xi32, #tpu.memory_space<vmem>>
    %dma_wait3A_586 = arith.constant 0 : i32
    %dma_wait3A_587 = arith.constant 0 : i32
    %dma_wait3A_588 = tpu.memref_slice %arg3[%dma_wait3A_586, %dma_wait3A_587] : memref<1000000x32xf32, #tpu.memory_space<hbm>> -> memref<1000000x32xf32, #tpu.memory_space<hbm>>
    tpu.wait_indirect_dma semaphore(%arg11 : memref<!tpu.dma_semaphore, #tpu.memory_space<semaphore_mem>>) src(%dma_wait3A_588 : memref<1000000x32xf32, #tpu.memory_space<hbm>>) dst(%dma_wait3A_582 : memref<50x32xf32, #tpu.memory_space<vmem>>)
    %dma_wait3A_589 = arith.constant 15 : i32
    %dma_wait3A_590 = arith.constant 15 : i32
    %dma_wait3A_591 = arith.constant 0 : i32
    %dma_wait3A_592 = arith.constant 0 : i32
    %dma_wait3A_593 = tpu.memref_slice %arg7[%dma_wait3A_590, %dma_wait3A_591, %dma_wait3A_592] : memref<16x50x32xf32, #tpu.memory_space<vmem>> -> memref<1x50x32xf32, #tpu.memory_space<vmem>>
    %dma_wait3A_594 = tpu.memref_squeeze %dma_wait3A_593 : memref<1x50x32xf32, #tpu.memory_space<vmem>> -> memref<50x32xf32, #tpu.memory_space<vmem>>
    %dma_wait3A_595 = arith.constant 0 : i32
    %dma_wait3A_596 = tpu.memref_slice %arg5[%dma_wait3A_589, %dma_wait3A_595] : memref<16x50xi32, #tpu.memory_space<vmem>> -> memref<1x50xi32, #tpu.memory_space<vmem>>
    %dma_wait3A_597 = tpu.memref_squeeze %dma_wait3A_596 : memref<1x50xi32, #tpu.memory_space<vmem>> -> memref<50xi32, #tpu.memory_space<vmem>>
    %dma_wait3A_598 = arith.constant 0 : i32
    %dma_wait3A_599 = arith.constant 0 : i32
    %dma_wait3A_600 = tpu.memref_slice %arg3[%dma_wait3A_598, %dma_wait3A_599] : memref<1000000x32xf32, #tpu.memory_space<hbm>> -> memref<1000000x32xf32, #tpu.memory_space<hbm>>
    tpu.wait_indirect_dma semaphore(%arg11 : memref<!tpu.dma_semaphore, #tpu.memory_space<semaphore_mem>>) src(%dma_wait3A_600 : memref<1000000x32xf32, #tpu.memory_space<hbm>>) dst(%dma_wait3A_594 : memref<50x32xf32, #tpu.memory_space<vmem>>)
    %add3A_601 = arith.constant 0 : i32
    %add3A_602 = arith.addi %mul3A_2, %add3A_601 : i32
    %dma_start3A_603 = arith.constant 0 : i32
    %dma_start3A_604 = arith.constant 0 : i32
    %dma_start3A_605 = tpu.memref_slice %arg4[%add3A_602, %dma_start3A_603, %dma_start3A_604] : memref<16384x50x32xf32, #tpu.memory_space<hbm>> -> memref<16x50x32xf32, #tpu.memory_space<hbm>>
    %dma_start3A_606 = arith.constant 0 : i32
    %dma_start3A_607 = arith.constant 0 : i32
    %dma_start3A_608 = tpu.memref_slice %arg4[%add3A_602, %dma_start3A_606, %dma_start3A_607] : memref<16384x50x32xf32, #tpu.memory_space<hbm>> -> memref<16x50x32xf32, #tpu.memory_space<hbm>>
    tpu.enqueue_dma source(%arg7 : memref<16x50x32xf32, #tpu.memory_space<vmem>>) target(%dma_start3A_608 : memref<16x50x32xf32, #tpu.memory_space<hbm>>) target_semaphore(%arg13 : memref<!tpu.dma_semaphore, #tpu.memory_space<semaphore_mem>>)
    %add3A_609 = arith.constant 32 : i32
    %add3A_610 = arith.addi %mul3A_2, %add3A_609 : i32
    %dma_start3A_611 = arith.constant 0 : i32
    %dma_start3A_612 = tpu.memref_slice %arg2[%add3A_610, %dma_start3A_611] : memref<16384x50xi32, #tpu.memory_space<hbm>> -> memref<16x50xi32, #tpu.memory_space<hbm>>
    %dma_start3A_613 = arith.constant 0 : i32
    %dma_start3A_614 = tpu.memref_slice %arg2[%add3A_610, %dma_start3A_613] : memref<16384x50xi32, #tpu.memory_space<hbm>> -> memref<16x50xi32, #tpu.memory_space<hbm>>
    tpu.enqueue_dma source(%dma_start3A_614 : memref<16x50xi32, #tpu.memory_space<hbm>>) target(%arg5 : memref<16x50xi32, #tpu.memory_space<vmem>>) target_semaphore(%arg9 : memref<!tpu.dma_semaphore, #tpu.memory_space<semaphore_mem>>)
    %scan3A = arith.constant 0 : i32
    %scan3A_615 = arith.constant 1 : i32
    %scan3A_616 = arith.constant 15 : i32
    %scan3A_617 = arith.addi %scan3A_615, %scan3A_616 : i32
    %scan3A_618 = arith.constant 1 : i32
    scf.for %scan3A_836 = %scan3A_615 to %scan3A_617 step %scan3A_618  : i32 {
      %mul3A_837 = arith.constant 2 : i32
      %mul3A_838 = arith.muli %mul3A_837, %scan3A_836 : i32
      %add3A_839 = arith.constant 1 : i32
      %add3A_840 = arith.addi %mul3A_838, %add3A_839 : i32
      %mul3A_841 = arith.constant 16 : i32
      %mul3A_842 = arith.muli %mul3A_838, %mul3A_841 : i32
      %add3A_843 = arith.addi %mul3A_2, %mul3A_842 : i32
      %dma_wait3A_844 = arith.constant 0 : i32
      %dma_wait3A_845 = tpu.memref_slice %arg2[%add3A_843, %dma_wait3A_844] : memref<16384x50xi32, #tpu.memory_space<hbm>> -> memref<16x50xi32, #tpu.memory_space<hbm>>
      %dma_wait3A_846 = arith.constant 0 : i32
      %dma_wait3A_847 = tpu.memref_slice %arg2[%add3A_843, %dma_wait3A_846] : memref<16384x50xi32, #tpu.memory_space<hbm>> -> memref<16x50xi32, #tpu.memory_space<hbm>>
      tpu.wait_dma2 semaphore(%arg9 : memref<!tpu.dma_semaphore, #tpu.memory_space<semaphore_mem>>) src(%dma_wait3A_847 : memref<16x50xi32, #tpu.memory_space<hbm>>) dst(%arg5 : memref<16x50xi32, #tpu.memory_space<vmem>>)
      %sub3A = arith.constant 2 : i32
      %sub3A_848 = arith.subi %mul3A_838, %sub3A : i32
      %mul3A_849 = arith.constant 16 : i32
      %mul3A_850 = arith.muli %sub3A_848, %mul3A_849 : i32
      %add3A_851 = arith.addi %mul3A_2, %mul3A_850 : i32
      %dma_wait3A_852 = arith.constant 0 : i32
      %dma_wait3A_853 = arith.constant 0 : i32
      %dma_wait3A_854 = tpu.memref_slice %arg4[%add3A_851, %dma_wait3A_852, %dma_wait3A_853] : memref<16384x50x32xf32, #tpu.memory_space<hbm>> -> memref<16x50x32xf32, #tpu.memory_space<hbm>>
      %dma_wait3A_855 = arith.constant 0 : i32
      %dma_wait3A_856 = arith.constant 0 : i32
      %dma_wait3A_857 = tpu.memref_slice %arg4[%add3A_851, %dma_wait3A_855, %dma_wait3A_856] : memref<16384x50x32xf32, #tpu.memory_space<hbm>> -> memref<16x50x32xf32, #tpu.memory_space<hbm>>
      tpu.wait_dma2 semaphore(%arg13 : memref<!tpu.dma_semaphore, #tpu.memory_space<semaphore_mem>>) src(%arg7 : memref<16x50x32xf32, #tpu.memory_space<vmem>>) dst(%dma_wait3A_857 : memref<16x50x32xf32, #tpu.memory_space<hbm>>)
      %dma_start3A_858 = arith.constant 0 : i32
      %dma_start3A_859 = arith.constant 0 : i32
      %dma_start3A_860 = arith.constant 0 : i32
      %dma_start3A_861 = arith.constant 0 : i32
      %dma_start3A_862 = tpu.memref_slice %arg7[%dma_start3A_859, %dma_start3A_860, %dma_start3A_861] : memref<16x50x32xf32, #tpu.memory_space<vmem>> -> memref<1x50x32xf32, #tpu.memory_space<vmem>>
      %dma_start3A_863 = tpu.memref_squeeze %dma_start3A_862 : memref<1x50x32xf32, #tpu.memory_space<vmem>> -> memref<50x32xf32, #tpu.memory_space<vmem>>
      %dma_start3A_864 = arith.constant 0 : i32
      %dma_start3A_865 = tpu.memref_slice %arg5[%dma_start3A_858, %dma_start3A_864] : memref<16x50xi32, #tpu.memory_space<vmem>> -> memref<1x50xi32, #tpu.memory_space<vmem>>
      %dma_start3A_866 = tpu.memref_squeeze %dma_start3A_865 : memref<1x50xi32, #tpu.memory_space<vmem>> -> memref<50xi32, #tpu.memory_space<vmem>>
      %dma_start3A_867 = arith.constant 0 : i32
      %dma_start3A_868 = arith.constant 0 : i32
      %dma_start3A_869 = tpu.memref_slice %arg3[%dma_start3A_867, %dma_start3A_868] : memref<1000000x32xf32, #tpu.memory_space<hbm>> -> memref<1000000x32xf32, #tpu.memory_space<hbm>>
      tpu.enqueue_indirect_dma source(%dma_start3A_869 : memref<1000000x32xf32, #tpu.memory_space<hbm>>) target(%dma_start3A_863 : memref<50x32xf32, #tpu.memory_space<vmem>>) offsets(%dma_start3A_866 : memref<50xi32, #tpu.memory_space<vmem>>) semaphore(%arg11 : memref<!tpu.dma_semaphore, #tpu.memory_space<semaphore_mem>>)
      %dma_start3A_870 = arith.constant 1 : i32
      %dma_start3A_871 = arith.constant 1 : i32
      %dma_start3A_872 = arith.constant 0 : i32
      %dma_start3A_873 = arith.constant 0 : i32
      %dma_start3A_874 = tpu.memref_slice %arg7[%dma_start3A_871, %dma_start3A_872, %dma_start3A_873] : memref<16x50x32xf32, #tpu.memory_space<vmem>> -> memref<1x50x32xf32, #tpu.memory_space<vmem>>
      %dma_start3A_875 = tpu.memref_squeeze %dma_start3A_874 : memref<1x50x32xf32, #tpu.memory_space<vmem>> -> memref<50x32xf32, #tpu.memory_space<vmem>>
      %dma_start3A_876 = arith.constant 0 : i32
      %dma_start3A_877 = tpu.memref_slice %arg5[%dma_start3A_870, %dma_start3A_876] : memref<16x50xi32, #tpu.memory_space<vmem>> -> memref<1x50xi32, #tpu.memory_space<vmem>>
      %dma_start3A_878 = tpu.memref_squeeze %dma_start3A_877 : memref<1x50xi32, #tpu.memory_space<vmem>> -> memref<50xi32, #tpu.memory_space<vmem>>
      %dma_start3A_879 = arith.constant 0 : i32
      %dma_start3A_880 = arith.constant 0 : i32
      %dma_start3A_881 = tpu.memref_slice %arg3[%dma_start3A_879, %dma_start3A_880] : memref<1000000x32xf32, #tpu.memory_space<hbm>> -> memref<1000000x32xf32, #tpu.memory_space<hbm>>
      tpu.enqueue_indirect_dma source(%dma_start3A_881 : memref<1000000x32xf32, #tpu.memory_space<hbm>>) target(%dma_start3A_875 : memref<50x32xf32, #tpu.memory_space<vmem>>) offsets(%dma_start3A_878 : memref<50xi32, #tpu.memory_space<vmem>>) semaphore(%arg11 : memref<!tpu.dma_semaphore, #tpu.memory_space<semaphore_mem>>)
      %dma_start3A_882 = arith.constant 2 : i32
      %dma_start3A_883 = arith.constant 2 : i32
      %dma_start3A_884 = arith.constant 0 : i32
      %dma_start3A_885 = arith.constant 0 : i32
      %dma_start3A_886 = tpu.memref_slice %arg7[%dma_start3A_883, %dma_start3A_884, %dma_start3A_885] : memref<16x50x32xf32, #tpu.memory_space<vmem>> -> memref<1x50x32xf32, #tpu.memory_space<vmem>>
      %dma_start3A_887 = tpu.memref_squeeze %dma_start3A_886 : memref<1x50x32xf32, #tpu.memory_space<vmem>> -> memref<50x32xf32, #tpu.memory_space<vmem>>
      %dma_start3A_888 = arith.constant 0 : i32
      %dma_start3A_889 = tpu.memref_slice %arg5[%dma_start3A_882, %dma_start3A_888] : memref<16x50xi32, #tpu.memory_space<vmem>> -> memref<1x50xi32, #tpu.memory_space<vmem>>
      %dma_start3A_890 = tpu.memref_squeeze %dma_start3A_889 : memref<1x50xi32, #tpu.memory_space<vmem>> -> memref<50xi32, #tpu.memory_space<vmem>>
      %dma_start3A_891 = arith.constant 0 : i32
      %dma_start3A_892 = arith.constant 0 : i32
      %dma_start3A_893 = tpu.memref_slice %arg3[%dma_start3A_891, %dma_start3A_892] : memref<1000000x32xf32, #tpu.memory_space<hbm>> -> memref<1000000x32xf32, #tpu.memory_space<hbm>>
      tpu.enqueue_indirect_dma source(%dma_start3A_893 : memref<1000000x32xf32, #tpu.memory_space<hbm>>) target(%dma_start3A_887 : memref<50x32xf32, #tpu.memory_space<vmem>>) offsets(%dma_start3A_890 : memref<50xi32, #tpu.memory_space<vmem>>) semaphore(%arg11 : memref<!tpu.dma_semaphore, #tpu.memory_space<semaphore_mem>>)
      %dma_start3A_894 = arith.constant 3 : i32
      %dma_start3A_895 = arith.constant 3 : i32
      %dma_start3A_896 = arith.constant 0 : i32
      %dma_start3A_897 = arith.constant 0 : i32
      %dma_start3A_898 = tpu.memref_slice %arg7[%dma_start3A_895, %dma_start3A_896, %dma_start3A_897] : memref<16x50x32xf32, #tpu.memory_space<vmem>> -> memref<1x50x32xf32, #tpu.memory_space<vmem>>
      %dma_start3A_899 = tpu.memref_squeeze %dma_start3A_898 : memref<1x50x32xf32, #tpu.memory_space<vmem>> -> memref<50x32xf32, #tpu.memory_space<vmem>>
      %dma_start3A_900 = arith.constant 0 : i32
      %dma_start3A_901 = tpu.memref_slice %arg5[%dma_start3A_894, %dma_start3A_900] : memref<16x50xi32, #tpu.memory_space<vmem>> -> memref<1x50xi32, #tpu.memory_space<vmem>>
      %dma_start3A_902 = tpu.memref_squeeze %dma_start3A_901 : memref<1x50xi32, #tpu.memory_space<vmem>> -> memref<50xi32, #tpu.memory_space<vmem>>
      %dma_start3A_903 = arith.constant 0 : i32
      %dma_start3A_904 = arith.constant 0 : i32
      %dma_start3A_905 = tpu.memref_slice %arg3[%dma_start3A_903, %dma_start3A_904] : memref<1000000x32xf32, #tpu.memory_space<hbm>> -> memref<1000000x32xf32, #tpu.memory_space<hbm>>
      tpu.enqueue_indirect_dma source(%dma_start3A_905 : memref<1000000x32xf32, #tpu.memory_space<hbm>>) target(%dma_start3A_899 : memref<50x32xf32, #tpu.memory_space<vmem>>) offsets(%dma_start3A_902 : memref<50xi32, #tpu.memory_space<vmem>>) semaphore(%arg11 : memref<!tpu.dma_semaphore, #tpu.memory_space<semaphore_mem>>)
      %dma_start3A_906 = arith.constant 4 : i32
      %dma_start3A_907 = arith.constant 4 : i32
      %dma_start3A_908 = arith.constant 0 : i32
      %dma_start3A_909 = arith.constant 0 : i32
      %dma_start3A_910 = tpu.memref_slice %arg7[%dma_start3A_907, %dma_start3A_908, %dma_start3A_909] : memref<16x50x32xf32, #tpu.memory_space<vmem>> -> memref<1x50x32xf32, #tpu.memory_space<vmem>>
      %dma_start3A_911 = tpu.memref_squeeze %dma_start3A_910 : memref<1x50x32xf32, #tpu.memory_space<vmem>> -> memref<50x32xf32, #tpu.memory_space<vmem>>
      %dma_start3A_912 = arith.constant 0 : i32
      %dma_start3A_913 = tpu.memref_slice %arg5[%dma_start3A_906, %dma_start3A_912] : memref<16x50xi32, #tpu.memory_space<vmem>> -> memref<1x50xi32, #tpu.memory_space<vmem>>
      %dma_start3A_914 = tpu.memref_squeeze %dma_start3A_913 : memref<1x50xi32, #tpu.memory_space<vmem>> -> memref<50xi32, #tpu.memory_space<vmem>>
      %dma_start3A_915 = arith.constant 0 : i32
      %dma_start3A_916 = arith.constant 0 : i32
      %dma_start3A_917 = tpu.memref_slice %arg3[%dma_start3A_915, %dma_start3A_916] : memref<1000000x32xf32, #tpu.memory_space<hbm>> -> memref<1000000x32xf32, #tpu.memory_space<hbm>>
      tpu.enqueue_indirect_dma source(%dma_start3A_917 : memref<1000000x32xf32, #tpu.memory_space<hbm>>) target(%dma_start3A_911 : memref<50x32xf32, #tpu.memory_space<vmem>>) offsets(%dma_start3A_914 : memref<50xi32, #tpu.memory_space<vmem>>) semaphore(%arg11 : memref<!tpu.dma_semaphore, #tpu.memory_space<semaphore_mem>>)
      %dma_start3A_918 = arith.constant 5 : i32
      %dma_start3A_919 = arith.constant 5 : i32
      %dma_start3A_920 = arith.constant 0 : i32
      %dma_start3A_921 = arith.constant 0 : i32
      %dma_start3A_922 = tpu.memref_slice %arg7[%dma_start3A_919, %dma_start3A_920, %dma_start3A_921] : memref<16x50x32xf32, #tpu.memory_space<vmem>> -> memref<1x50x32xf32, #tpu.memory_space<vmem>>
      %dma_start3A_923 = tpu.memref_squeeze %dma_start3A_922 : memref<1x50x32xf32, #tpu.memory_space<vmem>> -> memref<50x32xf32, #tpu.memory_space<vmem>>
      %dma_start3A_924 = arith.constant 0 : i32
      %dma_start3A_925 = tpu.memref_slice %arg5[%dma_start3A_918, %dma_start3A_924] : memref<16x50xi32, #tpu.memory_space<vmem>> -> memref<1x50xi32, #tpu.memory_space<vmem>>
      %dma_start3A_926 = tpu.memref_squeeze %dma_start3A_925 : memref<1x50xi32, #tpu.memory_space<vmem>> -> memref<50xi32, #tpu.memory_space<vmem>>
      %dma_start3A_927 = arith.constant 0 : i32
      %dma_start3A_928 = arith.constant 0 : i32
      %dma_start3A_929 = tpu.memref_slice %arg3[%dma_start3A_927, %dma_start3A_928] : memref<1000000x32xf32, #tpu.memory_space<hbm>> -> memref<1000000x32xf32, #tpu.memory_space<hbm>>
      tpu.enqueue_indirect_dma source(%dma_start3A_929 : memref<1000000x32xf32, #tpu.memory_space<hbm>>) target(%dma_start3A_923 : memref<50x32xf32, #tpu.memory_space<vmem>>) offsets(%dma_start3A_926 : memref<50xi32, #tpu.memory_space<vmem>>) semaphore(%arg11 : memref<!tpu.dma_semaphore, #tpu.memory_space<semaphore_mem>>)
      %dma_start3A_930 = arith.constant 6 : i32
      %dma_start3A_931 = arith.constant 6 : i32
      %dma_start3A_932 = arith.constant 0 : i32
      %dma_start3A_933 = arith.constant 0 : i32
      %dma_start3A_934 = tpu.memref_slice %arg7[%dma_start3A_931, %dma_start3A_932, %dma_start3A_933] : memref<16x50x32xf32, #tpu.memory_space<vmem>> -> memref<1x50x32xf32, #tpu.memory_space<vmem>>
      %dma_start3A_935 = tpu.memref_squeeze %dma_start3A_934 : memref<1x50x32xf32, #tpu.memory_space<vmem>> -> memref<50x32xf32, #tpu.memory_space<vmem>>
      %dma_start3A_936 = arith.constant 0 : i32
      %dma_start3A_937 = tpu.memref_slice %arg5[%dma_start3A_930, %dma_start3A_936] : memref<16x50xi32, #tpu.memory_space<vmem>> -> memref<1x50xi32, #tpu.memory_space<vmem>>
      %dma_start3A_938 = tpu.memref_squeeze %dma_start3A_937 : memref<1x50xi32, #tpu.memory_space<vmem>> -> memref<50xi32, #tpu.memory_space<vmem>>
      %dma_start3A_939 = arith.constant 0 : i32
      %dma_start3A_940 = arith.constant 0 : i32
      %dma_start3A_941 = tpu.memref_slice %arg3[%dma_start3A_939, %dma_start3A_940] : memref<1000000x32xf32, #tpu.memory_space<hbm>> -> memref<1000000x32xf32, #tpu.memory_space<hbm>>
      tpu.enqueue_indirect_dma source(%dma_start3A_941 : memref<1000000x32xf32, #tpu.memory_space<hbm>>) target(%dma_start3A_935 : memref<50x32xf32, #tpu.memory_space<vmem>>) offsets(%dma_start3A_938 : memref<50xi32, #tpu.memory_space<vmem>>) semaphore(%arg11 : memref<!tpu.dma_semaphore, #tpu.memory_space<semaphore_mem>>)
      %dma_start3A_942 = arith.constant 7 : i32
      %dma_start3A_943 = arith.constant 7 : i32
      %dma_start3A_944 = arith.constant 0 : i32
      %dma_start3A_945 = arith.constant 0 : i32
      %dma_start3A_946 = tpu.memref_slice %arg7[%dma_start3A_943, %dma_start3A_944, %dma_start3A_945] : memref<16x50x32xf32, #tpu.memory_space<vmem>> -> memref<1x50x32xf32, #tpu.memory_space<vmem>>
      %dma_start3A_947 = tpu.memref_squeeze %dma_start3A_946 : memref<1x50x32xf32, #tpu.memory_space<vmem>> -> memref<50x32xf32, #tpu.memory_space<vmem>>
      %dma_start3A_948 = arith.constant 0 : i32
      %dma_start3A_949 = tpu.memref_slice %arg5[%dma_start3A_942, %dma_start3A_948] : memref<16x50xi32, #tpu.memory_space<vmem>> -> memref<1x50xi32, #tpu.memory_space<vmem>>
      %dma_start3A_950 = tpu.memref_squeeze %dma_start3A_949 : memref<1x50xi32, #tpu.memory_space<vmem>> -> memref<50xi32, #tpu.memory_space<vmem>>
      %dma_start3A_951 = arith.constant 0 : i32
      %dma_start3A_952 = arith.constant 0 : i32
      %dma_start3A_953 = tpu.memref_slice %arg3[%dma_start3A_951, %dma_start3A_952] : memref<1000000x32xf32, #tpu.memory_space<hbm>> -> memref<1000000x32xf32, #tpu.memory_space<hbm>>
      tpu.enqueue_indirect_dma source(%dma_start3A_953 : memref<1000000x32xf32, #tpu.memory_space<hbm>>) target(%dma_start3A_947 : memref<50x32xf32, #tpu.memory_space<vmem>>) offsets(%dma_start3A_950 : memref<50xi32, #tpu.memory_space<vmem>>) semaphore(%arg11 : memref<!tpu.dma_semaphore, #tpu.memory_space<semaphore_mem>>)
      %dma_start3A_954 = arith.constant 8 : i32
      %dma_start3A_955 = arith.constant 8 : i32
      %dma_start3A_956 = arith.constant 0 : i32
      %dma_start3A_957 = arith.constant 0 : i32
      %dma_start3A_958 = tpu.memref_slice %arg7[%dma_start3A_955, %dma_start3A_956, %dma_start3A_957] : memref<16x50x32xf32, #tpu.memory_space<vmem>> -> memref<1x50x32xf32, #tpu.memory_space<vmem>>
      %dma_start3A_959 = tpu.memref_squeeze %dma_start3A_958 : memref<1x50x32xf32, #tpu.memory_space<vmem>> -> memref<50x32xf32, #tpu.memory_space<vmem>>
      %dma_start3A_960 = arith.constant 0 : i32
      %dma_start3A_961 = tpu.memref_slice %arg5[%dma_start3A_954, %dma_start3A_960] : memref<16x50xi32, #tpu.memory_space<vmem>> -> memref<1x50xi32, #tpu.memory_space<vmem>>
      %dma_start3A_962 = tpu.memref_squeeze %dma_start3A_961 : memref<1x50xi32, #tpu.memory_space<vmem>> -> memref<50xi32, #tpu.memory_space<vmem>>
      %dma_start3A_963 = arith.constant 0 : i32
      %dma_start3A_964 = arith.constant 0 : i32
      %dma_start3A_965 = tpu.memref_slice %arg3[%dma_start3A_963, %dma_start3A_964] : memref<1000000x32xf32, #tpu.memory_space<hbm>> -> memref<1000000x32xf32, #tpu.memory_space<hbm>>
      tpu.enqueue_indirect_dma source(%dma_start3A_965 : memref<1000000x32xf32, #tpu.memory_space<hbm>>) target(%dma_start3A_959 : memref<50x32xf32, #tpu.memory_space<vmem>>) offsets(%dma_start3A_962 : memref<50xi32, #tpu.memory_space<vmem>>) semaphore(%arg11 : memref<!tpu.dma_semaphore, #tpu.memory_space<semaphore_mem>>)
      %dma_start3A_966 = arith.constant 9 : i32
      %dma_start3A_967 = arith.constant 9 : i32
      %dma_start3A_968 = arith.constant 0 : i32
      %dma_start3A_969 = arith.constant 0 : i32
      %dma_start3A_970 = tpu.memref_slice %arg7[%dma_start3A_967, %dma_start3A_968, %dma_start3A_969] : memref<16x50x32xf32, #tpu.memory_space<vmem>> -> memref<1x50x32xf32, #tpu.memory_space<vmem>>
      %dma_start3A_971 = tpu.memref_squeeze %dma_start3A_970 : memref<1x50x32xf32, #tpu.memory_space<vmem>> -> memref<50x32xf32, #tpu.memory_space<vmem>>
      %dma_start3A_972 = arith.constant 0 : i32
      %dma_start3A_973 = tpu.memref_slice %arg5[%dma_start3A_966, %dma_start3A_972] : memref<16x50xi32, #tpu.memory_space<vmem>> -> memref<1x50xi32, #tpu.memory_space<vmem>>
      %dma_start3A_974 = tpu.memref_squeeze %dma_start3A_973 : memref<1x50xi32, #tpu.memory_space<vmem>> -> memref<50xi32, #tpu.memory_space<vmem>>
      %dma_start3A_975 = arith.constant 0 : i32
      %dma_start3A_976 = arith.constant 0 : i32
      %dma_start3A_977 = tpu.memref_slice %arg3[%dma_start3A_975, %dma_start3A_976] : memref<1000000x32xf32, #tpu.memory_space<hbm>> -> memref<1000000x32xf32, #tpu.memory_space<hbm>>
      tpu.enqueue_indirect_dma source(%dma_start3A_977 : memref<1000000x32xf32, #tpu.memory_space<hbm>>) target(%dma_start3A_971 : memref<50x32xf32, #tpu.memory_space<vmem>>) offsets(%dma_start3A_974 : memref<50xi32, #tpu.memory_space<vmem>>) semaphore(%arg11 : memref<!tpu.dma_semaphore, #tpu.memory_space<semaphore_mem>>)
      %dma_start3A_978 = arith.constant 10 : i32
      %dma_start3A_979 = arith.constant 10 : i32
      %dma_start3A_980 = arith.constant 0 : i32
      %dma_start3A_981 = arith.constant 0 : i32
      %dma_start3A_982 = tpu.memref_slice %arg7[%dma_start3A_979, %dma_start3A_980, %dma_start3A_981] : memref<16x50x32xf32, #tpu.memory_space<vmem>> -> memref<1x50x32xf32, #tpu.memory_space<vmem>>
      %dma_start3A_983 = tpu.memref_squeeze %dma_start3A_982 : memref<1x50x32xf32, #tpu.memory_space<vmem>> -> memref<50x32xf32, #tpu.memory_space<vmem>>
      %dma_start3A_984 = arith.constant 0 : i32
      %dma_start3A_985 = tpu.memref_slice %arg5[%dma_start3A_978, %dma_start3A_984] : memref<16x50xi32, #tpu.memory_space<vmem>> -> memref<1x50xi32, #tpu.memory_space<vmem>>
      %dma_start3A_986 = tpu.memref_squeeze %dma_start3A_985 : memref<1x50xi32, #tpu.memory_space<vmem>> -> memref<50xi32, #tpu.memory_space<vmem>>
      %dma_start3A_987 = arith.constant 0 : i32
      %dma_start3A_988 = arith.constant 0 : i32
      %dma_start3A_989 = tpu.memref_slice %arg3[%dma_start3A_987, %dma_start3A_988] : memref<1000000x32xf32, #tpu.memory_space<hbm>> -> memref<1000000x32xf32, #tpu.memory_space<hbm>>
      tpu.enqueue_indirect_dma source(%dma_start3A_989 : memref<1000000x32xf32, #tpu.memory_space<hbm>>) target(%dma_start3A_983 : memref<50x32xf32, #tpu.memory_space<vmem>>) offsets(%dma_start3A_986 : memref<50xi32, #tpu.memory_space<vmem>>) semaphore(%arg11 : memref<!tpu.dma_semaphore, #tpu.memory_space<semaphore_mem>>)
      %dma_start3A_990 = arith.constant 11 : i32
      %dma_start3A_991 = arith.constant 11 : i32
      %dma_start3A_992 = arith.constant 0 : i32
      %dma_start3A_993 = arith.constant 0 : i32
      %dma_start3A_994 = tpu.memref_slice %arg7[%dma_start3A_991, %dma_start3A_992, %dma_start3A_993] : memref<16x50x32xf32, #tpu.memory_space<vmem>> -> memref<1x50x32xf32, #tpu.memory_space<vmem>>
      %dma_start3A_995 = tpu.memref_squeeze %dma_start3A_994 : memref<1x50x32xf32, #tpu.memory_space<vmem>> -> memref<50x32xf32, #tpu.memory_space<vmem>>
      %dma_start3A_996 = arith.constant 0 : i32
      %dma_start3A_997 = tpu.memref_slice %arg5[%dma_start3A_990, %dma_start3A_996] : memref<16x50xi32, #tpu.memory_space<vmem>> -> memref<1x50xi32, #tpu.memory_space<vmem>>
      %dma_start3A_998 = tpu.memref_squeeze %dma_start3A_997 : memref<1x50xi32, #tpu.memory_space<vmem>> -> memref<50xi32, #tpu.memory_space<vmem>>
      %dma_start3A_999 = arith.constant 0 : i32
      %dma_start3A_1000 = arith.constant 0 : i32
      %dma_start3A_1001 = tpu.memref_slice %arg3[%dma_start3A_999, %dma_start3A_1000] : memref<1000000x32xf32, #tpu.memory_space<hbm>> -> memref<1000000x32xf32, #tpu.memory_space<hbm>>
      tpu.enqueue_indirect_dma source(%dma_start3A_1001 : memref<1000000x32xf32, #tpu.memory_space<hbm>>) target(%dma_start3A_995 : memref<50x32xf32, #tpu.memory_space<vmem>>) offsets(%dma_start3A_998 : memref<50xi32, #tpu.memory_space<vmem>>) semaphore(%arg11 : memref<!tpu.dma_semaphore, #tpu.memory_space<semaphore_mem>>)
      %dma_start3A_1002 = arith.constant 12 : i32
      %dma_start3A_1003 = arith.constant 12 : i32
      %dma_start3A_1004 = arith.constant 0 : i32
      %dma_start3A_1005 = arith.constant 0 : i32
      %dma_start3A_1006 = tpu.memref_slice %arg7[%dma_start3A_1003, %dma_start3A_1004, %dma_start3A_1005] : memref<16x50x32xf32, #tpu.memory_space<vmem>> -> memref<1x50x32xf32, #tpu.memory_space<vmem>>
      %dma_start3A_1007 = tpu.memref_squeeze %dma_start3A_1006 : memref<1x50x32xf32, #tpu.memory_space<vmem>> -> memref<50x32xf32, #tpu.memory_space<vmem>>
      %dma_start3A_1008 = arith.constant 0 : i32
      %dma_start3A_1009 = tpu.memref_slice %arg5[%dma_start3A_1002, %dma_start3A_1008] : memref<16x50xi32, #tpu.memory_space<vmem>> -> memref<1x50xi32, #tpu.memory_space<vmem>>
      %dma_start3A_1010 = tpu.memref_squeeze %dma_start3A_1009 : memref<1x50xi32, #tpu.memory_space<vmem>> -> memref<50xi32, #tpu.memory_space<vmem>>
      %dma_start3A_1011 = arith.constant 0 : i32
      %dma_start3A_1012 = arith.constant 0 : i32
      %dma_start3A_1013 = tpu.memref_slice %arg3[%dma_start3A_1011, %dma_start3A_1012] : memref<1000000x32xf32, #tpu.memory_space<hbm>> -> memref<1000000x32xf32, #tpu.memory_space<hbm>>
      tpu.enqueue_indirect_dma source(%dma_start3A_1013 : memref<1000000x32xf32, #tpu.memory_space<hbm>>) target(%dma_start3A_1007 : memref<50x32xf32, #tpu.memory_space<vmem>>) offsets(%dma_start3A_1010 : memref<50xi32, #tpu.memory_space<vmem>>) semaphore(%arg11 : memref<!tpu.dma_semaphore, #tpu.memory_space<semaphore_mem>>)
      %dma_start3A_1014 = arith.constant 13 : i32
      %dma_start3A_1015 = arith.constant 13 : i32
      %dma_start3A_1016 = arith.constant 0 : i32
      %dma_start3A_1017 = arith.constant 0 : i32
      %dma_start3A_1018 = tpu.memref_slice %arg7[%dma_start3A_1015, %dma_start3A_1016, %dma_start3A_1017] : memref<16x50x32xf32, #tpu.memory_space<vmem>> -> memref<1x50x32xf32, #tpu.memory_space<vmem>>
      %dma_start3A_1019 = tpu.memref_squeeze %dma_start3A_1018 : memref<1x50x32xf32, #tpu.memory_space<vmem>> -> memref<50x32xf32, #tpu.memory_space<vmem>>
      %dma_start3A_1020 = arith.constant 0 : i32
      %dma_start3A_1021 = tpu.memref_slice %arg5[%dma_start3A_1014, %dma_start3A_1020] : memref<16x50xi32, #tpu.memory_space<vmem>> -> memref<1x50xi32, #tpu.memory_space<vmem>>
      %dma_start3A_1022 = tpu.memref_squeeze %dma_start3A_1021 : memref<1x50xi32, #tpu.memory_space<vmem>> -> memref<50xi32, #tpu.memory_space<vmem>>
      %dma_start3A_1023 = arith.constant 0 : i32
      %dma_start3A_1024 = arith.constant 0 : i32
      %dma_start3A_1025 = tpu.memref_slice %arg3[%dma_start3A_1023, %dma_start3A_1024] : memref<1000000x32xf32, #tpu.memory_space<hbm>> -> memref<1000000x32xf32, #tpu.memory_space<hbm>>
      tpu.enqueue_indirect_dma source(%dma_start3A_1025 : memref<1000000x32xf32, #tpu.memory_space<hbm>>) target(%dma_start3A_1019 : memref<50x32xf32, #tpu.memory_space<vmem>>) offsets(%dma_start3A_1022 : memref<50xi32, #tpu.memory_space<vmem>>) semaphore(%arg11 : memref<!tpu.dma_semaphore, #tpu.memory_space<semaphore_mem>>)
      %dma_start3A_1026 = arith.constant 14 : i32
      %dma_start3A_1027 = arith.constant 14 : i32
      %dma_start3A_1028 = arith.constant 0 : i32
      %dma_start3A_1029 = arith.constant 0 : i32
      %dma_start3A_1030 = tpu.memref_slice %arg7[%dma_start3A_1027, %dma_start3A_1028, %dma_start3A_1029] : memref<16x50x32xf32, #tpu.memory_space<vmem>> -> memref<1x50x32xf32, #tpu.memory_space<vmem>>
      %dma_start3A_1031 = tpu.memref_squeeze %dma_start3A_1030 : memref<1x50x32xf32, #tpu.memory_space<vmem>> -> memref<50x32xf32, #tpu.memory_space<vmem>>
      %dma_start3A_1032 = arith.constant 0 : i32
      %dma_start3A_1033 = tpu.memref_slice %arg5[%dma_start3A_1026, %dma_start3A_1032] : memref<16x50xi32, #tpu.memory_space<vmem>> -> memref<1x50xi32, #tpu.memory_space<vmem>>
      %dma_start3A_1034 = tpu.memref_squeeze %dma_start3A_1033 : memref<1x50xi32, #tpu.memory_space<vmem>> -> memref<50xi32, #tpu.memory_space<vmem>>
      %dma_start3A_1035 = arith.constant 0 : i32
      %dma_start3A_1036 = arith.constant 0 : i32
      %dma_start3A_1037 = tpu.memref_slice %arg3[%dma_start3A_1035, %dma_start3A_1036] : memref<1000000x32xf32, #tpu.memory_space<hbm>> -> memref<1000000x32xf32, #tpu.memory_space<hbm>>
      tpu.enqueue_indirect_dma source(%dma_start3A_1037 : memref<1000000x32xf32, #tpu.memory_space<hbm>>) target(%dma_start3A_1031 : memref<50x32xf32, #tpu.memory_space<vmem>>) offsets(%dma_start3A_1034 : memref<50xi32, #tpu.memory_space<vmem>>) semaphore(%arg11 : memref<!tpu.dma_semaphore, #tpu.memory_space<semaphore_mem>>)
      %dma_start3A_1038 = arith.constant 15 : i32
      %dma_start3A_1039 = arith.constant 15 : i32
      %dma_start3A_1040 = arith.constant 0 : i32
      %dma_start3A_1041 = arith.constant 0 : i32
      %dma_start3A_1042 = tpu.memref_slice %arg7[%dma_start3A_1039, %dma_start3A_1040, %dma_start3A_1041] : memref<16x50x32xf32, #tpu.memory_space<vmem>> -> memref<1x50x32xf32, #tpu.memory_space<vmem>>
      %dma_start3A_1043 = tpu.memref_squeeze %dma_start3A_1042 : memref<1x50x32xf32, #tpu.memory_space<vmem>> -> memref<50x32xf32, #tpu.memory_space<vmem>>
      %dma_start3A_1044 = arith.constant 0 : i32
      %dma_start3A_1045 = tpu.memref_slice %arg5[%dma_start3A_1038, %dma_start3A_1044] : memref<16x50xi32, #tpu.memory_space<vmem>> -> memref<1x50xi32, #tpu.memory_space<vmem>>
      %dma_start3A_1046 = tpu.memref_squeeze %dma_start3A_1045 : memref<1x50xi32, #tpu.memory_space<vmem>> -> memref<50xi32, #tpu.memory_space<vmem>>
      %dma_start3A_1047 = arith.constant 0 : i32
      %dma_start3A_1048 = arith.constant 0 : i32
      %dma_start3A_1049 = tpu.memref_slice %arg3[%dma_start3A_1047, %dma_start3A_1048] : memref<1000000x32xf32, #tpu.memory_space<hbm>> -> memref<1000000x32xf32, #tpu.memory_space<hbm>>
      tpu.enqueue_indirect_dma source(%dma_start3A_1049 : memref<1000000x32xf32, #tpu.memory_space<hbm>>) target(%dma_start3A_1043 : memref<50x32xf32, #tpu.memory_space<vmem>>) offsets(%dma_start3A_1046 : memref<50xi32, #tpu.memory_space<vmem>>) semaphore(%arg11 : memref<!tpu.dma_semaphore, #tpu.memory_space<semaphore_mem>>)
      %dma_wait3A_1050 = arith.constant 0 : i32
      %dma_wait3A_1051 = arith.constant 0 : i32
      %dma_wait3A_1052 = arith.constant 0 : i32
      %dma_wait3A_1053 = arith.constant 0 : i32
      %dma_wait3A_1054 = tpu.memref_slice %arg8[%dma_wait3A_1051, %dma_wait3A_1052, %dma_wait3A_1053] : memref<16x50x32xf32, #tpu.memory_space<vmem>> -> memref<1x50x32xf32, #tpu.memory_space<vmem>>
      %dma_wait3A_1055 = tpu.memref_squeeze %dma_wait3A_1054 : memref<1x50x32xf32, #tpu.memory_space<vmem>> -> memref<50x32xf32, #tpu.memory_space<vmem>>
      %dma_wait3A_1056 = arith.constant 0 : i32
      %dma_wait3A_1057 = tpu.memref_slice %arg6[%dma_wait3A_1050, %dma_wait3A_1056] : memref<16x50xi32, #tpu.memory_space<vmem>> -> memref<1x50xi32, #tpu.memory_space<vmem>>
      %dma_wait3A_1058 = tpu.memref_squeeze %dma_wait3A_1057 : memref<1x50xi32, #tpu.memory_space<vmem>> -> memref<50xi32, #tpu.memory_space<vmem>>
      %dma_wait3A_1059 = arith.constant 0 : i32
      %dma_wait3A_1060 = arith.constant 0 : i32
      %dma_wait3A_1061 = tpu.memref_slice %arg3[%dma_wait3A_1059, %dma_wait3A_1060] : memref<1000000x32xf32, #tpu.memory_space<hbm>> -> memref<1000000x32xf32, #tpu.memory_space<hbm>>
      tpu.wait_indirect_dma semaphore(%arg12 : memref<!tpu.dma_semaphore, #tpu.memory_space<semaphore_mem>>) src(%dma_wait3A_1061 : memref<1000000x32xf32, #tpu.memory_space<hbm>>) dst(%dma_wait3A_1055 : memref<50x32xf32, #tpu.memory_space<vmem>>)
      %dma_wait3A_1062 = arith.constant 1 : i32
      %dma_wait3A_1063 = arith.constant 1 : i32
      %dma_wait3A_1064 = arith.constant 0 : i32
      %dma_wait3A_1065 = arith.constant 0 : i32
      %dma_wait3A_1066 = tpu.memref_slice %arg8[%dma_wait3A_1063, %dma_wait3A_1064, %dma_wait3A_1065] : memref<16x50x32xf32, #tpu.memory_space<vmem>> -> memref<1x50x32xf32, #tpu.memory_space<vmem>>
      %dma_wait3A_1067 = tpu.memref_squeeze %dma_wait3A_1066 : memref<1x50x32xf32, #tpu.memory_space<vmem>> -> memref<50x32xf32, #tpu.memory_space<vmem>>
      %dma_wait3A_1068 = arith.constant 0 : i32
      %dma_wait3A_1069 = tpu.memref_slice %arg6[%dma_wait3A_1062, %dma_wait3A_1068] : memref<16x50xi32, #tpu.memory_space<vmem>> -> memref<1x50xi32, #tpu.memory_space<vmem>>
      %dma_wait3A_1070 = tpu.memref_squeeze %dma_wait3A_1069 : memref<1x50xi32, #tpu.memory_space<vmem>> -> memref<50xi32, #tpu.memory_space<vmem>>
      %dma_wait3A_1071 = arith.constant 0 : i32
      %dma_wait3A_1072 = arith.constant 0 : i32
      %dma_wait3A_1073 = tpu.memref_slice %arg3[%dma_wait3A_1071, %dma_wait3A_1072] : memref<1000000x32xf32, #tpu.memory_space<hbm>> -> memref<1000000x32xf32, #tpu.memory_space<hbm>>
      tpu.wait_indirect_dma semaphore(%arg12 : memref<!tpu.dma_semaphore, #tpu.memory_space<semaphore_mem>>) src(%dma_wait3A_1073 : memref<1000000x32xf32, #tpu.memory_space<hbm>>) dst(%dma_wait3A_1067 : memref<50x32xf32, #tpu.memory_space<vmem>>)
      %dma_wait3A_1074 = arith.constant 2 : i32
      %dma_wait3A_1075 = arith.constant 2 : i32
      %dma_wait3A_1076 = arith.constant 0 : i32
      %dma_wait3A_1077 = arith.constant 0 : i32
      %dma_wait3A_1078 = tpu.memref_slice %arg8[%dma_wait3A_1075, %dma_wait3A_1076, %dma_wait3A_1077] : memref<16x50x32xf32, #tpu.memory_space<vmem>> -> memref<1x50x32xf32, #tpu.memory_space<vmem>>
      %dma_wait3A_1079 = tpu.memref_squeeze %dma_wait3A_1078 : memref<1x50x32xf32, #tpu.memory_space<vmem>> -> memref<50x32xf32, #tpu.memory_space<vmem>>
      %dma_wait3A_1080 = arith.constant 0 : i32
      %dma_wait3A_1081 = tpu.memref_slice %arg6[%dma_wait3A_1074, %dma_wait3A_1080] : memref<16x50xi32, #tpu.memory_space<vmem>> -> memref<1x50xi32, #tpu.memory_space<vmem>>
      %dma_wait3A_1082 = tpu.memref_squeeze %dma_wait3A_1081 : memref<1x50xi32, #tpu.memory_space<vmem>> -> memref<50xi32, #tpu.memory_space<vmem>>
      %dma_wait3A_1083 = arith.constant 0 : i32
      %dma_wait3A_1084 = arith.constant 0 : i32
      %dma_wait3A_1085 = tpu.memref_slice %arg3[%dma_wait3A_1083, %dma_wait3A_1084] : memref<1000000x32xf32, #tpu.memory_space<hbm>> -> memref<1000000x32xf32, #tpu.memory_space<hbm>>
      tpu.wait_indirect_dma semaphore(%arg12 : memref<!tpu.dma_semaphore, #tpu.memory_space<semaphore_mem>>) src(%dma_wait3A_1085 : memref<1000000x32xf32, #tpu.memory_space<hbm>>) dst(%dma_wait3A_1079 : memref<50x32xf32, #tpu.memory_space<vmem>>)
      %dma_wait3A_1086 = arith.constant 3 : i32
      %dma_wait3A_1087 = arith.constant 3 : i32
      %dma_wait3A_1088 = arith.constant 0 : i32
      %dma_wait3A_1089 = arith.constant 0 : i32
      %dma_wait3A_1090 = tpu.memref_slice %arg8[%dma_wait3A_1087, %dma_wait3A_1088, %dma_wait3A_1089] : memref<16x50x32xf32, #tpu.memory_space<vmem>> -> memref<1x50x32xf32, #tpu.memory_space<vmem>>
      %dma_wait3A_1091 = tpu.memref_squeeze %dma_wait3A_1090 : memref<1x50x32xf32, #tpu.memory_space<vmem>> -> memref<50x32xf32, #tpu.memory_space<vmem>>
      %dma_wait3A_1092 = arith.constant 0 : i32
      %dma_wait3A_1093 = tpu.memref_slice %arg6[%dma_wait3A_1086, %dma_wait3A_1092] : memref<16x50xi32, #tpu.memory_space<vmem>> -> memref<1x50xi32, #tpu.memory_space<vmem>>
      %dma_wait3A_1094 = tpu.memref_squeeze %dma_wait3A_1093 : memref<1x50xi32, #tpu.memory_space<vmem>> -> memref<50xi32, #tpu.memory_space<vmem>>
      %dma_wait3A_1095 = arith.constant 0 : i32
      %dma_wait3A_1096 = arith.constant 0 : i32
      %dma_wait3A_1097 = tpu.memref_slice %arg3[%dma_wait3A_1095, %dma_wait3A_1096] : memref<1000000x32xf32, #tpu.memory_space<hbm>> -> memref<1000000x32xf32, #tpu.memory_space<hbm>>
      tpu.wait_indirect_dma semaphore(%arg12 : memref<!tpu.dma_semaphore, #tpu.memory_space<semaphore_mem>>) src(%dma_wait3A_1097 : memref<1000000x32xf32, #tpu.memory_space<hbm>>) dst(%dma_wait3A_1091 : memref<50x32xf32, #tpu.memory_space<vmem>>)
      %dma_wait3A_1098 = arith.constant 4 : i32
      %dma_wait3A_1099 = arith.constant 4 : i32
      %dma_wait3A_1100 = arith.constant 0 : i32
      %dma_wait3A_1101 = arith.constant 0 : i32
      %dma_wait3A_1102 = tpu.memref_slice %arg8[%dma_wait3A_1099, %dma_wait3A_1100, %dma_wait3A_1101] : memref<16x50x32xf32, #tpu.memory_space<vmem>> -> memref<1x50x32xf32, #tpu.memory_space<vmem>>
      %dma_wait3A_1103 = tpu.memref_squeeze %dma_wait3A_1102 : memref<1x50x32xf32, #tpu.memory_space<vmem>> -> memref<50x32xf32, #tpu.memory_space<vmem>>
      %dma_wait3A_1104 = arith.constant 0 : i32
      %dma_wait3A_1105 = tpu.memref_slice %arg6[%dma_wait3A_1098, %dma_wait3A_1104] : memref<16x50xi32, #tpu.memory_space<vmem>> -> memref<1x50xi32, #tpu.memory_space<vmem>>
      %dma_wait3A_1106 = tpu.memref_squeeze %dma_wait3A_1105 : memref<1x50xi32, #tpu.memory_space<vmem>> -> memref<50xi32, #tpu.memory_space<vmem>>
      %dma_wait3A_1107 = arith.constant 0 : i32
      %dma_wait3A_1108 = arith.constant 0 : i32
      %dma_wait3A_1109 = tpu.memref_slice %arg3[%dma_wait3A_1107, %dma_wait3A_1108] : memref<1000000x32xf32, #tpu.memory_space<hbm>> -> memref<1000000x32xf32, #tpu.memory_space<hbm>>
      tpu.wait_indirect_dma semaphore(%arg12 : memref<!tpu.dma_semaphore, #tpu.memory_space<semaphore_mem>>) src(%dma_wait3A_1109 : memref<1000000x32xf32, #tpu.memory_space<hbm>>) dst(%dma_wait3A_1103 : memref<50x32xf32, #tpu.memory_space<vmem>>)
      %dma_wait3A_1110 = arith.constant 5 : i32
      %dma_wait3A_1111 = arith.constant 5 : i32
      %dma_wait3A_1112 = arith.constant 0 : i32
      %dma_wait3A_1113 = arith.constant 0 : i32
      %dma_wait3A_1114 = tpu.memref_slice %arg8[%dma_wait3A_1111, %dma_wait3A_1112, %dma_wait3A_1113] : memref<16x50x32xf32, #tpu.memory_space<vmem>> -> memref<1x50x32xf32, #tpu.memory_space<vmem>>
      %dma_wait3A_1115 = tpu.memref_squeeze %dma_wait3A_1114 : memref<1x50x32xf32, #tpu.memory_space<vmem>> -> memref<50x32xf32, #tpu.memory_space<vmem>>
      %dma_wait3A_1116 = arith.constant 0 : i32
      %dma_wait3A_1117 = tpu.memref_slice %arg6[%dma_wait3A_1110, %dma_wait3A_1116] : memref<16x50xi32, #tpu.memory_space<vmem>> -> memref<1x50xi32, #tpu.memory_space<vmem>>
      %dma_wait3A_1118 = tpu.memref_squeeze %dma_wait3A_1117 : memref<1x50xi32, #tpu.memory_space<vmem>> -> memref<50xi32, #tpu.memory_space<vmem>>
      %dma_wait3A_1119 = arith.constant 0 : i32
      %dma_wait3A_1120 = arith.constant 0 : i32
      %dma_wait3A_1121 = tpu.memref_slice %arg3[%dma_wait3A_1119, %dma_wait3A_1120] : memref<1000000x32xf32, #tpu.memory_space<hbm>> -> memref<1000000x32xf32, #tpu.memory_space<hbm>>
      tpu.wait_indirect_dma semaphore(%arg12 : memref<!tpu.dma_semaphore, #tpu.memory_space<semaphore_mem>>) src(%dma_wait3A_1121 : memref<1000000x32xf32, #tpu.memory_space<hbm>>) dst(%dma_wait3A_1115 : memref<50x32xf32, #tpu.memory_space<vmem>>)
      %dma_wait3A_1122 = arith.constant 6 : i32
      %dma_wait3A_1123 = arith.constant 6 : i32
      %dma_wait3A_1124 = arith.constant 0 : i32
      %dma_wait3A_1125 = arith.constant 0 : i32
      %dma_wait3A_1126 = tpu.memref_slice %arg8[%dma_wait3A_1123, %dma_wait3A_1124, %dma_wait3A_1125] : memref<16x50x32xf32, #tpu.memory_space<vmem>> -> memref<1x50x32xf32, #tpu.memory_space<vmem>>
      %dma_wait3A_1127 = tpu.memref_squeeze %dma_wait3A_1126 : memref<1x50x32xf32, #tpu.memory_space<vmem>> -> memref<50x32xf32, #tpu.memory_space<vmem>>
      %dma_wait3A_1128 = arith.constant 0 : i32
      %dma_wait3A_1129 = tpu.memref_slice %arg6[%dma_wait3A_1122, %dma_wait3A_1128] : memref<16x50xi32, #tpu.memory_space<vmem>> -> memref<1x50xi32, #tpu.memory_space<vmem>>
      %dma_wait3A_1130 = tpu.memref_squeeze %dma_wait3A_1129 : memref<1x50xi32, #tpu.memory_space<vmem>> -> memref<50xi32, #tpu.memory_space<vmem>>
      %dma_wait3A_1131 = arith.constant 0 : i32
      %dma_wait3A_1132 = arith.constant 0 : i32
      %dma_wait3A_1133 = tpu.memref_slice %arg3[%dma_wait3A_1131, %dma_wait3A_1132] : memref<1000000x32xf32, #tpu.memory_space<hbm>> -> memref<1000000x32xf32, #tpu.memory_space<hbm>>
      tpu.wait_indirect_dma semaphore(%arg12 : memref<!tpu.dma_semaphore, #tpu.memory_space<semaphore_mem>>) src(%dma_wait3A_1133 : memref<1000000x32xf32, #tpu.memory_space<hbm>>) dst(%dma_wait3A_1127 : memref<50x32xf32, #tpu.memory_space<vmem>>)
      %dma_wait3A_1134 = arith.constant 7 : i32
      %dma_wait3A_1135 = arith.constant 7 : i32
      %dma_wait3A_1136 = arith.constant 0 : i32
      %dma_wait3A_1137 = arith.constant 0 : i32
      %dma_wait3A_1138 = tpu.memref_slice %arg8[%dma_wait3A_1135, %dma_wait3A_1136, %dma_wait3A_1137] : memref<16x50x32xf32, #tpu.memory_space<vmem>> -> memref<1x50x32xf32, #tpu.memory_space<vmem>>
      %dma_wait3A_1139 = tpu.memref_squeeze %dma_wait3A_1138 : memref<1x50x32xf32, #tpu.memory_space<vmem>> -> memref<50x32xf32, #tpu.memory_space<vmem>>
      %dma_wait3A_1140 = arith.constant 0 : i32
      %dma_wait3A_1141 = tpu.memref_slice %arg6[%dma_wait3A_1134, %dma_wait3A_1140] : memref<16x50xi32, #tpu.memory_space<vmem>> -> memref<1x50xi32, #tpu.memory_space<vmem>>
      %dma_wait3A_1142 = tpu.memref_squeeze %dma_wait3A_1141 : memref<1x50xi32, #tpu.memory_space<vmem>> -> memref<50xi32, #tpu.memory_space<vmem>>
      %dma_wait3A_1143 = arith.constant 0 : i32
      %dma_wait3A_1144 = arith.constant 0 : i32
      %dma_wait3A_1145 = tpu.memref_slice %arg3[%dma_wait3A_1143, %dma_wait3A_1144] : memref<1000000x32xf32, #tpu.memory_space<hbm>> -> memref<1000000x32xf32, #tpu.memory_space<hbm>>
      tpu.wait_indirect_dma semaphore(%arg12 : memref<!tpu.dma_semaphore, #tpu.memory_space<semaphore_mem>>) src(%dma_wait3A_1145 : memref<1000000x32xf32, #tpu.memory_space<hbm>>) dst(%dma_wait3A_1139 : memref<50x32xf32, #tpu.memory_space<vmem>>)
      %dma_wait3A_1146 = arith.constant 8 : i32
      %dma_wait3A_1147 = arith.constant 8 : i32
      %dma_wait3A_1148 = arith.constant 0 : i32
      %dma_wait3A_1149 = arith.constant 0 : i32
      %dma_wait3A_1150 = tpu.memref_slice %arg8[%dma_wait3A_1147, %dma_wait3A_1148, %dma_wait3A_1149] : memref<16x50x32xf32, #tpu.memory_space<vmem>> -> memref<1x50x32xf32, #tpu.memory_space<vmem>>
      %dma_wait3A_1151 = tpu.memref_squeeze %dma_wait3A_1150 : memref<1x50x32xf32, #tpu.memory_space<vmem>> -> memref<50x32xf32, #tpu.memory_space<vmem>>
      %dma_wait3A_1152 = arith.constant 0 : i32
      %dma_wait3A_1153 = tpu.memref_slice %arg6[%dma_wait3A_1146, %dma_wait3A_1152] : memref<16x50xi32, #tpu.memory_space<vmem>> -> memref<1x50xi32, #tpu.memory_space<vmem>>
      %dma_wait3A_1154 = tpu.memref_squeeze %dma_wait3A_1153 : memref<1x50xi32, #tpu.memory_space<vmem>> -> memref<50xi32, #tpu.memory_space<vmem>>
      %dma_wait3A_1155 = arith.constant 0 : i32
      %dma_wait3A_1156 = arith.constant 0 : i32
      %dma_wait3A_1157 = tpu.memref_slice %arg3[%dma_wait3A_1155, %dma_wait3A_1156] : memref<1000000x32xf32, #tpu.memory_space<hbm>> -> memref<1000000x32xf32, #tpu.memory_space<hbm>>
      tpu.wait_indirect_dma semaphore(%arg12 : memref<!tpu.dma_semaphore, #tpu.memory_space<semaphore_mem>>) src(%dma_wait3A_1157 : memref<1000000x32xf32, #tpu.memory_space<hbm>>) dst(%dma_wait3A_1151 : memref<50x32xf32, #tpu.memory_space<vmem>>)
      %dma_wait3A_1158 = arith.constant 9 : i32
      %dma_wait3A_1159 = arith.constant 9 : i32
      %dma_wait3A_1160 = arith.constant 0 : i32
      %dma_wait3A_1161 = arith.constant 0 : i32
      %dma_wait3A_1162 = tpu.memref_slice %arg8[%dma_wait3A_1159, %dma_wait3A_1160, %dma_wait3A_1161] : memref<16x50x32xf32, #tpu.memory_space<vmem>> -> memref<1x50x32xf32, #tpu.memory_space<vmem>>
      %dma_wait3A_1163 = tpu.memref_squeeze %dma_wait3A_1162 : memref<1x50x32xf32, #tpu.memory_space<vmem>> -> memref<50x32xf32, #tpu.memory_space<vmem>>
      %dma_wait3A_1164 = arith.constant 0 : i32
      %dma_wait3A_1165 = tpu.memref_slice %arg6[%dma_wait3A_1158, %dma_wait3A_1164] : memref<16x50xi32, #tpu.memory_space<vmem>> -> memref<1x50xi32, #tpu.memory_space<vmem>>
      %dma_wait3A_1166 = tpu.memref_squeeze %dma_wait3A_1165 : memref<1x50xi32, #tpu.memory_space<vmem>> -> memref<50xi32, #tpu.memory_space<vmem>>
      %dma_wait3A_1167 = arith.constant 0 : i32
      %dma_wait3A_1168 = arith.constant 0 : i32
      %dma_wait3A_1169 = tpu.memref_slice %arg3[%dma_wait3A_1167, %dma_wait3A_1168] : memref<1000000x32xf32, #tpu.memory_space<hbm>> -> memref<1000000x32xf32, #tpu.memory_space<hbm>>
      tpu.wait_indirect_dma semaphore(%arg12 : memref<!tpu.dma_semaphore, #tpu.memory_space<semaphore_mem>>) src(%dma_wait3A_1169 : memref<1000000x32xf32, #tpu.memory_space<hbm>>) dst(%dma_wait3A_1163 : memref<50x32xf32, #tpu.memory_space<vmem>>)
      %dma_wait3A_1170 = arith.constant 10 : i32
      %dma_wait3A_1171 = arith.constant 10 : i32
      %dma_wait3A_1172 = arith.constant 0 : i32
      %dma_wait3A_1173 = arith.constant 0 : i32
      %dma_wait3A_1174 = tpu.memref_slice %arg8[%dma_wait3A_1171, %dma_wait3A_1172, %dma_wait3A_1173] : memref<16x50x32xf32, #tpu.memory_space<vmem>> -> memref<1x50x32xf32, #tpu.memory_space<vmem>>
      %dma_wait3A_1175 = tpu.memref_squeeze %dma_wait3A_1174 : memref<1x50x32xf32, #tpu.memory_space<vmem>> -> memref<50x32xf32, #tpu.memory_space<vmem>>
      %dma_wait3A_1176 = arith.constant 0 : i32
      %dma_wait3A_1177 = tpu.memref_slice %arg6[%dma_wait3A_1170, %dma_wait3A_1176] : memref<16x50xi32, #tpu.memory_space<vmem>> -> memref<1x50xi32, #tpu.memory_space<vmem>>
      %dma_wait3A_1178 = tpu.memref_squeeze %dma_wait3A_1177 : memref<1x50xi32, #tpu.memory_space<vmem>> -> memref<50xi32, #tpu.memory_space<vmem>>
      %dma_wait3A_1179 = arith.constant 0 : i32
      %dma_wait3A_1180 = arith.constant 0 : i32
      %dma_wait3A_1181 = tpu.memref_slice %arg3[%dma_wait3A_1179, %dma_wait3A_1180] : memref<1000000x32xf32, #tpu.memory_space<hbm>> -> memref<1000000x32xf32, #tpu.memory_space<hbm>>
      tpu.wait_indirect_dma semaphore(%arg12 : memref<!tpu.dma_semaphore, #tpu.memory_space<semaphore_mem>>) src(%dma_wait3A_1181 : memref<1000000x32xf32, #tpu.memory_space<hbm>>) dst(%dma_wait3A_1175 : memref<50x32xf32, #tpu.memory_space<vmem>>)
      %dma_wait3A_1182 = arith.constant 11 : i32
      %dma_wait3A_1183 = arith.constant 11 : i32
      %dma_wait3A_1184 = arith.constant 0 : i32
      %dma_wait3A_1185 = arith.constant 0 : i32
      %dma_wait3A_1186 = tpu.memref_slice %arg8[%dma_wait3A_1183, %dma_wait3A_1184, %dma_wait3A_1185] : memref<16x50x32xf32, #tpu.memory_space<vmem>> -> memref<1x50x32xf32, #tpu.memory_space<vmem>>
      %dma_wait3A_1187 = tpu.memref_squeeze %dma_wait3A_1186 : memref<1x50x32xf32, #tpu.memory_space<vmem>> -> memref<50x32xf32, #tpu.memory_space<vmem>>
      %dma_wait3A_1188 = arith.constant 0 : i32
      %dma_wait3A_1189 = tpu.memref_slice %arg6[%dma_wait3A_1182, %dma_wait3A_1188] : memref<16x50xi32, #tpu.memory_space<vmem>> -> memref<1x50xi32, #tpu.memory_space<vmem>>
      %dma_wait3A_1190 = tpu.memref_squeeze %dma_wait3A_1189 : memref<1x50xi32, #tpu.memory_space<vmem>> -> memref<50xi32, #tpu.memory_space<vmem>>
      %dma_wait3A_1191 = arith.constant 0 : i32
      %dma_wait3A_1192 = arith.constant 0 : i32
      %dma_wait3A_1193 = tpu.memref_slice %arg3[%dma_wait3A_1191, %dma_wait3A_1192] : memref<1000000x32xf32, #tpu.memory_space<hbm>> -> memref<1000000x32xf32, #tpu.memory_space<hbm>>
      tpu.wait_indirect_dma semaphore(%arg12 : memref<!tpu.dma_semaphore, #tpu.memory_space<semaphore_mem>>) src(%dma_wait3A_1193 : memref<1000000x32xf32, #tpu.memory_space<hbm>>) dst(%dma_wait3A_1187 : memref<50x32xf32, #tpu.memory_space<vmem>>)
      %dma_wait3A_1194 = arith.constant 12 : i32
      %dma_wait3A_1195 = arith.constant 12 : i32
      %dma_wait3A_1196 = arith.constant 0 : i32
      %dma_wait3A_1197 = arith.constant 0 : i32
      %dma_wait3A_1198 = tpu.memref_slice %arg8[%dma_wait3A_1195, %dma_wait3A_1196, %dma_wait3A_1197] : memref<16x50x32xf32, #tpu.memory_space<vmem>> -> memref<1x50x32xf32, #tpu.memory_space<vmem>>
      %dma_wait3A_1199 = tpu.memref_squeeze %dma_wait3A_1198 : memref<1x50x32xf32, #tpu.memory_space<vmem>> -> memref<50x32xf32, #tpu.memory_space<vmem>>
      %dma_wait3A_1200 = arith.constant 0 : i32
      %dma_wait3A_1201 = tpu.memref_slice %arg6[%dma_wait3A_1194, %dma_wait3A_1200] : memref<16x50xi32, #tpu.memory_space<vmem>> -> memref<1x50xi32, #tpu.memory_space<vmem>>
      %dma_wait3A_1202 = tpu.memref_squeeze %dma_wait3A_1201 : memref<1x50xi32, #tpu.memory_space<vmem>> -> memref<50xi32, #tpu.memory_space<vmem>>
      %dma_wait3A_1203 = arith.constant 0 : i32
      %dma_wait3A_1204 = arith.constant 0 : i32
      %dma_wait3A_1205 = tpu.memref_slice %arg3[%dma_wait3A_1203, %dma_wait3A_1204] : memref<1000000x32xf32, #tpu.memory_space<hbm>> -> memref<1000000x32xf32, #tpu.memory_space<hbm>>
      tpu.wait_indirect_dma semaphore(%arg12 : memref<!tpu.dma_semaphore, #tpu.memory_space<semaphore_mem>>) src(%dma_wait3A_1205 : memref<1000000x32xf32, #tpu.memory_space<hbm>>) dst(%dma_wait3A_1199 : memref<50x32xf32, #tpu.memory_space<vmem>>)
      %dma_wait3A_1206 = arith.constant 13 : i32
      %dma_wait3A_1207 = arith.constant 13 : i32
      %dma_wait3A_1208 = arith.constant 0 : i32
      %dma_wait3A_1209 = arith.constant 0 : i32
      %dma_wait3A_1210 = tpu.memref_slice %arg8[%dma_wait3A_1207, %dma_wait3A_1208, %dma_wait3A_1209] : memref<16x50x32xf32, #tpu.memory_space<vmem>> -> memref<1x50x32xf32, #tpu.memory_space<vmem>>
      %dma_wait3A_1211 = tpu.memref_squeeze %dma_wait3A_1210 : memref<1x50x32xf32, #tpu.memory_space<vmem>> -> memref<50x32xf32, #tpu.memory_space<vmem>>
      %dma_wait3A_1212 = arith.constant 0 : i32
      %dma_wait3A_1213 = tpu.memref_slice %arg6[%dma_wait3A_1206, %dma_wait3A_1212] : memref<16x50xi32, #tpu.memory_space<vmem>> -> memref<1x50xi32, #tpu.memory_space<vmem>>
      %dma_wait3A_1214 = tpu.memref_squeeze %dma_wait3A_1213 : memref<1x50xi32, #tpu.memory_space<vmem>> -> memref<50xi32, #tpu.memory_space<vmem>>
      %dma_wait3A_1215 = arith.constant 0 : i32
      %dma_wait3A_1216 = arith.constant 0 : i32
      %dma_wait3A_1217 = tpu.memref_slice %arg3[%dma_wait3A_1215, %dma_wait3A_1216] : memref<1000000x32xf32, #tpu.memory_space<hbm>> -> memref<1000000x32xf32, #tpu.memory_space<hbm>>
      tpu.wait_indirect_dma semaphore(%arg12 : memref<!tpu.dma_semaphore, #tpu.memory_space<semaphore_mem>>) src(%dma_wait3A_1217 : memref<1000000x32xf32, #tpu.memory_space<hbm>>) dst(%dma_wait3A_1211 : memref<50x32xf32, #tpu.memory_space<vmem>>)
      %dma_wait3A_1218 = arith.constant 14 : i32
      %dma_wait3A_1219 = arith.constant 14 : i32
      %dma_wait3A_1220 = arith.constant 0 : i32
      %dma_wait3A_1221 = arith.constant 0 : i32
      %dma_wait3A_1222 = tpu.memref_slice %arg8[%dma_wait3A_1219, %dma_wait3A_1220, %dma_wait3A_1221] : memref<16x50x32xf32, #tpu.memory_space<vmem>> -> memref<1x50x32xf32, #tpu.memory_space<vmem>>
      %dma_wait3A_1223 = tpu.memref_squeeze %dma_wait3A_1222 : memref<1x50x32xf32, #tpu.memory_space<vmem>> -> memref<50x32xf32, #tpu.memory_space<vmem>>
      %dma_wait3A_1224 = arith.constant 0 : i32
      %dma_wait3A_1225 = tpu.memref_slice %arg6[%dma_wait3A_1218, %dma_wait3A_1224] : memref<16x50xi32, #tpu.memory_space<vmem>> -> memref<1x50xi32, #tpu.memory_space<vmem>>
      %dma_wait3A_1226 = tpu.memref_squeeze %dma_wait3A_1225 : memref<1x50xi32, #tpu.memory_space<vmem>> -> memref<50xi32, #tpu.memory_space<vmem>>
      %dma_wait3A_1227 = arith.constant 0 : i32
      %dma_wait3A_1228 = arith.constant 0 : i32
      %dma_wait3A_1229 = tpu.memref_slice %arg3[%dma_wait3A_1227, %dma_wait3A_1228] : memref<1000000x32xf32, #tpu.memory_space<hbm>> -> memref<1000000x32xf32, #tpu.memory_space<hbm>>
      tpu.wait_indirect_dma semaphore(%arg12 : memref<!tpu.dma_semaphore, #tpu.memory_space<semaphore_mem>>) src(%dma_wait3A_1229 : memref<1000000x32xf32, #tpu.memory_space<hbm>>) dst(%dma_wait3A_1223 : memref<50x32xf32, #tpu.memory_space<vmem>>)
      %dma_wait3A_1230 = arith.constant 15 : i32
      %dma_wait3A_1231 = arith.constant 15 : i32
      %dma_wait3A_1232 = arith.constant 0 : i32
      %dma_wait3A_1233 = arith.constant 0 : i32
      %dma_wait3A_1234 = tpu.memref_slice %arg8[%dma_wait3A_1231, %dma_wait3A_1232, %dma_wait3A_1233] : memref<16x50x32xf32, #tpu.memory_space<vmem>> -> memref<1x50x32xf32, #tpu.memory_space<vmem>>
      %dma_wait3A_1235 = tpu.memref_squeeze %dma_wait3A_1234 : memref<1x50x32xf32, #tpu.memory_space<vmem>> -> memref<50x32xf32, #tpu.memory_space<vmem>>
      %dma_wait3A_1236 = arith.constant 0 : i32
      %dma_wait3A_1237 = tpu.memref_slice %arg6[%dma_wait3A_1230, %dma_wait3A_1236] : memref<16x50xi32, #tpu.memory_space<vmem>> -> memref<1x50xi32, #tpu.memory_space<vmem>>
      %dma_wait3A_1238 = tpu.memref_squeeze %dma_wait3A_1237 : memref<1x50xi32, #tpu.memory_space<vmem>> -> memref<50xi32, #tpu.memory_space<vmem>>
      %dma_wait3A_1239 = arith.constant 0 : i32
      %dma_wait3A_1240 = arith.constant 0 : i32
      %dma_wait3A_1241 = tpu.memref_slice %arg3[%dma_wait3A_1239, %dma_wait3A_1240] : memref<1000000x32xf32, #tpu.memory_space<hbm>> -> memref<1000000x32xf32, #tpu.memory_space<hbm>>
      tpu.wait_indirect_dma semaphore(%arg12 : memref<!tpu.dma_semaphore, #tpu.memory_space<semaphore_mem>>) src(%dma_wait3A_1241 : memref<1000000x32xf32, #tpu.memory_space<hbm>>) dst(%dma_wait3A_1235 : memref<50x32xf32, #tpu.memory_space<vmem>>)
      %sub3A_1242 = arith.constant 1 : i32
      %sub3A_1243 = arith.subi %mul3A_838, %sub3A_1242 : i32
      %mul3A_1244 = arith.constant 16 : i32
      %mul3A_1245 = arith.muli %sub3A_1243, %mul3A_1244 : i32
      %add3A_1246 = arith.addi %mul3A_2, %mul3A_1245 : i32
      %dma_start3A_1247 = arith.constant 0 : i32
      %dma_start3A_1248 = arith.constant 0 : i32
      %dma_start3A_1249 = tpu.memref_slice %arg4[%add3A_1246, %dma_start3A_1247, %dma_start3A_1248] : memref<16384x50x32xf32, #tpu.memory_space<hbm>> -> memref<16x50x32xf32, #tpu.memory_space<hbm>>
      %dma_start3A_1250 = arith.constant 0 : i32
      %dma_start3A_1251 = arith.constant 0 : i32
      %dma_start3A_1252 = tpu.memref_slice %arg4[%add3A_1246, %dma_start3A_1250, %dma_start3A_1251] : memref<16384x50x32xf32, #tpu.memory_space<hbm>> -> memref<16x50x32xf32, #tpu.memory_space<hbm>>
      tpu.enqueue_dma source(%arg8 : memref<16x50x32xf32, #tpu.memory_space<vmem>>) target(%dma_start3A_1252 : memref<16x50x32xf32, #tpu.memory_space<hbm>>) target_semaphore(%arg14 : memref<!tpu.dma_semaphore, #tpu.memory_space<semaphore_mem>>)
      %mul3A_1253 = arith.constant 16 : i32
      %mul3A_1254 = arith.muli %add3A_840, %mul3A_1253 : i32
      %add3A_1255 = arith.addi %mul3A_2, %mul3A_1254 : i32
      %dma_start3A_1256 = arith.constant 0 : i32
      %dma_start3A_1257 = tpu.memref_slice %arg2[%add3A_1255, %dma_start3A_1256] : memref<16384x50xi32, #tpu.memory_space<hbm>> -> memref<16x50xi32, #tpu.memory_space<hbm>>
      %dma_start3A_1258 = arith.constant 0 : i32
      %dma_start3A_1259 = tpu.memref_slice %arg2[%add3A_1255, %dma_start3A_1258] : memref<16384x50xi32, #tpu.memory_space<hbm>> -> memref<16x50xi32, #tpu.memory_space<hbm>>
      tpu.enqueue_dma source(%dma_start3A_1259 : memref<16x50xi32, #tpu.memory_space<hbm>>) target(%arg6 : memref<16x50xi32, #tpu.memory_space<vmem>>) target_semaphore(%arg10 : memref<!tpu.dma_semaphore, #tpu.memory_space<semaphore_mem>>)
      %mul3A_1260 = arith.constant 16 : i32
      %mul3A_1261 = arith.muli %add3A_840, %mul3A_1260 : i32
      %add3A_1262 = arith.addi %mul3A_2, %mul3A_1261 : i32
      %dma_wait3A_1263 = arith.constant 0 : i32
      %dma_wait3A_1264 = tpu.memref_slice %arg2[%add3A_1262, %dma_wait3A_1263] : memref<16384x50xi32, #tpu.memory_space<hbm>> -> memref<16x50xi32, #tpu.memory_space<hbm>>
      %dma_wait3A_1265 = arith.constant 0 : i32
      %dma_wait3A_1266 = tpu.memref_slice %arg2[%add3A_1262, %dma_wait3A_1265] : memref<16384x50xi32, #tpu.memory_space<hbm>> -> memref<16x50xi32, #tpu.memory_space<hbm>>
      tpu.wait_dma2 semaphore(%arg10 : memref<!tpu.dma_semaphore, #tpu.memory_space<semaphore_mem>>) src(%dma_wait3A_1266 : memref<16x50xi32, #tpu.memory_space<hbm>>) dst(%arg6 : memref<16x50xi32, #tpu.memory_space<vmem>>)
      %sub3A_1267 = arith.constant 1 : i32
      %sub3A_1268 = arith.subi %mul3A_838, %sub3A_1267 : i32
      %mul3A_1269 = arith.constant 16 : i32
      %mul3A_1270 = arith.muli %sub3A_1268, %mul3A_1269 : i32
      %add3A_1271 = arith.addi %mul3A_2, %mul3A_1270 : i32
      %dma_wait3A_1272 = arith.constant 0 : i32
      %dma_wait3A_1273 = arith.constant 0 : i32
      %dma_wait3A_1274 = tpu.memref_slice %arg4[%add3A_1271, %dma_wait3A_1272, %dma_wait3A_1273] : memref<16384x50x32xf32, #tpu.memory_space<hbm>> -> memref<16x50x32xf32, #tpu.memory_space<hbm>>
      %dma_wait3A_1275 = arith.constant 0 : i32
      %dma_wait3A_1276 = arith.constant 0 : i32
      %dma_wait3A_1277 = tpu.memref_slice %arg4[%add3A_1271, %dma_wait3A_1275, %dma_wait3A_1276] : memref<16384x50x32xf32, #tpu.memory_space<hbm>> -> memref<16x50x32xf32, #tpu.memory_space<hbm>>
      tpu.wait_dma2 semaphore(%arg14 : memref<!tpu.dma_semaphore, #tpu.memory_space<semaphore_mem>>) src(%arg8 : memref<16x50x32xf32, #tpu.memory_space<vmem>>) dst(%dma_wait3A_1277 : memref<16x50x32xf32, #tpu.memory_space<hbm>>)
      %dma_start3A_1278 = arith.constant 0 : i32
      %dma_start3A_1279 = arith.constant 0 : i32
      %dma_start3A_1280 = arith.constant 0 : i32
      %dma_start3A_1281 = arith.constant 0 : i32
      %dma_start3A_1282 = tpu.memref_slice %arg8[%dma_start3A_1279, %dma_start3A_1280, %dma_start3A_1281] : memref<16x50x32xf32, #tpu.memory_space<vmem>> -> memref<1x50x32xf32, #tpu.memory_space<vmem>>
      %dma_start3A_1283 = tpu.memref_squeeze %dma_start3A_1282 : memref<1x50x32xf32, #tpu.memory_space<vmem>> -> memref<50x32xf32, #tpu.memory_space<vmem>>
      %dma_start3A_1284 = arith.constant 0 : i32
      %dma_start3A_1285 = tpu.memref_slice %arg6[%dma_start3A_1278, %dma_start3A_1284] : memref<16x50xi32, #tpu.memory_space<vmem>> -> memref<1x50xi32, #tpu.memory_space<vmem>>
      %dma_start3A_1286 = tpu.memref_squeeze %dma_start3A_1285 : memref<1x50xi32, #tpu.memory_space<vmem>> -> memref<50xi32, #tpu.memory_space<vmem>>
      %dma_start3A_1287 = arith.constant 0 : i32
      %dma_start3A_1288 = arith.constant 0 : i32
      %dma_start3A_1289 = tpu.memref_slice %arg3[%dma_start3A_1287, %dma_start3A_1288] : memref<1000000x32xf32, #tpu.memory_space<hbm>> -> memref<1000000x32xf32, #tpu.memory_space<hbm>>
      tpu.enqueue_indirect_dma source(%dma_start3A_1289 : memref<1000000x32xf32, #tpu.memory_space<hbm>>) target(%dma_start3A_1283 : memref<50x32xf32, #tpu.memory_space<vmem>>) offsets(%dma_start3A_1286 : memref<50xi32, #tpu.memory_space<vmem>>) semaphore(%arg12 : memref<!tpu.dma_semaphore, #tpu.memory_space<semaphore_mem>>)
      %dma_start3A_1290 = arith.constant 1 : i32
      %dma_start3A_1291 = arith.constant 1 : i32
      %dma_start3A_1292 = arith.constant 0 : i32
      %dma_start3A_1293 = arith.constant 0 : i32
      %dma_start3A_1294 = tpu.memref_slice %arg8[%dma_start3A_1291, %dma_start3A_1292, %dma_start3A_1293] : memref<16x50x32xf32, #tpu.memory_space<vmem>> -> memref<1x50x32xf32, #tpu.memory_space<vmem>>
      %dma_start3A_1295 = tpu.memref_squeeze %dma_start3A_1294 : memref<1x50x32xf32, #tpu.memory_space<vmem>> -> memref<50x32xf32, #tpu.memory_space<vmem>>
      %dma_start3A_1296 = arith.constant 0 : i32
      %dma_start3A_1297 = tpu.memref_slice %arg6[%dma_start3A_1290, %dma_start3A_1296] : memref<16x50xi32, #tpu.memory_space<vmem>> -> memref<1x50xi32, #tpu.memory_space<vmem>>
      %dma_start3A_1298 = tpu.memref_squeeze %dma_start3A_1297 : memref<1x50xi32, #tpu.memory_space<vmem>> -> memref<50xi32, #tpu.memory_space<vmem>>
      %dma_start3A_1299 = arith.constant 0 : i32
      %dma_start3A_1300 = arith.constant 0 : i32
      %dma_start3A_1301 = tpu.memref_slice %arg3[%dma_start3A_1299, %dma_start3A_1300] : memref<1000000x32xf32, #tpu.memory_space<hbm>> -> memref<1000000x32xf32, #tpu.memory_space<hbm>>
      tpu.enqueue_indirect_dma source(%dma_start3A_1301 : memref<1000000x32xf32, #tpu.memory_space<hbm>>) target(%dma_start3A_1295 : memref<50x32xf32, #tpu.memory_space<vmem>>) offsets(%dma_start3A_1298 : memref<50xi32, #tpu.memory_space<vmem>>) semaphore(%arg12 : memref<!tpu.dma_semaphore, #tpu.memory_space<semaphore_mem>>)
      %dma_start3A_1302 = arith.constant 2 : i32
      %dma_start3A_1303 = arith.constant 2 : i32
      %dma_start3A_1304 = arith.constant 0 : i32
      %dma_start3A_1305 = arith.constant 0 : i32
      %dma_start3A_1306 = tpu.memref_slice %arg8[%dma_start3A_1303, %dma_start3A_1304, %dma_start3A_1305] : memref<16x50x32xf32, #tpu.memory_space<vmem>> -> memref<1x50x32xf32, #tpu.memory_space<vmem>>
      %dma_start3A_1307 = tpu.memref_squeeze %dma_start3A_1306 : memref<1x50x32xf32, #tpu.memory_space<vmem>> -> memref<50x32xf32, #tpu.memory_space<vmem>>
      %dma_start3A_1308 = arith.constant 0 : i32
      %dma_start3A_1309 = tpu.memref_slice %arg6[%dma_start3A_1302, %dma_start3A_1308] : memref<16x50xi32, #tpu.memory_space<vmem>> -> memref<1x50xi32, #tpu.memory_space<vmem>>
      %dma_start3A_1310 = tpu.memref_squeeze %dma_start3A_1309 : memref<1x50xi32, #tpu.memory_space<vmem>> -> memref<50xi32, #tpu.memory_space<vmem>>
      %dma_start3A_1311 = arith.constant 0 : i32
      %dma_start3A_1312 = arith.constant 0 : i32
      %dma_start3A_1313 = tpu.memref_slice %arg3[%dma_start3A_1311, %dma_start3A_1312] : memref<1000000x32xf32, #tpu.memory_space<hbm>> -> memref<1000000x32xf32, #tpu.memory_space<hbm>>
      tpu.enqueue_indirect_dma source(%dma_start3A_1313 : memref<1000000x32xf32, #tpu.memory_space<hbm>>) target(%dma_start3A_1307 : memref<50x32xf32, #tpu.memory_space<vmem>>) offsets(%dma_start3A_1310 : memref<50xi32, #tpu.memory_space<vmem>>) semaphore(%arg12 : memref<!tpu.dma_semaphore, #tpu.memory_space<semaphore_mem>>)
      %dma_start3A_1314 = arith.constant 3 : i32
      %dma_start3A_1315 = arith.constant 3 : i32
      %dma_start3A_1316 = arith.constant 0 : i32
      %dma_start3A_1317 = arith.constant 0 : i32
      %dma_start3A_1318 = tpu.memref_slice %arg8[%dma_start3A_1315, %dma_start3A_1316, %dma_start3A_1317] : memref<16x50x32xf32, #tpu.memory_space<vmem>> -> memref<1x50x32xf32, #tpu.memory_space<vmem>>
      %dma_start3A_1319 = tpu.memref_squeeze %dma_start3A_1318 : memref<1x50x32xf32, #tpu.memory_space<vmem>> -> memref<50x32xf32, #tpu.memory_space<vmem>>
      %dma_start3A_1320 = arith.constant 0 : i32
      %dma_start3A_1321 = tpu.memref_slice %arg6[%dma_start3A_1314, %dma_start3A_1320] : memref<16x50xi32, #tpu.memory_space<vmem>> -> memref<1x50xi32, #tpu.memory_space<vmem>>
      %dma_start3A_1322 = tpu.memref_squeeze %dma_start3A_1321 : memref<1x50xi32, #tpu.memory_space<vmem>> -> memref<50xi32, #tpu.memory_space<vmem>>
      %dma_start3A_1323 = arith.constant 0 : i32
      %dma_start3A_1324 = arith.constant 0 : i32
      %dma_start3A_1325 = tpu.memref_slice %arg3[%dma_start3A_1323, %dma_start3A_1324] : memref<1000000x32xf32, #tpu.memory_space<hbm>> -> memref<1000000x32xf32, #tpu.memory_space<hbm>>
      tpu.enqueue_indirect_dma source(%dma_start3A_1325 : memref<1000000x32xf32, #tpu.memory_space<hbm>>) target(%dma_start3A_1319 : memref<50x32xf32, #tpu.memory_space<vmem>>) offsets(%dma_start3A_1322 : memref<50xi32, #tpu.memory_space<vmem>>) semaphore(%arg12 : memref<!tpu.dma_semaphore, #tpu.memory_space<semaphore_mem>>)
      %dma_start3A_1326 = arith.constant 4 : i32
      %dma_start3A_1327 = arith.constant 4 : i32
      %dma_start3A_1328 = arith.constant 0 : i32
      %dma_start3A_1329 = arith.constant 0 : i32
      %dma_start3A_1330 = tpu.memref_slice %arg8[%dma_start3A_1327, %dma_start3A_1328, %dma_start3A_1329] : memref<16x50x32xf32, #tpu.memory_space<vmem>> -> memref<1x50x32xf32, #tpu.memory_space<vmem>>
      %dma_start3A_1331 = tpu.memref_squeeze %dma_start3A_1330 : memref<1x50x32xf32, #tpu.memory_space<vmem>> -> memref<50x32xf32, #tpu.memory_space<vmem>>
      %dma_start3A_1332 = arith.constant 0 : i32
      %dma_start3A_1333 = tpu.memref_slice %arg6[%dma_start3A_1326, %dma_start3A_1332] : memref<16x50xi32, #tpu.memory_space<vmem>> -> memref<1x50xi32, #tpu.memory_space<vmem>>
      %dma_start3A_1334 = tpu.memref_squeeze %dma_start3A_1333 : memref<1x50xi32, #tpu.memory_space<vmem>> -> memref<50xi32, #tpu.memory_space<vmem>>
      %dma_start3A_1335 = arith.constant 0 : i32
      %dma_start3A_1336 = arith.constant 0 : i32
      %dma_start3A_1337 = tpu.memref_slice %arg3[%dma_start3A_1335, %dma_start3A_1336] : memref<1000000x32xf32, #tpu.memory_space<hbm>> -> memref<1000000x32xf32, #tpu.memory_space<hbm>>
      tpu.enqueue_indirect_dma source(%dma_start3A_1337 : memref<1000000x32xf32, #tpu.memory_space<hbm>>) target(%dma_start3A_1331 : memref<50x32xf32, #tpu.memory_space<vmem>>) offsets(%dma_start3A_1334 : memref<50xi32, #tpu.memory_space<vmem>>) semaphore(%arg12 : memref<!tpu.dma_semaphore, #tpu.memory_space<semaphore_mem>>)
      %dma_start3A_1338 = arith.constant 5 : i32
      %dma_start3A_1339 = arith.constant 5 : i32
      %dma_start3A_1340 = arith.constant 0 : i32
      %dma_start3A_1341 = arith.constant 0 : i32
      %dma_start3A_1342 = tpu.memref_slice %arg8[%dma_start3A_1339, %dma_start3A_1340, %dma_start3A_1341] : memref<16x50x32xf32, #tpu.memory_space<vmem>> -> memref<1x50x32xf32, #tpu.memory_space<vmem>>
      %dma_start3A_1343 = tpu.memref_squeeze %dma_start3A_1342 : memref<1x50x32xf32, #tpu.memory_space<vmem>> -> memref<50x32xf32, #tpu.memory_space<vmem>>
      %dma_start3A_1344 = arith.constant 0 : i32
      %dma_start3A_1345 = tpu.memref_slice %arg6[%dma_start3A_1338, %dma_start3A_1344] : memref<16x50xi32, #tpu.memory_space<vmem>> -> memref<1x50xi32, #tpu.memory_space<vmem>>
      %dma_start3A_1346 = tpu.memref_squeeze %dma_start3A_1345 : memref<1x50xi32, #tpu.memory_space<vmem>> -> memref<50xi32, #tpu.memory_space<vmem>>
      %dma_start3A_1347 = arith.constant 0 : i32
      %dma_start3A_1348 = arith.constant 0 : i32
      %dma_start3A_1349 = tpu.memref_slice %arg3[%dma_start3A_1347, %dma_start3A_1348] : memref<1000000x32xf32, #tpu.memory_space<hbm>> -> memref<1000000x32xf32, #tpu.memory_space<hbm>>
      tpu.enqueue_indirect_dma source(%dma_start3A_1349 : memref<1000000x32xf32, #tpu.memory_space<hbm>>) target(%dma_start3A_1343 : memref<50x32xf32, #tpu.memory_space<vmem>>) offsets(%dma_start3A_1346 : memref<50xi32, #tpu.memory_space<vmem>>) semaphore(%arg12 : memref<!tpu.dma_semaphore, #tpu.memory_space<semaphore_mem>>)
      %dma_start3A_1350 = arith.constant 6 : i32
      %dma_start3A_1351 = arith.constant 6 : i32
      %dma_start3A_1352 = arith.constant 0 : i32
      %dma_start3A_1353 = arith.constant 0 : i32
      %dma_start3A_1354 = tpu.memref_slice %arg8[%dma_start3A_1351, %dma_start3A_1352, %dma_start3A_1353] : memref<16x50x32xf32, #tpu.memory_space<vmem>> -> memref<1x50x32xf32, #tpu.memory_space<vmem>>
      %dma_start3A_1355 = tpu.memref_squeeze %dma_start3A_1354 : memref<1x50x32xf32, #tpu.memory_space<vmem>> -> memref<50x32xf32, #tpu.memory_space<vmem>>
      %dma_start3A_1356 = arith.constant 0 : i32
      %dma_start3A_1357 = tpu.memref_slice %arg6[%dma_start3A_1350, %dma_start3A_1356] : memref<16x50xi32, #tpu.memory_space<vmem>> -> memref<1x50xi32, #tpu.memory_space<vmem>>
      %dma_start3A_1358 = tpu.memref_squeeze %dma_start3A_1357 : memref<1x50xi32, #tpu.memory_space<vmem>> -> memref<50xi32, #tpu.memory_space<vmem>>
      %dma_start3A_1359 = arith.constant 0 : i32
      %dma_start3A_1360 = arith.constant 0 : i32
      %dma_start3A_1361 = tpu.memref_slice %arg3[%dma_start3A_1359, %dma_start3A_1360] : memref<1000000x32xf32, #tpu.memory_space<hbm>> -> memref<1000000x32xf32, #tpu.memory_space<hbm>>
      tpu.enqueue_indirect_dma source(%dma_start3A_1361 : memref<1000000x32xf32, #tpu.memory_space<hbm>>) target(%dma_start3A_1355 : memref<50x32xf32, #tpu.memory_space<vmem>>) offsets(%dma_start3A_1358 : memref<50xi32, #tpu.memory_space<vmem>>) semaphore(%arg12 : memref<!tpu.dma_semaphore, #tpu.memory_space<semaphore_mem>>)
      %dma_start3A_1362 = arith.constant 7 : i32
      %dma_start3A_1363 = arith.constant 7 : i32
      %dma_start3A_1364 = arith.constant 0 : i32
      %dma_start3A_1365 = arith.constant 0 : i32
      %dma_start3A_1366 = tpu.memref_slice %arg8[%dma_start3A_1363, %dma_start3A_1364, %dma_start3A_1365] : memref<16x50x32xf32, #tpu.memory_space<vmem>> -> memref<1x50x32xf32, #tpu.memory_space<vmem>>
      %dma_start3A_1367 = tpu.memref_squeeze %dma_start3A_1366 : memref<1x50x32xf32, #tpu.memory_space<vmem>> -> memref<50x32xf32, #tpu.memory_space<vmem>>
      %dma_start3A_1368 = arith.constant 0 : i32
      %dma_start3A_1369 = tpu.memref_slice %arg6[%dma_start3A_1362, %dma_start3A_1368] : memref<16x50xi32, #tpu.memory_space<vmem>> -> memref<1x50xi32, #tpu.memory_space<vmem>>
      %dma_start3A_1370 = tpu.memref_squeeze %dma_start3A_1369 : memref<1x50xi32, #tpu.memory_space<vmem>> -> memref<50xi32, #tpu.memory_space<vmem>>
      %dma_start3A_1371 = arith.constant 0 : i32
      %dma_start3A_1372 = arith.constant 0 : i32
      %dma_start3A_1373 = tpu.memref_slice %arg3[%dma_start3A_1371, %dma_start3A_1372] : memref<1000000x32xf32, #tpu.memory_space<hbm>> -> memref<1000000x32xf32, #tpu.memory_space<hbm>>
      tpu.enqueue_indirect_dma source(%dma_start3A_1373 : memref<1000000x32xf32, #tpu.memory_space<hbm>>) target(%dma_start3A_1367 : memref<50x32xf32, #tpu.memory_space<vmem>>) offsets(%dma_start3A_1370 : memref<50xi32, #tpu.memory_space<vmem>>) semaphore(%arg12 : memref<!tpu.dma_semaphore, #tpu.memory_space<semaphore_mem>>)
      %dma_start3A_1374 = arith.constant 8 : i32
      %dma_start3A_1375 = arith.constant 8 : i32
      %dma_start3A_1376 = arith.constant 0 : i32
      %dma_start3A_1377 = arith.constant 0 : i32
      %dma_start3A_1378 = tpu.memref_slice %arg8[%dma_start3A_1375, %dma_start3A_1376, %dma_start3A_1377] : memref<16x50x32xf32, #tpu.memory_space<vmem>> -> memref<1x50x32xf32, #tpu.memory_space<vmem>>
      %dma_start3A_1379 = tpu.memref_squeeze %dma_start3A_1378 : memref<1x50x32xf32, #tpu.memory_space<vmem>> -> memref<50x32xf32, #tpu.memory_space<vmem>>
      %dma_start3A_1380 = arith.constant 0 : i32
      %dma_start3A_1381 = tpu.memref_slice %arg6[%dma_start3A_1374, %dma_start3A_1380] : memref<16x50xi32, #tpu.memory_space<vmem>> -> memref<1x50xi32, #tpu.memory_space<vmem>>
      %dma_start3A_1382 = tpu.memref_squeeze %dma_start3A_1381 : memref<1x50xi32, #tpu.memory_space<vmem>> -> memref<50xi32, #tpu.memory_space<vmem>>
      %dma_start3A_1383 = arith.constant 0 : i32
      %dma_start3A_1384 = arith.constant 0 : i32
      %dma_start3A_1385 = tpu.memref_slice %arg3[%dma_start3A_1383, %dma_start3A_1384] : memref<1000000x32xf32, #tpu.memory_space<hbm>> -> memref<1000000x32xf32, #tpu.memory_space<hbm>>
      tpu.enqueue_indirect_dma source(%dma_start3A_1385 : memref<1000000x32xf32, #tpu.memory_space<hbm>>) target(%dma_start3A_1379 : memref<50x32xf32, #tpu.memory_space<vmem>>) offsets(%dma_start3A_1382 : memref<50xi32, #tpu.memory_space<vmem>>) semaphore(%arg12 : memref<!tpu.dma_semaphore, #tpu.memory_space<semaphore_mem>>)
      %dma_start3A_1386 = arith.constant 9 : i32
      %dma_start3A_1387 = arith.constant 9 : i32
      %dma_start3A_1388 = arith.constant 0 : i32
      %dma_start3A_1389 = arith.constant 0 : i32
      %dma_start3A_1390 = tpu.memref_slice %arg8[%dma_start3A_1387, %dma_start3A_1388, %dma_start3A_1389] : memref<16x50x32xf32, #tpu.memory_space<vmem>> -> memref<1x50x32xf32, #tpu.memory_space<vmem>>
      %dma_start3A_1391 = tpu.memref_squeeze %dma_start3A_1390 : memref<1x50x32xf32, #tpu.memory_space<vmem>> -> memref<50x32xf32, #tpu.memory_space<vmem>>
      %dma_start3A_1392 = arith.constant 0 : i32
      %dma_start3A_1393 = tpu.memref_slice %arg6[%dma_start3A_1386, %dma_start3A_1392] : memref<16x50xi32, #tpu.memory_space<vmem>> -> memref<1x50xi32, #tpu.memory_space<vmem>>
      %dma_start3A_1394 = tpu.memref_squeeze %dma_start3A_1393 : memref<1x50xi32, #tpu.memory_space<vmem>> -> memref<50xi32, #tpu.memory_space<vmem>>
      %dma_start3A_1395 = arith.constant 0 : i32
      %dma_start3A_1396 = arith.constant 0 : i32
      %dma_start3A_1397 = tpu.memref_slice %arg3[%dma_start3A_1395, %dma_start3A_1396] : memref<1000000x32xf32, #tpu.memory_space<hbm>> -> memref<1000000x32xf32, #tpu.memory_space<hbm>>
      tpu.enqueue_indirect_dma source(%dma_start3A_1397 : memref<1000000x32xf32, #tpu.memory_space<hbm>>) target(%dma_start3A_1391 : memref<50x32xf32, #tpu.memory_space<vmem>>) offsets(%dma_start3A_1394 : memref<50xi32, #tpu.memory_space<vmem>>) semaphore(%arg12 : memref<!tpu.dma_semaphore, #tpu.memory_space<semaphore_mem>>)
      %dma_start3A_1398 = arith.constant 10 : i32
      %dma_start3A_1399 = arith.constant 10 : i32
      %dma_start3A_1400 = arith.constant 0 : i32
      %dma_start3A_1401 = arith.constant 0 : i32
      %dma_start3A_1402 = tpu.memref_slice %arg8[%dma_start3A_1399, %dma_start3A_1400, %dma_start3A_1401] : memref<16x50x32xf32, #tpu.memory_space<vmem>> -> memref<1x50x32xf32, #tpu.memory_space<vmem>>
      %dma_start3A_1403 = tpu.memref_squeeze %dma_start3A_1402 : memref<1x50x32xf32, #tpu.memory_space<vmem>> -> memref<50x32xf32, #tpu.memory_space<vmem>>
      %dma_start3A_1404 = arith.constant 0 : i32
      %dma_start3A_1405 = tpu.memref_slice %arg6[%dma_start3A_1398, %dma_start3A_1404] : memref<16x50xi32, #tpu.memory_space<vmem>> -> memref<1x50xi32, #tpu.memory_space<vmem>>
      %dma_start3A_1406 = tpu.memref_squeeze %dma_start3A_1405 : memref<1x50xi32, #tpu.memory_space<vmem>> -> memref<50xi32, #tpu.memory_space<vmem>>
      %dma_start3A_1407 = arith.constant 0 : i32
      %dma_start3A_1408 = arith.constant 0 : i32
      %dma_start3A_1409 = tpu.memref_slice %arg3[%dma_start3A_1407, %dma_start3A_1408] : memref<1000000x32xf32, #tpu.memory_space<hbm>> -> memref<1000000x32xf32, #tpu.memory_space<hbm>>
      tpu.enqueue_indirect_dma source(%dma_start3A_1409 : memref<1000000x32xf32, #tpu.memory_space<hbm>>) target(%dma_start3A_1403 : memref<50x32xf32, #tpu.memory_space<vmem>>) offsets(%dma_start3A_1406 : memref<50xi32, #tpu.memory_space<vmem>>) semaphore(%arg12 : memref<!tpu.dma_semaphore, #tpu.memory_space<semaphore_mem>>)
      %dma_start3A_1410 = arith.constant 11 : i32
      %dma_start3A_1411 = arith.constant 11 : i32
      %dma_start3A_1412 = arith.constant 0 : i32
      %dma_start3A_1413 = arith.constant 0 : i32
      %dma_start3A_1414 = tpu.memref_slice %arg8[%dma_start3A_1411, %dma_start3A_1412, %dma_start3A_1413] : memref<16x50x32xf32, #tpu.memory_space<vmem>> -> memref<1x50x32xf32, #tpu.memory_space<vmem>>
      %dma_start3A_1415 = tpu.memref_squeeze %dma_start3A_1414 : memref<1x50x32xf32, #tpu.memory_space<vmem>> -> memref<50x32xf32, #tpu.memory_space<vmem>>
      %dma_start3A_1416 = arith.constant 0 : i32
      %dma_start3A_1417 = tpu.memref_slice %arg6[%dma_start3A_1410, %dma_start3A_1416] : memref<16x50xi32, #tpu.memory_space<vmem>> -> memref<1x50xi32, #tpu.memory_space<vmem>>
      %dma_start3A_1418 = tpu.memref_squeeze %dma_start3A_1417 : memref<1x50xi32, #tpu.memory_space<vmem>> -> memref<50xi32, #tpu.memory_space<vmem>>
      %dma_start3A_1419 = arith.constant 0 : i32
      %dma_start3A_1420 = arith.constant 0 : i32
      %dma_start3A_1421 = tpu.memref_slice %arg3[%dma_start3A_1419, %dma_start3A_1420] : memref<1000000x32xf32, #tpu.memory_space<hbm>> -> memref<1000000x32xf32, #tpu.memory_space<hbm>>
      tpu.enqueue_indirect_dma source(%dma_start3A_1421 : memref<1000000x32xf32, #tpu.memory_space<hbm>>) target(%dma_start3A_1415 : memref<50x32xf32, #tpu.memory_space<vmem>>) offsets(%dma_start3A_1418 : memref<50xi32, #tpu.memory_space<vmem>>) semaphore(%arg12 : memref<!tpu.dma_semaphore, #tpu.memory_space<semaphore_mem>>)
      %dma_start3A_1422 = arith.constant 12 : i32
      %dma_start3A_1423 = arith.constant 12 : i32
      %dma_start3A_1424 = arith.constant 0 : i32
      %dma_start3A_1425 = arith.constant 0 : i32
      %dma_start3A_1426 = tpu.memref_slice %arg8[%dma_start3A_1423, %dma_start3A_1424, %dma_start3A_1425] : memref<16x50x32xf32, #tpu.memory_space<vmem>> -> memref<1x50x32xf32, #tpu.memory_space<vmem>>
      %dma_start3A_1427 = tpu.memref_squeeze %dma_start3A_1426 : memref<1x50x32xf32, #tpu.memory_space<vmem>> -> memref<50x32xf32, #tpu.memory_space<vmem>>
      %dma_start3A_1428 = arith.constant 0 : i32
      %dma_start3A_1429 = tpu.memref_slice %arg6[%dma_start3A_1422, %dma_start3A_1428] : memref<16x50xi32, #tpu.memory_space<vmem>> -> memref<1x50xi32, #tpu.memory_space<vmem>>
      %dma_start3A_1430 = tpu.memref_squeeze %dma_start3A_1429 : memref<1x50xi32, #tpu.memory_space<vmem>> -> memref<50xi32, #tpu.memory_space<vmem>>
      %dma_start3A_1431 = arith.constant 0 : i32
      %dma_start3A_1432 = arith.constant 0 : i32
      %dma_start3A_1433 = tpu.memref_slice %arg3[%dma_start3A_1431, %dma_start3A_1432] : memref<1000000x32xf32, #tpu.memory_space<hbm>> -> memref<1000000x32xf32, #tpu.memory_space<hbm>>
      tpu.enqueue_indirect_dma source(%dma_start3A_1433 : memref<1000000x32xf32, #tpu.memory_space<hbm>>) target(%dma_start3A_1427 : memref<50x32xf32, #tpu.memory_space<vmem>>) offsets(%dma_start3A_1430 : memref<50xi32, #tpu.memory_space<vmem>>) semaphore(%arg12 : memref<!tpu.dma_semaphore, #tpu.memory_space<semaphore_mem>>)
      %dma_start3A_1434 = arith.constant 13 : i32
      %dma_start3A_1435 = arith.constant 13 : i32
      %dma_start3A_1436 = arith.constant 0 : i32
      %dma_start3A_1437 = arith.constant 0 : i32
      %dma_start3A_1438 = tpu.memref_slice %arg8[%dma_start3A_1435, %dma_start3A_1436, %dma_start3A_1437] : memref<16x50x32xf32, #tpu.memory_space<vmem>> -> memref<1x50x32xf32, #tpu.memory_space<vmem>>
      %dma_start3A_1439 = tpu.memref_squeeze %dma_start3A_1438 : memref<1x50x32xf32, #tpu.memory_space<vmem>> -> memref<50x32xf32, #tpu.memory_space<vmem>>
      %dma_start3A_1440 = arith.constant 0 : i32
      %dma_start3A_1441 = tpu.memref_slice %arg6[%dma_start3A_1434, %dma_start3A_1440] : memref<16x50xi32, #tpu.memory_space<vmem>> -> memref<1x50xi32, #tpu.memory_space<vmem>>
      %dma_start3A_1442 = tpu.memref_squeeze %dma_start3A_1441 : memref<1x50xi32, #tpu.memory_space<vmem>> -> memref<50xi32, #tpu.memory_space<vmem>>
      %dma_start3A_1443 = arith.constant 0 : i32
      %dma_start3A_1444 = arith.constant 0 : i32
      %dma_start3A_1445 = tpu.memref_slice %arg3[%dma_start3A_1443, %dma_start3A_1444] : memref<1000000x32xf32, #tpu.memory_space<hbm>> -> memref<1000000x32xf32, #tpu.memory_space<hbm>>
      tpu.enqueue_indirect_dma source(%dma_start3A_1445 : memref<1000000x32xf32, #tpu.memory_space<hbm>>) target(%dma_start3A_1439 : memref<50x32xf32, #tpu.memory_space<vmem>>) offsets(%dma_start3A_1442 : memref<50xi32, #tpu.memory_space<vmem>>) semaphore(%arg12 : memref<!tpu.dma_semaphore, #tpu.memory_space<semaphore_mem>>)
      %dma_start3A_1446 = arith.constant 14 : i32
      %dma_start3A_1447 = arith.constant 14 : i32
      %dma_start3A_1448 = arith.constant 0 : i32
      %dma_start3A_1449 = arith.constant 0 : i32
      %dma_start3A_1450 = tpu.memref_slice %arg8[%dma_start3A_1447, %dma_start3A_1448, %dma_start3A_1449] : memref<16x50x32xf32, #tpu.memory_space<vmem>> -> memref<1x50x32xf32, #tpu.memory_space<vmem>>
      %dma_start3A_1451 = tpu.memref_squeeze %dma_start3A_1450 : memref<1x50x32xf32, #tpu.memory_space<vmem>> -> memref<50x32xf32, #tpu.memory_space<vmem>>
      %dma_start3A_1452 = arith.constant 0 : i32
      %dma_start3A_1453 = tpu.memref_slice %arg6[%dma_start3A_1446, %dma_start3A_1452] : memref<16x50xi32, #tpu.memory_space<vmem>> -> memref<1x50xi32, #tpu.memory_space<vmem>>
      %dma_start3A_1454 = tpu.memref_squeeze %dma_start3A_1453 : memref<1x50xi32, #tpu.memory_space<vmem>> -> memref<50xi32, #tpu.memory_space<vmem>>
      %dma_start3A_1455 = arith.constant 0 : i32
      %dma_start3A_1456 = arith.constant 0 : i32
      %dma_start3A_1457 = tpu.memref_slice %arg3[%dma_start3A_1455, %dma_start3A_1456] : memref<1000000x32xf32, #tpu.memory_space<hbm>> -> memref<1000000x32xf32, #tpu.memory_space<hbm>>
      tpu.enqueue_indirect_dma source(%dma_start3A_1457 : memref<1000000x32xf32, #tpu.memory_space<hbm>>) target(%dma_start3A_1451 : memref<50x32xf32, #tpu.memory_space<vmem>>) offsets(%dma_start3A_1454 : memref<50xi32, #tpu.memory_space<vmem>>) semaphore(%arg12 : memref<!tpu.dma_semaphore, #tpu.memory_space<semaphore_mem>>)
      %dma_start3A_1458 = arith.constant 15 : i32
      %dma_start3A_1459 = arith.constant 15 : i32
      %dma_start3A_1460 = arith.constant 0 : i32
      %dma_start3A_1461 = arith.constant 0 : i32
      %dma_start3A_1462 = tpu.memref_slice %arg8[%dma_start3A_1459, %dma_start3A_1460, %dma_start3A_1461] : memref<16x50x32xf32, #tpu.memory_space<vmem>> -> memref<1x50x32xf32, #tpu.memory_space<vmem>>
      %dma_start3A_1463 = tpu.memref_squeeze %dma_start3A_1462 : memref<1x50x32xf32, #tpu.memory_space<vmem>> -> memref<50x32xf32, #tpu.memory_space<vmem>>
      %dma_start3A_1464 = arith.constant 0 : i32
      %dma_start3A_1465 = tpu.memref_slice %arg6[%dma_start3A_1458, %dma_start3A_1464] : memref<16x50xi32, #tpu.memory_space<vmem>> -> memref<1x50xi32, #tpu.memory_space<vmem>>
      %dma_start3A_1466 = tpu.memref_squeeze %dma_start3A_1465 : memref<1x50xi32, #tpu.memory_space<vmem>> -> memref<50xi32, #tpu.memory_space<vmem>>
      %dma_start3A_1467 = arith.constant 0 : i32
      %dma_start3A_1468 = arith.constant 0 : i32
      %dma_start3A_1469 = tpu.memref_slice %arg3[%dma_start3A_1467, %dma_start3A_1468] : memref<1000000x32xf32, #tpu.memory_space<hbm>> -> memref<1000000x32xf32, #tpu.memory_space<hbm>>
      tpu.enqueue_indirect_dma source(%dma_start3A_1469 : memref<1000000x32xf32, #tpu.memory_space<hbm>>) target(%dma_start3A_1463 : memref<50x32xf32, #tpu.memory_space<vmem>>) offsets(%dma_start3A_1466 : memref<50xi32, #tpu.memory_space<vmem>>) semaphore(%arg12 : memref<!tpu.dma_semaphore, #tpu.memory_space<semaphore_mem>>)
      %dma_wait3A_1470 = arith.constant 0 : i32
      %dma_wait3A_1471 = arith.constant 0 : i32
      %dma_wait3A_1472 = arith.constant 0 : i32
      %dma_wait3A_1473 = arith.constant 0 : i32
      %dma_wait3A_1474 = tpu.memref_slice %arg7[%dma_wait3A_1471, %dma_wait3A_1472, %dma_wait3A_1473] : memref<16x50x32xf32, #tpu.memory_space<vmem>> -> memref<1x50x32xf32, #tpu.memory_space<vmem>>
      %dma_wait3A_1475 = tpu.memref_squeeze %dma_wait3A_1474 : memref<1x50x32xf32, #tpu.memory_space<vmem>> -> memref<50x32xf32, #tpu.memory_space<vmem>>
      %dma_wait3A_1476 = arith.constant 0 : i32
      %dma_wait3A_1477 = tpu.memref_slice %arg5[%dma_wait3A_1470, %dma_wait3A_1476] : memref<16x50xi32, #tpu.memory_space<vmem>> -> memref<1x50xi32, #tpu.memory_space<vmem>>
      %dma_wait3A_1478 = tpu.memref_squeeze %dma_wait3A_1477 : memref<1x50xi32, #tpu.memory_space<vmem>> -> memref<50xi32, #tpu.memory_space<vmem>>
      %dma_wait3A_1479 = arith.constant 0 : i32
      %dma_wait3A_1480 = arith.constant 0 : i32
      %dma_wait3A_1481 = tpu.memref_slice %arg3[%dma_wait3A_1479, %dma_wait3A_1480] : memref<1000000x32xf32, #tpu.memory_space<hbm>> -> memref<1000000x32xf32, #tpu.memory_space<hbm>>
      tpu.wait_indirect_dma semaphore(%arg11 : memref<!tpu.dma_semaphore, #tpu.memory_space<semaphore_mem>>) src(%dma_wait3A_1481 : memref<1000000x32xf32, #tpu.memory_space<hbm>>) dst(%dma_wait3A_1475 : memref<50x32xf32, #tpu.memory_space<vmem>>)
      %dma_wait3A_1482 = arith.constant 1 : i32
      %dma_wait3A_1483 = arith.constant 1 : i32
      %dma_wait3A_1484 = arith.constant 0 : i32
      %dma_wait3A_1485 = arith.constant 0 : i32
      %dma_wait3A_1486 = tpu.memref_slice %arg7[%dma_wait3A_1483, %dma_wait3A_1484, %dma_wait3A_1485] : memref<16x50x32xf32, #tpu.memory_space<vmem>> -> memref<1x50x32xf32, #tpu.memory_space<vmem>>
      %dma_wait3A_1487 = tpu.memref_squeeze %dma_wait3A_1486 : memref<1x50x32xf32, #tpu.memory_space<vmem>> -> memref<50x32xf32, #tpu.memory_space<vmem>>
      %dma_wait3A_1488 = arith.constant 0 : i32
      %dma_wait3A_1489 = tpu.memref_slice %arg5[%dma_wait3A_1482, %dma_wait3A_1488] : memref<16x50xi32, #tpu.memory_space<vmem>> -> memref<1x50xi32, #tpu.memory_space<vmem>>
      %dma_wait3A_1490 = tpu.memref_squeeze %dma_wait3A_1489 : memref<1x50xi32, #tpu.memory_space<vmem>> -> memref<50xi32, #tpu.memory_space<vmem>>
      %dma_wait3A_1491 = arith.constant 0 : i32
      %dma_wait3A_1492 = arith.constant 0 : i32
      %dma_wait3A_1493 = tpu.memref_slice %arg3[%dma_wait3A_1491, %dma_wait3A_1492] : memref<1000000x32xf32, #tpu.memory_space<hbm>> -> memref<1000000x32xf32, #tpu.memory_space<hbm>>
      tpu.wait_indirect_dma semaphore(%arg11 : memref<!tpu.dma_semaphore, #tpu.memory_space<semaphore_mem>>) src(%dma_wait3A_1493 : memref<1000000x32xf32, #tpu.memory_space<hbm>>) dst(%dma_wait3A_1487 : memref<50x32xf32, #tpu.memory_space<vmem>>)
      %dma_wait3A_1494 = arith.constant 2 : i32
      %dma_wait3A_1495 = arith.constant 2 : i32
      %dma_wait3A_1496 = arith.constant 0 : i32
      %dma_wait3A_1497 = arith.constant 0 : i32
      %dma_wait3A_1498 = tpu.memref_slice %arg7[%dma_wait3A_1495, %dma_wait3A_1496, %dma_wait3A_1497] : memref<16x50x32xf32, #tpu.memory_space<vmem>> -> memref<1x50x32xf32, #tpu.memory_space<vmem>>
      %dma_wait3A_1499 = tpu.memref_squeeze %dma_wait3A_1498 : memref<1x50x32xf32, #tpu.memory_space<vmem>> -> memref<50x32xf32, #tpu.memory_space<vmem>>
      %dma_wait3A_1500 = arith.constant 0 : i32
      %dma_wait3A_1501 = tpu.memref_slice %arg5[%dma_wait3A_1494, %dma_wait3A_1500] : memref<16x50xi32, #tpu.memory_space<vmem>> -> memref<1x50xi32, #tpu.memory_space<vmem>>
      %dma_wait3A_1502 = tpu.memref_squeeze %dma_wait3A_1501 : memref<1x50xi32, #tpu.memory_space<vmem>> -> memref<50xi32, #tpu.memory_space<vmem>>
      %dma_wait3A_1503 = arith.constant 0 : i32
      %dma_wait3A_1504 = arith.constant 0 : i32
      %dma_wait3A_1505 = tpu.memref_slice %arg3[%dma_wait3A_1503, %dma_wait3A_1504] : memref<1000000x32xf32, #tpu.memory_space<hbm>> -> memref<1000000x32xf32, #tpu.memory_space<hbm>>
      tpu.wait_indirect_dma semaphore(%arg11 : memref<!tpu.dma_semaphore, #tpu.memory_space<semaphore_mem>>) src(%dma_wait3A_1505 : memref<1000000x32xf32, #tpu.memory_space<hbm>>) dst(%dma_wait3A_1499 : memref<50x32xf32, #tpu.memory_space<vmem>>)
      %dma_wait3A_1506 = arith.constant 3 : i32
      %dma_wait3A_1507 = arith.constant 3 : i32
      %dma_wait3A_1508 = arith.constant 0 : i32
      %dma_wait3A_1509 = arith.constant 0 : i32
      %dma_wait3A_1510 = tpu.memref_slice %arg7[%dma_wait3A_1507, %dma_wait3A_1508, %dma_wait3A_1509] : memref<16x50x32xf32, #tpu.memory_space<vmem>> -> memref<1x50x32xf32, #tpu.memory_space<vmem>>
      %dma_wait3A_1511 = tpu.memref_squeeze %dma_wait3A_1510 : memref<1x50x32xf32, #tpu.memory_space<vmem>> -> memref<50x32xf32, #tpu.memory_space<vmem>>
      %dma_wait3A_1512 = arith.constant 0 : i32
      %dma_wait3A_1513 = tpu.memref_slice %arg5[%dma_wait3A_1506, %dma_wait3A_1512] : memref<16x50xi32, #tpu.memory_space<vmem>> -> memref<1x50xi32, #tpu.memory_space<vmem>>
      %dma_wait3A_1514 = tpu.memref_squeeze %dma_wait3A_1513 : memref<1x50xi32, #tpu.memory_space<vmem>> -> memref<50xi32, #tpu.memory_space<vmem>>
      %dma_wait3A_1515 = arith.constant 0 : i32
      %dma_wait3A_1516 = arith.constant 0 : i32
      %dma_wait3A_1517 = tpu.memref_slice %arg3[%dma_wait3A_1515, %dma_wait3A_1516] : memref<1000000x32xf32, #tpu.memory_space<hbm>> -> memref<1000000x32xf32, #tpu.memory_space<hbm>>
      tpu.wait_indirect_dma semaphore(%arg11 : memref<!tpu.dma_semaphore, #tpu.memory_space<semaphore_mem>>) src(%dma_wait3A_1517 : memref<1000000x32xf32, #tpu.memory_space<hbm>>) dst(%dma_wait3A_1511 : memref<50x32xf32, #tpu.memory_space<vmem>>)
      %dma_wait3A_1518 = arith.constant 4 : i32
      %dma_wait3A_1519 = arith.constant 4 : i32
      %dma_wait3A_1520 = arith.constant 0 : i32
      %dma_wait3A_1521 = arith.constant 0 : i32
      %dma_wait3A_1522 = tpu.memref_slice %arg7[%dma_wait3A_1519, %dma_wait3A_1520, %dma_wait3A_1521] : memref<16x50x32xf32, #tpu.memory_space<vmem>> -> memref<1x50x32xf32, #tpu.memory_space<vmem>>
      %dma_wait3A_1523 = tpu.memref_squeeze %dma_wait3A_1522 : memref<1x50x32xf32, #tpu.memory_space<vmem>> -> memref<50x32xf32, #tpu.memory_space<vmem>>
      %dma_wait3A_1524 = arith.constant 0 : i32
      %dma_wait3A_1525 = tpu.memref_slice %arg5[%dma_wait3A_1518, %dma_wait3A_1524] : memref<16x50xi32, #tpu.memory_space<vmem>> -> memref<1x50xi32, #tpu.memory_space<vmem>>
      %dma_wait3A_1526 = tpu.memref_squeeze %dma_wait3A_1525 : memref<1x50xi32, #tpu.memory_space<vmem>> -> memref<50xi32, #tpu.memory_space<vmem>>
      %dma_wait3A_1527 = arith.constant 0 : i32
      %dma_wait3A_1528 = arith.constant 0 : i32
      %dma_wait3A_1529 = tpu.memref_slice %arg3[%dma_wait3A_1527, %dma_wait3A_1528] : memref<1000000x32xf32, #tpu.memory_space<hbm>> -> memref<1000000x32xf32, #tpu.memory_space<hbm>>
      tpu.wait_indirect_dma semaphore(%arg11 : memref<!tpu.dma_semaphore, #tpu.memory_space<semaphore_mem>>) src(%dma_wait3A_1529 : memref<1000000x32xf32, #tpu.memory_space<hbm>>) dst(%dma_wait3A_1523 : memref<50x32xf32, #tpu.memory_space<vmem>>)
      %dma_wait3A_1530 = arith.constant 5 : i32
      %dma_wait3A_1531 = arith.constant 5 : i32
      %dma_wait3A_1532 = arith.constant 0 : i32
      %dma_wait3A_1533 = arith.constant 0 : i32
      %dma_wait3A_1534 = tpu.memref_slice %arg7[%dma_wait3A_1531, %dma_wait3A_1532, %dma_wait3A_1533] : memref<16x50x32xf32, #tpu.memory_space<vmem>> -> memref<1x50x32xf32, #tpu.memory_space<vmem>>
      %dma_wait3A_1535 = tpu.memref_squeeze %dma_wait3A_1534 : memref<1x50x32xf32, #tpu.memory_space<vmem>> -> memref<50x32xf32, #tpu.memory_space<vmem>>
      %dma_wait3A_1536 = arith.constant 0 : i32
      %dma_wait3A_1537 = tpu.memref_slice %arg5[%dma_wait3A_1530, %dma_wait3A_1536] : memref<16x50xi32, #tpu.memory_space<vmem>> -> memref<1x50xi32, #tpu.memory_space<vmem>>
      %dma_wait3A_1538 = tpu.memref_squeeze %dma_wait3A_1537 : memref<1x50xi32, #tpu.memory_space<vmem>> -> memref<50xi32, #tpu.memory_space<vmem>>
      %dma_wait3A_1539 = arith.constant 0 : i32
      %dma_wait3A_1540 = arith.constant 0 : i32
      %dma_wait3A_1541 = tpu.memref_slice %arg3[%dma_wait3A_1539, %dma_wait3A_1540] : memref<1000000x32xf32, #tpu.memory_space<hbm>> -> memref<1000000x32xf32, #tpu.memory_space<hbm>>
      tpu.wait_indirect_dma semaphore(%arg11 : memref<!tpu.dma_semaphore, #tpu.memory_space<semaphore_mem>>) src(%dma_wait3A_1541 : memref<1000000x32xf32, #tpu.memory_space<hbm>>) dst(%dma_wait3A_1535 : memref<50x32xf32, #tpu.memory_space<vmem>>)
      %dma_wait3A_1542 = arith.constant 6 : i32
      %dma_wait3A_1543 = arith.constant 6 : i32
      %dma_wait3A_1544 = arith.constant 0 : i32
      %dma_wait3A_1545 = arith.constant 0 : i32
      %dma_wait3A_1546 = tpu.memref_slice %arg7[%dma_wait3A_1543, %dma_wait3A_1544, %dma_wait3A_1545] : memref<16x50x32xf32, #tpu.memory_space<vmem>> -> memref<1x50x32xf32, #tpu.memory_space<vmem>>
      %dma_wait3A_1547 = tpu.memref_squeeze %dma_wait3A_1546 : memref<1x50x32xf32, #tpu.memory_space<vmem>> -> memref<50x32xf32, #tpu.memory_space<vmem>>
      %dma_wait3A_1548 = arith.constant 0 : i32
      %dma_wait3A_1549 = tpu.memref_slice %arg5[%dma_wait3A_1542, %dma_wait3A_1548] : memref<16x50xi32, #tpu.memory_space<vmem>> -> memref<1x50xi32, #tpu.memory_space<vmem>>
      %dma_wait3A_1550 = tpu.memref_squeeze %dma_wait3A_1549 : memref<1x50xi32, #tpu.memory_space<vmem>> -> memref<50xi32, #tpu.memory_space<vmem>>
      %dma_wait3A_1551 = arith.constant 0 : i32
      %dma_wait3A_1552 = arith.constant 0 : i32
      %dma_wait3A_1553 = tpu.memref_slice %arg3[%dma_wait3A_1551, %dma_wait3A_1552] : memref<1000000x32xf32, #tpu.memory_space<hbm>> -> memref<1000000x32xf32, #tpu.memory_space<hbm>>
      tpu.wait_indirect_dma semaphore(%arg11 : memref<!tpu.dma_semaphore, #tpu.memory_space<semaphore_mem>>) src(%dma_wait3A_1553 : memref<1000000x32xf32, #tpu.memory_space<hbm>>) dst(%dma_wait3A_1547 : memref<50x32xf32, #tpu.memory_space<vmem>>)
      %dma_wait3A_1554 = arith.constant 7 : i32
      %dma_wait3A_1555 = arith.constant 7 : i32
      %dma_wait3A_1556 = arith.constant 0 : i32
      %dma_wait3A_1557 = arith.constant 0 : i32
      %dma_wait3A_1558 = tpu.memref_slice %arg7[%dma_wait3A_1555, %dma_wait3A_1556, %dma_wait3A_1557] : memref<16x50x32xf32, #tpu.memory_space<vmem>> -> memref<1x50x32xf32, #tpu.memory_space<vmem>>
      %dma_wait3A_1559 = tpu.memref_squeeze %dma_wait3A_1558 : memref<1x50x32xf32, #tpu.memory_space<vmem>> -> memref<50x32xf32, #tpu.memory_space<vmem>>
      %dma_wait3A_1560 = arith.constant 0 : i32
      %dma_wait3A_1561 = tpu.memref_slice %arg5[%dma_wait3A_1554, %dma_wait3A_1560] : memref<16x50xi32, #tpu.memory_space<vmem>> -> memref<1x50xi32, #tpu.memory_space<vmem>>
      %dma_wait3A_1562 = tpu.memref_squeeze %dma_wait3A_1561 : memref<1x50xi32, #tpu.memory_space<vmem>> -> memref<50xi32, #tpu.memory_space<vmem>>
      %dma_wait3A_1563 = arith.constant 0 : i32
      %dma_wait3A_1564 = arith.constant 0 : i32
      %dma_wait3A_1565 = tpu.memref_slice %arg3[%dma_wait3A_1563, %dma_wait3A_1564] : memref<1000000x32xf32, #tpu.memory_space<hbm>> -> memref<1000000x32xf32, #tpu.memory_space<hbm>>
      tpu.wait_indirect_dma semaphore(%arg11 : memref<!tpu.dma_semaphore, #tpu.memory_space<semaphore_mem>>) src(%dma_wait3A_1565 : memref<1000000x32xf32, #tpu.memory_space<hbm>>) dst(%dma_wait3A_1559 : memref<50x32xf32, #tpu.memory_space<vmem>>)
      %dma_wait3A_1566 = arith.constant 8 : i32
      %dma_wait3A_1567 = arith.constant 8 : i32
      %dma_wait3A_1568 = arith.constant 0 : i32
      %dma_wait3A_1569 = arith.constant 0 : i32
      %dma_wait3A_1570 = tpu.memref_slice %arg7[%dma_wait3A_1567, %dma_wait3A_1568, %dma_wait3A_1569] : memref<16x50x32xf32, #tpu.memory_space<vmem>> -> memref<1x50x32xf32, #tpu.memory_space<vmem>>
      %dma_wait3A_1571 = tpu.memref_squeeze %dma_wait3A_1570 : memref<1x50x32xf32, #tpu.memory_space<vmem>> -> memref<50x32xf32, #tpu.memory_space<vmem>>
      %dma_wait3A_1572 = arith.constant 0 : i32
      %dma_wait3A_1573 = tpu.memref_slice %arg5[%dma_wait3A_1566, %dma_wait3A_1572] : memref<16x50xi32, #tpu.memory_space<vmem>> -> memref<1x50xi32, #tpu.memory_space<vmem>>
      %dma_wait3A_1574 = tpu.memref_squeeze %dma_wait3A_1573 : memref<1x50xi32, #tpu.memory_space<vmem>> -> memref<50xi32, #tpu.memory_space<vmem>>
      %dma_wait3A_1575 = arith.constant 0 : i32
      %dma_wait3A_1576 = arith.constant 0 : i32
      %dma_wait3A_1577 = tpu.memref_slice %arg3[%dma_wait3A_1575, %dma_wait3A_1576] : memref<1000000x32xf32, #tpu.memory_space<hbm>> -> memref<1000000x32xf32, #tpu.memory_space<hbm>>
      tpu.wait_indirect_dma semaphore(%arg11 : memref<!tpu.dma_semaphore, #tpu.memory_space<semaphore_mem>>) src(%dma_wait3A_1577 : memref<1000000x32xf32, #tpu.memory_space<hbm>>) dst(%dma_wait3A_1571 : memref<50x32xf32, #tpu.memory_space<vmem>>)
      %dma_wait3A_1578 = arith.constant 9 : i32
      %dma_wait3A_1579 = arith.constant 9 : i32
      %dma_wait3A_1580 = arith.constant 0 : i32
      %dma_wait3A_1581 = arith.constant 0 : i32
      %dma_wait3A_1582 = tpu.memref_slice %arg7[%dma_wait3A_1579, %dma_wait3A_1580, %dma_wait3A_1581] : memref<16x50x32xf32, #tpu.memory_space<vmem>> -> memref<1x50x32xf32, #tpu.memory_space<vmem>>
      %dma_wait3A_1583 = tpu.memref_squeeze %dma_wait3A_1582 : memref<1x50x32xf32, #tpu.memory_space<vmem>> -> memref<50x32xf32, #tpu.memory_space<vmem>>
      %dma_wait3A_1584 = arith.constant 0 : i32
      %dma_wait3A_1585 = tpu.memref_slice %arg5[%dma_wait3A_1578, %dma_wait3A_1584] : memref<16x50xi32, #tpu.memory_space<vmem>> -> memref<1x50xi32, #tpu.memory_space<vmem>>
      %dma_wait3A_1586 = tpu.memref_squeeze %dma_wait3A_1585 : memref<1x50xi32, #tpu.memory_space<vmem>> -> memref<50xi32, #tpu.memory_space<vmem>>
      %dma_wait3A_1587 = arith.constant 0 : i32
      %dma_wait3A_1588 = arith.constant 0 : i32
      %dma_wait3A_1589 = tpu.memref_slice %arg3[%dma_wait3A_1587, %dma_wait3A_1588] : memref<1000000x32xf32, #tpu.memory_space<hbm>> -> memref<1000000x32xf32, #tpu.memory_space<hbm>>
      tpu.wait_indirect_dma semaphore(%arg11 : memref<!tpu.dma_semaphore, #tpu.memory_space<semaphore_mem>>) src(%dma_wait3A_1589 : memref<1000000x32xf32, #tpu.memory_space<hbm>>) dst(%dma_wait3A_1583 : memref<50x32xf32, #tpu.memory_space<vmem>>)
      %dma_wait3A_1590 = arith.constant 10 : i32
      %dma_wait3A_1591 = arith.constant 10 : i32
      %dma_wait3A_1592 = arith.constant 0 : i32
      %dma_wait3A_1593 = arith.constant 0 : i32
      %dma_wait3A_1594 = tpu.memref_slice %arg7[%dma_wait3A_1591, %dma_wait3A_1592, %dma_wait3A_1593] : memref<16x50x32xf32, #tpu.memory_space<vmem>> -> memref<1x50x32xf32, #tpu.memory_space<vmem>>
      %dma_wait3A_1595 = tpu.memref_squeeze %dma_wait3A_1594 : memref<1x50x32xf32, #tpu.memory_space<vmem>> -> memref<50x32xf32, #tpu.memory_space<vmem>>
      %dma_wait3A_1596 = arith.constant 0 : i32
      %dma_wait3A_1597 = tpu.memref_slice %arg5[%dma_wait3A_1590, %dma_wait3A_1596] : memref<16x50xi32, #tpu.memory_space<vmem>> -> memref<1x50xi32, #tpu.memory_space<vmem>>
      %dma_wait3A_1598 = tpu.memref_squeeze %dma_wait3A_1597 : memref<1x50xi32, #tpu.memory_space<vmem>> -> memref<50xi32, #tpu.memory_space<vmem>>
      %dma_wait3A_1599 = arith.constant 0 : i32
      %dma_wait3A_1600 = arith.constant 0 : i32
      %dma_wait3A_1601 = tpu.memref_slice %arg3[%dma_wait3A_1599, %dma_wait3A_1600] : memref<1000000x32xf32, #tpu.memory_space<hbm>> -> memref<1000000x32xf32, #tpu.memory_space<hbm>>
      tpu.wait_indirect_dma semaphore(%arg11 : memref<!tpu.dma_semaphore, #tpu.memory_space<semaphore_mem>>) src(%dma_wait3A_1601 : memref<1000000x32xf32, #tpu.memory_space<hbm>>) dst(%dma_wait3A_1595 : memref<50x32xf32, #tpu.memory_space<vmem>>)
      %dma_wait3A_1602 = arith.constant 11 : i32
      %dma_wait3A_1603 = arith.constant 11 : i32
      %dma_wait3A_1604 = arith.constant 0 : i32
      %dma_wait3A_1605 = arith.constant 0 : i32
      %dma_wait3A_1606 = tpu.memref_slice %arg7[%dma_wait3A_1603, %dma_wait3A_1604, %dma_wait3A_1605] : memref<16x50x32xf32, #tpu.memory_space<vmem>> -> memref<1x50x32xf32, #tpu.memory_space<vmem>>
      %dma_wait3A_1607 = tpu.memref_squeeze %dma_wait3A_1606 : memref<1x50x32xf32, #tpu.memory_space<vmem>> -> memref<50x32xf32, #tpu.memory_space<vmem>>
      %dma_wait3A_1608 = arith.constant 0 : i32
      %dma_wait3A_1609 = tpu.memref_slice %arg5[%dma_wait3A_1602, %dma_wait3A_1608] : memref<16x50xi32, #tpu.memory_space<vmem>> -> memref<1x50xi32, #tpu.memory_space<vmem>>
      %dma_wait3A_1610 = tpu.memref_squeeze %dma_wait3A_1609 : memref<1x50xi32, #tpu.memory_space<vmem>> -> memref<50xi32, #tpu.memory_space<vmem>>
      %dma_wait3A_1611 = arith.constant 0 : i32
      %dma_wait3A_1612 = arith.constant 0 : i32
      %dma_wait3A_1613 = tpu.memref_slice %arg3[%dma_wait3A_1611, %dma_wait3A_1612] : memref<1000000x32xf32, #tpu.memory_space<hbm>> -> memref<1000000x32xf32, #tpu.memory_space<hbm>>
      tpu.wait_indirect_dma semaphore(%arg11 : memref<!tpu.dma_semaphore, #tpu.memory_space<semaphore_mem>>) src(%dma_wait3A_1613 : memref<1000000x32xf32, #tpu.memory_space<hbm>>) dst(%dma_wait3A_1607 : memref<50x32xf32, #tpu.memory_space<vmem>>)
      %dma_wait3A_1614 = arith.constant 12 : i32
      %dma_wait3A_1615 = arith.constant 12 : i32
      %dma_wait3A_1616 = arith.constant 0 : i32
      %dma_wait3A_1617 = arith.constant 0 : i32
      %dma_wait3A_1618 = tpu.memref_slice %arg7[%dma_wait3A_1615, %dma_wait3A_1616, %dma_wait3A_1617] : memref<16x50x32xf32, #tpu.memory_space<vmem>> -> memref<1x50x32xf32, #tpu.memory_space<vmem>>
      %dma_wait3A_1619 = tpu.memref_squeeze %dma_wait3A_1618 : memref<1x50x32xf32, #tpu.memory_space<vmem>> -> memref<50x32xf32, #tpu.memory_space<vmem>>
      %dma_wait3A_1620 = arith.constant 0 : i32
      %dma_wait3A_1621 = tpu.memref_slice %arg5[%dma_wait3A_1614, %dma_wait3A_1620] : memref<16x50xi32, #tpu.memory_space<vmem>> -> memref<1x50xi32, #tpu.memory_space<vmem>>
      %dma_wait3A_1622 = tpu.memref_squeeze %dma_wait3A_1621 : memref<1x50xi32, #tpu.memory_space<vmem>> -> memref<50xi32, #tpu.memory_space<vmem>>
      %dma_wait3A_1623 = arith.constant 0 : i32
      %dma_wait3A_1624 = arith.constant 0 : i32
      %dma_wait3A_1625 = tpu.memref_slice %arg3[%dma_wait3A_1623, %dma_wait3A_1624] : memref<1000000x32xf32, #tpu.memory_space<hbm>> -> memref<1000000x32xf32, #tpu.memory_space<hbm>>
      tpu.wait_indirect_dma semaphore(%arg11 : memref<!tpu.dma_semaphore, #tpu.memory_space<semaphore_mem>>) src(%dma_wait3A_1625 : memref<1000000x32xf32, #tpu.memory_space<hbm>>) dst(%dma_wait3A_1619 : memref<50x32xf32, #tpu.memory_space<vmem>>)
      %dma_wait3A_1626 = arith.constant 13 : i32
      %dma_wait3A_1627 = arith.constant 13 : i32
      %dma_wait3A_1628 = arith.constant 0 : i32
      %dma_wait3A_1629 = arith.constant 0 : i32
      %dma_wait3A_1630 = tpu.memref_slice %arg7[%dma_wait3A_1627, %dma_wait3A_1628, %dma_wait3A_1629] : memref<16x50x32xf32, #tpu.memory_space<vmem>> -> memref<1x50x32xf32, #tpu.memory_space<vmem>>
      %dma_wait3A_1631 = tpu.memref_squeeze %dma_wait3A_1630 : memref<1x50x32xf32, #tpu.memory_space<vmem>> -> memref<50x32xf32, #tpu.memory_space<vmem>>
      %dma_wait3A_1632 = arith.constant 0 : i32
      %dma_wait3A_1633 = tpu.memref_slice %arg5[%dma_wait3A_1626, %dma_wait3A_1632] : memref<16x50xi32, #tpu.memory_space<vmem>> -> memref<1x50xi32, #tpu.memory_space<vmem>>
      %dma_wait3A_1634 = tpu.memref_squeeze %dma_wait3A_1633 : memref<1x50xi32, #tpu.memory_space<vmem>> -> memref<50xi32, #tpu.memory_space<vmem>>
      %dma_wait3A_1635 = arith.constant 0 : i32
      %dma_wait3A_1636 = arith.constant 0 : i32
      %dma_wait3A_1637 = tpu.memref_slice %arg3[%dma_wait3A_1635, %dma_wait3A_1636] : memref<1000000x32xf32, #tpu.memory_space<hbm>> -> memref<1000000x32xf32, #tpu.memory_space<hbm>>
      tpu.wait_indirect_dma semaphore(%arg11 : memref<!tpu.dma_semaphore, #tpu.memory_space<semaphore_mem>>) src(%dma_wait3A_1637 : memref<1000000x32xf32, #tpu.memory_space<hbm>>) dst(%dma_wait3A_1631 : memref<50x32xf32, #tpu.memory_space<vmem>>)
      %dma_wait3A_1638 = arith.constant 14 : i32
      %dma_wait3A_1639 = arith.constant 14 : i32
      %dma_wait3A_1640 = arith.constant 0 : i32
      %dma_wait3A_1641 = arith.constant 0 : i32
      %dma_wait3A_1642 = tpu.memref_slice %arg7[%dma_wait3A_1639, %dma_wait3A_1640, %dma_wait3A_1641] : memref<16x50x32xf32, #tpu.memory_space<vmem>> -> memref<1x50x32xf32, #tpu.memory_space<vmem>>
      %dma_wait3A_1643 = tpu.memref_squeeze %dma_wait3A_1642 : memref<1x50x32xf32, #tpu.memory_space<vmem>> -> memref<50x32xf32, #tpu.memory_space<vmem>>
      %dma_wait3A_1644 = arith.constant 0 : i32
      %dma_wait3A_1645 = tpu.memref_slice %arg5[%dma_wait3A_1638, %dma_wait3A_1644] : memref<16x50xi32, #tpu.memory_space<vmem>> -> memref<1x50xi32, #tpu.memory_space<vmem>>
      %dma_wait3A_1646 = tpu.memref_squeeze %dma_wait3A_1645 : memref<1x50xi32, #tpu.memory_space<vmem>> -> memref<50xi32, #tpu.memory_space<vmem>>
      %dma_wait3A_1647 = arith.constant 0 : i32
      %dma_wait3A_1648 = arith.constant 0 : i32
      %dma_wait3A_1649 = tpu.memref_slice %arg3[%dma_wait3A_1647, %dma_wait3A_1648] : memref<1000000x32xf32, #tpu.memory_space<hbm>> -> memref<1000000x32xf32, #tpu.memory_space<hbm>>
      tpu.wait_indirect_dma semaphore(%arg11 : memref<!tpu.dma_semaphore, #tpu.memory_space<semaphore_mem>>) src(%dma_wait3A_1649 : memref<1000000x32xf32, #tpu.memory_space<hbm>>) dst(%dma_wait3A_1643 : memref<50x32xf32, #tpu.memory_space<vmem>>)
      %dma_wait3A_1650 = arith.constant 15 : i32
      %dma_wait3A_1651 = arith.constant 15 : i32
      %dma_wait3A_1652 = arith.constant 0 : i32
      %dma_wait3A_1653 = arith.constant 0 : i32
      %dma_wait3A_1654 = tpu.memref_slice %arg7[%dma_wait3A_1651, %dma_wait3A_1652, %dma_wait3A_1653] : memref<16x50x32xf32, #tpu.memory_space<vmem>> -> memref<1x50x32xf32, #tpu.memory_space<vmem>>
      %dma_wait3A_1655 = tpu.memref_squeeze %dma_wait3A_1654 : memref<1x50x32xf32, #tpu.memory_space<vmem>> -> memref<50x32xf32, #tpu.memory_space<vmem>>
      %dma_wait3A_1656 = arith.constant 0 : i32
      %dma_wait3A_1657 = tpu.memref_slice %arg5[%dma_wait3A_1650, %dma_wait3A_1656] : memref<16x50xi32, #tpu.memory_space<vmem>> -> memref<1x50xi32, #tpu.memory_space<vmem>>
      %dma_wait3A_1658 = tpu.memref_squeeze %dma_wait3A_1657 : memref<1x50xi32, #tpu.memory_space<vmem>> -> memref<50xi32, #tpu.memory_space<vmem>>
      %dma_wait3A_1659 = arith.constant 0 : i32
      %dma_wait3A_1660 = arith.constant 0 : i32
      %dma_wait3A_1661 = tpu.memref_slice %arg3[%dma_wait3A_1659, %dma_wait3A_1660] : memref<1000000x32xf32, #tpu.memory_space<hbm>> -> memref<1000000x32xf32, #tpu.memory_space<hbm>>
      tpu.wait_indirect_dma semaphore(%arg11 : memref<!tpu.dma_semaphore, #tpu.memory_space<semaphore_mem>>) src(%dma_wait3A_1661 : memref<1000000x32xf32, #tpu.memory_space<hbm>>) dst(%dma_wait3A_1655 : memref<50x32xf32, #tpu.memory_space<vmem>>)
      %mul3A_1662 = arith.constant 16 : i32
      %mul3A_1663 = arith.muli %mul3A_838, %mul3A_1662 : i32
      %add3A_1664 = arith.addi %mul3A_2, %mul3A_1663 : i32
      %dma_start3A_1665 = arith.constant 0 : i32
      %dma_start3A_1666 = arith.constant 0 : i32
      %dma_start3A_1667 = tpu.memref_slice %arg4[%add3A_1664, %dma_start3A_1665, %dma_start3A_1666] : memref<16384x50x32xf32, #tpu.memory_space<hbm>> -> memref<16x50x32xf32, #tpu.memory_space<hbm>>
      %dma_start3A_1668 = arith.constant 0 : i32
      %dma_start3A_1669 = arith.constant 0 : i32
      %dma_start3A_1670 = tpu.memref_slice %arg4[%add3A_1664, %dma_start3A_1668, %dma_start3A_1669] : memref<16384x50x32xf32, #tpu.memory_space<hbm>> -> memref<16x50x32xf32, #tpu.memory_space<hbm>>
      tpu.enqueue_dma source(%arg7 : memref<16x50x32xf32, #tpu.memory_space<vmem>>) target(%dma_start3A_1670 : memref<16x50x32xf32, #tpu.memory_space<hbm>>) target_semaphore(%arg13 : memref<!tpu.dma_semaphore, #tpu.memory_space<semaphore_mem>>)
      %add3A_1671 = arith.constant 1 : i32
      %add3A_1672 = arith.addi %add3A_840, %add3A_1671 : i32
      %lt3A = arith.constant 32 : i32
      %lt3A_1673 = arith.cmpi slt, %add3A_1672, %lt3A : i32
      %convert_element_type3A = arith.extui %lt3A_1673 : i1 to i32
      %cond3A = arith.constant 0 : i32
      %cond3A_1674 = arith.cmpi ne, %convert_element_type3A, %cond3A : i32
      scf.if %cond3A_1674 {
        %add3A_1675 = arith.constant 1 : i32
        %add3A_1676 = arith.addi %add3A_840, %add3A_1675 : i32
        %mul3A_1677 = arith.constant 16 : i32
        %mul3A_1678 = arith.muli %add3A_1676, %mul3A_1677 : i32
        %add3A_1679 = arith.addi %mul3A_2, %mul3A_1678 : i32
        %dma_start3A_1680 = arith.constant 0 : i32
        %dma_start3A_1681 = tpu.memref_slice %arg2[%add3A_1679, %dma_start3A_1680] : memref<16384x50xi32, #tpu.memory_space<hbm>> -> memref<16x50xi32, #tpu.memory_space<hbm>>
        %dma_start3A_1682 = arith.constant 0 : i32
        %dma_start3A_1683 = tpu.memref_slice %arg2[%add3A_1679, %dma_start3A_1682] : memref<16384x50xi32, #tpu.memory_space<hbm>> -> memref<16x50xi32, #tpu.memory_space<hbm>>
        tpu.enqueue_dma source(%dma_start3A_1683 : memref<16x50xi32, #tpu.memory_space<hbm>>) target(%arg5 : memref<16x50xi32, #tpu.memory_space<vmem>>) target_semaphore(%arg9 : memref<!tpu.dma_semaphore, #tpu.memory_space<semaphore_mem>>)
      } else {
      }
    }
    %scan3A_619 = arith.constant 15 : i32
    %dma_wait3A_620 = arith.constant 0 : i32
    %dma_wait3A_621 = arith.constant 0 : i32
    %dma_wait3A_622 = arith.constant 0 : i32
    %dma_wait3A_623 = arith.constant 0 : i32
    %dma_wait3A_624 = tpu.memref_slice %arg8[%dma_wait3A_621, %dma_wait3A_622, %dma_wait3A_623] : memref<16x50x32xf32, #tpu.memory_space<vmem>> -> memref<1x50x32xf32, #tpu.memory_space<vmem>>
    %dma_wait3A_625 = tpu.memref_squeeze %dma_wait3A_624 : memref<1x50x32xf32, #tpu.memory_space<vmem>> -> memref<50x32xf32, #tpu.memory_space<vmem>>
    %dma_wait3A_626 = arith.constant 0 : i32
    %dma_wait3A_627 = tpu.memref_slice %arg6[%dma_wait3A_620, %dma_wait3A_626] : memref<16x50xi32, #tpu.memory_space<vmem>> -> memref<1x50xi32, #tpu.memory_space<vmem>>
    %dma_wait3A_628 = tpu.memref_squeeze %dma_wait3A_627 : memref<1x50xi32, #tpu.memory_space<vmem>> -> memref<50xi32, #tpu.memory_space<vmem>>
    %dma_wait3A_629 = arith.constant 0 : i32
    %dma_wait3A_630 = arith.constant 0 : i32
    %dma_wait3A_631 = tpu.memref_slice %arg3[%dma_wait3A_629, %dma_wait3A_630] : memref<1000000x32xf32, #tpu.memory_space<hbm>> -> memref<1000000x32xf32, #tpu.memory_space<hbm>>
    tpu.wait_indirect_dma semaphore(%arg12 : memref<!tpu.dma_semaphore, #tpu.memory_space<semaphore_mem>>) src(%dma_wait3A_631 : memref<1000000x32xf32, #tpu.memory_space<hbm>>) dst(%dma_wait3A_625 : memref<50x32xf32, #tpu.memory_space<vmem>>)
    %dma_wait3A_632 = arith.constant 1 : i32
    %dma_wait3A_633 = arith.constant 1 : i32
    %dma_wait3A_634 = arith.constant 0 : i32
    %dma_wait3A_635 = arith.constant 0 : i32
    %dma_wait3A_636 = tpu.memref_slice %arg8[%dma_wait3A_633, %dma_wait3A_634, %dma_wait3A_635] : memref<16x50x32xf32, #tpu.memory_space<vmem>> -> memref<1x50x32xf32, #tpu.memory_space<vmem>>
    %dma_wait3A_637 = tpu.memref_squeeze %dma_wait3A_636 : memref<1x50x32xf32, #tpu.memory_space<vmem>> -> memref<50x32xf32, #tpu.memory_space<vmem>>
    %dma_wait3A_638 = arith.constant 0 : i32
    %dma_wait3A_639 = tpu.memref_slice %arg6[%dma_wait3A_632, %dma_wait3A_638] : memref<16x50xi32, #tpu.memory_space<vmem>> -> memref<1x50xi32, #tpu.memory_space<vmem>>
    %dma_wait3A_640 = tpu.memref_squeeze %dma_wait3A_639 : memref<1x50xi32, #tpu.memory_space<vmem>> -> memref<50xi32, #tpu.memory_space<vmem>>
    %dma_wait3A_641 = arith.constant 0 : i32
    %dma_wait3A_642 = arith.constant 0 : i32
    %dma_wait3A_643 = tpu.memref_slice %arg3[%dma_wait3A_641, %dma_wait3A_642] : memref<1000000x32xf32, #tpu.memory_space<hbm>> -> memref<1000000x32xf32, #tpu.memory_space<hbm>>
    tpu.wait_indirect_dma semaphore(%arg12 : memref<!tpu.dma_semaphore, #tpu.memory_space<semaphore_mem>>) src(%dma_wait3A_643 : memref<1000000x32xf32, #tpu.memory_space<hbm>>) dst(%dma_wait3A_637 : memref<50x32xf32, #tpu.memory_space<vmem>>)
    %dma_wait3A_644 = arith.constant 2 : i32
    %dma_wait3A_645 = arith.constant 2 : i32
    %dma_wait3A_646 = arith.constant 0 : i32
    %dma_wait3A_647 = arith.constant 0 : i32
    %dma_wait3A_648 = tpu.memref_slice %arg8[%dma_wait3A_645, %dma_wait3A_646, %dma_wait3A_647] : memref<16x50x32xf32, #tpu.memory_space<vmem>> -> memref<1x50x32xf32, #tpu.memory_space<vmem>>
    %dma_wait3A_649 = tpu.memref_squeeze %dma_wait3A_648 : memref<1x50x32xf32, #tpu.memory_space<vmem>> -> memref<50x32xf32, #tpu.memory_space<vmem>>
    %dma_wait3A_650 = arith.constant 0 : i32
    %dma_wait3A_651 = tpu.memref_slice %arg6[%dma_wait3A_644, %dma_wait3A_650] : memref<16x50xi32, #tpu.memory_space<vmem>> -> memref<1x50xi32, #tpu.memory_space<vmem>>
    %dma_wait3A_652 = tpu.memref_squeeze %dma_wait3A_651 : memref<1x50xi32, #tpu.memory_space<vmem>> -> memref<50xi32, #tpu.memory_space<vmem>>
    %dma_wait3A_653 = arith.constant 0 : i32
    %dma_wait3A_654 = arith.constant 0 : i32
    %dma_wait3A_655 = tpu.memref_slice %arg3[%dma_wait3A_653, %dma_wait3A_654] : memref<1000000x32xf32, #tpu.memory_space<hbm>> -> memref<1000000x32xf32, #tpu.memory_space<hbm>>
    tpu.wait_indirect_dma semaphore(%arg12 : memref<!tpu.dma_semaphore, #tpu.memory_space<semaphore_mem>>) src(%dma_wait3A_655 : memref<1000000x32xf32, #tpu.memory_space<hbm>>) dst(%dma_wait3A_649 : memref<50x32xf32, #tpu.memory_space<vmem>>)
    %dma_wait3A_656 = arith.constant 3 : i32
    %dma_wait3A_657 = arith.constant 3 : i32
    %dma_wait3A_658 = arith.constant 0 : i32
    %dma_wait3A_659 = arith.constant 0 : i32
    %dma_wait3A_660 = tpu.memref_slice %arg8[%dma_wait3A_657, %dma_wait3A_658, %dma_wait3A_659] : memref<16x50x32xf32, #tpu.memory_space<vmem>> -> memref<1x50x32xf32, #tpu.memory_space<vmem>>
    %dma_wait3A_661 = tpu.memref_squeeze %dma_wait3A_660 : memref<1x50x32xf32, #tpu.memory_space<vmem>> -> memref<50x32xf32, #tpu.memory_space<vmem>>
    %dma_wait3A_662 = arith.constant 0 : i32
    %dma_wait3A_663 = tpu.memref_slice %arg6[%dma_wait3A_656, %dma_wait3A_662] : memref<16x50xi32, #tpu.memory_space<vmem>> -> memref<1x50xi32, #tpu.memory_space<vmem>>
    %dma_wait3A_664 = tpu.memref_squeeze %dma_wait3A_663 : memref<1x50xi32, #tpu.memory_space<vmem>> -> memref<50xi32, #tpu.memory_space<vmem>>
    %dma_wait3A_665 = arith.constant 0 : i32
    %dma_wait3A_666 = arith.constant 0 : i32
    %dma_wait3A_667 = tpu.memref_slice %arg3[%dma_wait3A_665, %dma_wait3A_666] : memref<1000000x32xf32, #tpu.memory_space<hbm>> -> memref<1000000x32xf32, #tpu.memory_space<hbm>>
    tpu.wait_indirect_dma semaphore(%arg12 : memref<!tpu.dma_semaphore, #tpu.memory_space<semaphore_mem>>) src(%dma_wait3A_667 : memref<1000000x32xf32, #tpu.memory_space<hbm>>) dst(%dma_wait3A_661 : memref<50x32xf32, #tpu.memory_space<vmem>>)
    %dma_wait3A_668 = arith.constant 4 : i32
    %dma_wait3A_669 = arith.constant 4 : i32
    %dma_wait3A_670 = arith.constant 0 : i32
    %dma_wait3A_671 = arith.constant 0 : i32
    %dma_wait3A_672 = tpu.memref_slice %arg8[%dma_wait3A_669, %dma_wait3A_670, %dma_wait3A_671] : memref<16x50x32xf32, #tpu.memory_space<vmem>> -> memref<1x50x32xf32, #tpu.memory_space<vmem>>
    %dma_wait3A_673 = tpu.memref_squeeze %dma_wait3A_672 : memref<1x50x32xf32, #tpu.memory_space<vmem>> -> memref<50x32xf32, #tpu.memory_space<vmem>>
    %dma_wait3A_674 = arith.constant 0 : i32
    %dma_wait3A_675 = tpu.memref_slice %arg6[%dma_wait3A_668, %dma_wait3A_674] : memref<16x50xi32, #tpu.memory_space<vmem>> -> memref<1x50xi32, #tpu.memory_space<vmem>>
    %dma_wait3A_676 = tpu.memref_squeeze %dma_wait3A_675 : memref<1x50xi32, #tpu.memory_space<vmem>> -> memref<50xi32, #tpu.memory_space<vmem>>
    %dma_wait3A_677 = arith.constant 0 : i32
    %dma_wait3A_678 = arith.constant 0 : i32
    %dma_wait3A_679 = tpu.memref_slice %arg3[%dma_wait3A_677, %dma_wait3A_678] : memref<1000000x32xf32, #tpu.memory_space<hbm>> -> memref<1000000x32xf32, #tpu.memory_space<hbm>>
    tpu.wait_indirect_dma semaphore(%arg12 : memref<!tpu.dma_semaphore, #tpu.memory_space<semaphore_mem>>) src(%dma_wait3A_679 : memref<1000000x32xf32, #tpu.memory_space<hbm>>) dst(%dma_wait3A_673 : memref<50x32xf32, #tpu.memory_space<vmem>>)
    %dma_wait3A_680 = arith.constant 5 : i32
    %dma_wait3A_681 = arith.constant 5 : i32
    %dma_wait3A_682 = arith.constant 0 : i32
    %dma_wait3A_683 = arith.constant 0 : i32
    %dma_wait3A_684 = tpu.memref_slice %arg8[%dma_wait3A_681, %dma_wait3A_682, %dma_wait3A_683] : memref<16x50x32xf32, #tpu.memory_space<vmem>> -> memref<1x50x32xf32, #tpu.memory_space<vmem>>
    %dma_wait3A_685 = tpu.memref_squeeze %dma_wait3A_684 : memref<1x50x32xf32, #tpu.memory_space<vmem>> -> memref<50x32xf32, #tpu.memory_space<vmem>>
    %dma_wait3A_686 = arith.constant 0 : i32
    %dma_wait3A_687 = tpu.memref_slice %arg6[%dma_wait3A_680, %dma_wait3A_686] : memref<16x50xi32, #tpu.memory_space<vmem>> -> memref<1x50xi32, #tpu.memory_space<vmem>>
    %dma_wait3A_688 = tpu.memref_squeeze %dma_wait3A_687 : memref<1x50xi32, #tpu.memory_space<vmem>> -> memref<50xi32, #tpu.memory_space<vmem>>
    %dma_wait3A_689 = arith.constant 0 : i32
    %dma_wait3A_690 = arith.constant 0 : i32
    %dma_wait3A_691 = tpu.memref_slice %arg3[%dma_wait3A_689, %dma_wait3A_690] : memref<1000000x32xf32, #tpu.memory_space<hbm>> -> memref<1000000x32xf32, #tpu.memory_space<hbm>>
    tpu.wait_indirect_dma semaphore(%arg12 : memref<!tpu.dma_semaphore, #tpu.memory_space<semaphore_mem>>) src(%dma_wait3A_691 : memref<1000000x32xf32, #tpu.memory_space<hbm>>) dst(%dma_wait3A_685 : memref<50x32xf32, #tpu.memory_space<vmem>>)
    %dma_wait3A_692 = arith.constant 6 : i32
    %dma_wait3A_693 = arith.constant 6 : i32
    %dma_wait3A_694 = arith.constant 0 : i32
    %dma_wait3A_695 = arith.constant 0 : i32
    %dma_wait3A_696 = tpu.memref_slice %arg8[%dma_wait3A_693, %dma_wait3A_694, %dma_wait3A_695] : memref<16x50x32xf32, #tpu.memory_space<vmem>> -> memref<1x50x32xf32, #tpu.memory_space<vmem>>
    %dma_wait3A_697 = tpu.memref_squeeze %dma_wait3A_696 : memref<1x50x32xf32, #tpu.memory_space<vmem>> -> memref<50x32xf32, #tpu.memory_space<vmem>>
    %dma_wait3A_698 = arith.constant 0 : i32
    %dma_wait3A_699 = tpu.memref_slice %arg6[%dma_wait3A_692, %dma_wait3A_698] : memref<16x50xi32, #tpu.memory_space<vmem>> -> memref<1x50xi32, #tpu.memory_space<vmem>>
    %dma_wait3A_700 = tpu.memref_squeeze %dma_wait3A_699 : memref<1x50xi32, #tpu.memory_space<vmem>> -> memref<50xi32, #tpu.memory_space<vmem>>
    %dma_wait3A_701 = arith.constant 0 : i32
    %dma_wait3A_702 = arith.constant 0 : i32
    %dma_wait3A_703 = tpu.memref_slice %arg3[%dma_wait3A_701, %dma_wait3A_702] : memref<1000000x32xf32, #tpu.memory_space<hbm>> -> memref<1000000x32xf32, #tpu.memory_space<hbm>>
    tpu.wait_indirect_dma semaphore(%arg12 : memref<!tpu.dma_semaphore, #tpu.memory_space<semaphore_mem>>) src(%dma_wait3A_703 : memref<1000000x32xf32, #tpu.memory_space<hbm>>) dst(%dma_wait3A_697 : memref<50x32xf32, #tpu.memory_space<vmem>>)
    %dma_wait3A_704 = arith.constant 7 : i32
    %dma_wait3A_705 = arith.constant 7 : i32
    %dma_wait3A_706 = arith.constant 0 : i32
    %dma_wait3A_707 = arith.constant 0 : i32
    %dma_wait3A_708 = tpu.memref_slice %arg8[%dma_wait3A_705, %dma_wait3A_706, %dma_wait3A_707] : memref<16x50x32xf32, #tpu.memory_space<vmem>> -> memref<1x50x32xf32, #tpu.memory_space<vmem>>
    %dma_wait3A_709 = tpu.memref_squeeze %dma_wait3A_708 : memref<1x50x32xf32, #tpu.memory_space<vmem>> -> memref<50x32xf32, #tpu.memory_space<vmem>>
    %dma_wait3A_710 = arith.constant 0 : i32
    %dma_wait3A_711 = tpu.memref_slice %arg6[%dma_wait3A_704, %dma_wait3A_710] : memref<16x50xi32, #tpu.memory_space<vmem>> -> memref<1x50xi32, #tpu.memory_space<vmem>>
    %dma_wait3A_712 = tpu.memref_squeeze %dma_wait3A_711 : memref<1x50xi32, #tpu.memory_space<vmem>> -> memref<50xi32, #tpu.memory_space<vmem>>
    %dma_wait3A_713 = arith.constant 0 : i32
    %dma_wait3A_714 = arith.constant 0 : i32
    %dma_wait3A_715 = tpu.memref_slice %arg3[%dma_wait3A_713, %dma_wait3A_714] : memref<1000000x32xf32, #tpu.memory_space<hbm>> -> memref<1000000x32xf32, #tpu.memory_space<hbm>>
    tpu.wait_indirect_dma semaphore(%arg12 : memref<!tpu.dma_semaphore, #tpu.memory_space<semaphore_mem>>) src(%dma_wait3A_715 : memref<1000000x32xf32, #tpu.memory_space<hbm>>) dst(%dma_wait3A_709 : memref<50x32xf32, #tpu.memory_space<vmem>>)
    %dma_wait3A_716 = arith.constant 8 : i32
    %dma_wait3A_717 = arith.constant 8 : i32
    %dma_wait3A_718 = arith.constant 0 : i32
    %dma_wait3A_719 = arith.constant 0 : i32
    %dma_wait3A_720 = tpu.memref_slice %arg8[%dma_wait3A_717, %dma_wait3A_718, %dma_wait3A_719] : memref<16x50x32xf32, #tpu.memory_space<vmem>> -> memref<1x50x32xf32, #tpu.memory_space<vmem>>
    %dma_wait3A_721 = tpu.memref_squeeze %dma_wait3A_720 : memref<1x50x32xf32, #tpu.memory_space<vmem>> -> memref<50x32xf32, #tpu.memory_space<vmem>>
    %dma_wait3A_722 = arith.constant 0 : i32
    %dma_wait3A_723 = tpu.memref_slice %arg6[%dma_wait3A_716, %dma_wait3A_722] : memref<16x50xi32, #tpu.memory_space<vmem>> -> memref<1x50xi32, #tpu.memory_space<vmem>>
    %dma_wait3A_724 = tpu.memref_squeeze %dma_wait3A_723 : memref<1x50xi32, #tpu.memory_space<vmem>> -> memref<50xi32, #tpu.memory_space<vmem>>
    %dma_wait3A_725 = arith.constant 0 : i32
    %dma_wait3A_726 = arith.constant 0 : i32
    %dma_wait3A_727 = tpu.memref_slice %arg3[%dma_wait3A_725, %dma_wait3A_726] : memref<1000000x32xf32, #tpu.memory_space<hbm>> -> memref<1000000x32xf32, #tpu.memory_space<hbm>>
    tpu.wait_indirect_dma semaphore(%arg12 : memref<!tpu.dma_semaphore, #tpu.memory_space<semaphore_mem>>) src(%dma_wait3A_727 : memref<1000000x32xf32, #tpu.memory_space<hbm>>) dst(%dma_wait3A_721 : memref<50x32xf32, #tpu.memory_space<vmem>>)
    %dma_wait3A_728 = arith.constant 9 : i32
    %dma_wait3A_729 = arith.constant 9 : i32
    %dma_wait3A_730 = arith.constant 0 : i32
    %dma_wait3A_731 = arith.constant 0 : i32
    %dma_wait3A_732 = tpu.memref_slice %arg8[%dma_wait3A_729, %dma_wait3A_730, %dma_wait3A_731] : memref<16x50x32xf32, #tpu.memory_space<vmem>> -> memref<1x50x32xf32, #tpu.memory_space<vmem>>
    %dma_wait3A_733 = tpu.memref_squeeze %dma_wait3A_732 : memref<1x50x32xf32, #tpu.memory_space<vmem>> -> memref<50x32xf32, #tpu.memory_space<vmem>>
    %dma_wait3A_734 = arith.constant 0 : i32
    %dma_wait3A_735 = tpu.memref_slice %arg6[%dma_wait3A_728, %dma_wait3A_734] : memref<16x50xi32, #tpu.memory_space<vmem>> -> memref<1x50xi32, #tpu.memory_space<vmem>>
    %dma_wait3A_736 = tpu.memref_squeeze %dma_wait3A_735 : memref<1x50xi32, #tpu.memory_space<vmem>> -> memref<50xi32, #tpu.memory_space<vmem>>
    %dma_wait3A_737 = arith.constant 0 : i32
    %dma_wait3A_738 = arith.constant 0 : i32
    %dma_wait3A_739 = tpu.memref_slice %arg3[%dma_wait3A_737, %dma_wait3A_738] : memref<1000000x32xf32, #tpu.memory_space<hbm>> -> memref<1000000x32xf32, #tpu.memory_space<hbm>>
    tpu.wait_indirect_dma semaphore(%arg12 : memref<!tpu.dma_semaphore, #tpu.memory_space<semaphore_mem>>) src(%dma_wait3A_739 : memref<1000000x32xf32, #tpu.memory_space<hbm>>) dst(%dma_wait3A_733 : memref<50x32xf32, #tpu.memory_space<vmem>>)
    %dma_wait3A_740 = arith.constant 10 : i32
    %dma_wait3A_741 = arith.constant 10 : i32
    %dma_wait3A_742 = arith.constant 0 : i32
    %dma_wait3A_743 = arith.constant 0 : i32
    %dma_wait3A_744 = tpu.memref_slice %arg8[%dma_wait3A_741, %dma_wait3A_742, %dma_wait3A_743] : memref<16x50x32xf32, #tpu.memory_space<vmem>> -> memref<1x50x32xf32, #tpu.memory_space<vmem>>
    %dma_wait3A_745 = tpu.memref_squeeze %dma_wait3A_744 : memref<1x50x32xf32, #tpu.memory_space<vmem>> -> memref<50x32xf32, #tpu.memory_space<vmem>>
    %dma_wait3A_746 = arith.constant 0 : i32
    %dma_wait3A_747 = tpu.memref_slice %arg6[%dma_wait3A_740, %dma_wait3A_746] : memref<16x50xi32, #tpu.memory_space<vmem>> -> memref<1x50xi32, #tpu.memory_space<vmem>>
    %dma_wait3A_748 = tpu.memref_squeeze %dma_wait3A_747 : memref<1x50xi32, #tpu.memory_space<vmem>> -> memref<50xi32, #tpu.memory_space<vmem>>
    %dma_wait3A_749 = arith.constant 0 : i32
    %dma_wait3A_750 = arith.constant 0 : i32
    %dma_wait3A_751 = tpu.memref_slice %arg3[%dma_wait3A_749, %dma_wait3A_750] : memref<1000000x32xf32, #tpu.memory_space<hbm>> -> memref<1000000x32xf32, #tpu.memory_space<hbm>>
    tpu.wait_indirect_dma semaphore(%arg12 : memref<!tpu.dma_semaphore, #tpu.memory_space<semaphore_mem>>) src(%dma_wait3A_751 : memref<1000000x32xf32, #tpu.memory_space<hbm>>) dst(%dma_wait3A_745 : memref<50x32xf32, #tpu.memory_space<vmem>>)
    %dma_wait3A_752 = arith.constant 11 : i32
    %dma_wait3A_753 = arith.constant 11 : i32
    %dma_wait3A_754 = arith.constant 0 : i32
    %dma_wait3A_755 = arith.constant 0 : i32
    %dma_wait3A_756 = tpu.memref_slice %arg8[%dma_wait3A_753, %dma_wait3A_754, %dma_wait3A_755] : memref<16x50x32xf32, #tpu.memory_space<vmem>> -> memref<1x50x32xf32, #tpu.memory_space<vmem>>
    %dma_wait3A_757 = tpu.memref_squeeze %dma_wait3A_756 : memref<1x50x32xf32, #tpu.memory_space<vmem>> -> memref<50x32xf32, #tpu.memory_space<vmem>>
    %dma_wait3A_758 = arith.constant 0 : i32
    %dma_wait3A_759 = tpu.memref_slice %arg6[%dma_wait3A_752, %dma_wait3A_758] : memref<16x50xi32, #tpu.memory_space<vmem>> -> memref<1x50xi32, #tpu.memory_space<vmem>>
    %dma_wait3A_760 = tpu.memref_squeeze %dma_wait3A_759 : memref<1x50xi32, #tpu.memory_space<vmem>> -> memref<50xi32, #tpu.memory_space<vmem>>
    %dma_wait3A_761 = arith.constant 0 : i32
    %dma_wait3A_762 = arith.constant 0 : i32
    %dma_wait3A_763 = tpu.memref_slice %arg3[%dma_wait3A_761, %dma_wait3A_762] : memref<1000000x32xf32, #tpu.memory_space<hbm>> -> memref<1000000x32xf32, #tpu.memory_space<hbm>>
    tpu.wait_indirect_dma semaphore(%arg12 : memref<!tpu.dma_semaphore, #tpu.memory_space<semaphore_mem>>) src(%dma_wait3A_763 : memref<1000000x32xf32, #tpu.memory_space<hbm>>) dst(%dma_wait3A_757 : memref<50x32xf32, #tpu.memory_space<vmem>>)
    %dma_wait3A_764 = arith.constant 12 : i32
    %dma_wait3A_765 = arith.constant 12 : i32
    %dma_wait3A_766 = arith.constant 0 : i32
    %dma_wait3A_767 = arith.constant 0 : i32
    %dma_wait3A_768 = tpu.memref_slice %arg8[%dma_wait3A_765, %dma_wait3A_766, %dma_wait3A_767] : memref<16x50x32xf32, #tpu.memory_space<vmem>> -> memref<1x50x32xf32, #tpu.memory_space<vmem>>
    %dma_wait3A_769 = tpu.memref_squeeze %dma_wait3A_768 : memref<1x50x32xf32, #tpu.memory_space<vmem>> -> memref<50x32xf32, #tpu.memory_space<vmem>>
    %dma_wait3A_770 = arith.constant 0 : i32
    %dma_wait3A_771 = tpu.memref_slice %arg6[%dma_wait3A_764, %dma_wait3A_770] : memref<16x50xi32, #tpu.memory_space<vmem>> -> memref<1x50xi32, #tpu.memory_space<vmem>>
    %dma_wait3A_772 = tpu.memref_squeeze %dma_wait3A_771 : memref<1x50xi32, #tpu.memory_space<vmem>> -> memref<50xi32, #tpu.memory_space<vmem>>
    %dma_wait3A_773 = arith.constant 0 : i32
    %dma_wait3A_774 = arith.constant 0 : i32
    %dma_wait3A_775 = tpu.memref_slice %arg3[%dma_wait3A_773, %dma_wait3A_774] : memref<1000000x32xf32, #tpu.memory_space<hbm>> -> memref<1000000x32xf32, #tpu.memory_space<hbm>>
    tpu.wait_indirect_dma semaphore(%arg12 : memref<!tpu.dma_semaphore, #tpu.memory_space<semaphore_mem>>) src(%dma_wait3A_775 : memref<1000000x32xf32, #tpu.memory_space<hbm>>) dst(%dma_wait3A_769 : memref<50x32xf32, #tpu.memory_space<vmem>>)
    %dma_wait3A_776 = arith.constant 13 : i32
    %dma_wait3A_777 = arith.constant 13 : i32
    %dma_wait3A_778 = arith.constant 0 : i32
    %dma_wait3A_779 = arith.constant 0 : i32
    %dma_wait3A_780 = tpu.memref_slice %arg8[%dma_wait3A_777, %dma_wait3A_778, %dma_wait3A_779] : memref<16x50x32xf32, #tpu.memory_space<vmem>> -> memref<1x50x32xf32, #tpu.memory_space<vmem>>
    %dma_wait3A_781 = tpu.memref_squeeze %dma_wait3A_780 : memref<1x50x32xf32, #tpu.memory_space<vmem>> -> memref<50x32xf32, #tpu.memory_space<vmem>>
    %dma_wait3A_782 = arith.constant 0 : i32
    %dma_wait3A_783 = tpu.memref_slice %arg6[%dma_wait3A_776, %dma_wait3A_782] : memref<16x50xi32, #tpu.memory_space<vmem>> -> memref<1x50xi32, #tpu.memory_space<vmem>>
    %dma_wait3A_784 = tpu.memref_squeeze %dma_wait3A_783 : memref<1x50xi32, #tpu.memory_space<vmem>> -> memref<50xi32, #tpu.memory_space<vmem>>
    %dma_wait3A_785 = arith.constant 0 : i32
    %dma_wait3A_786 = arith.constant 0 : i32
    %dma_wait3A_787 = tpu.memref_slice %arg3[%dma_wait3A_785, %dma_wait3A_786] : memref<1000000x32xf32, #tpu.memory_space<hbm>> -> memref<1000000x32xf32, #tpu.memory_space<hbm>>
    tpu.wait_indirect_dma semaphore(%arg12 : memref<!tpu.dma_semaphore, #tpu.memory_space<semaphore_mem>>) src(%dma_wait3A_787 : memref<1000000x32xf32, #tpu.memory_space<hbm>>) dst(%dma_wait3A_781 : memref<50x32xf32, #tpu.memory_space<vmem>>)
    %dma_wait3A_788 = arith.constant 14 : i32
    %dma_wait3A_789 = arith.constant 14 : i32
    %dma_wait3A_790 = arith.constant 0 : i32
    %dma_wait3A_791 = arith.constant 0 : i32
    %dma_wait3A_792 = tpu.memref_slice %arg8[%dma_wait3A_789, %dma_wait3A_790, %dma_wait3A_791] : memref<16x50x32xf32, #tpu.memory_space<vmem>> -> memref<1x50x32xf32, #tpu.memory_space<vmem>>
    %dma_wait3A_793 = tpu.memref_squeeze %dma_wait3A_792 : memref<1x50x32xf32, #tpu.memory_space<vmem>> -> memref<50x32xf32, #tpu.memory_space<vmem>>
    %dma_wait3A_794 = arith.constant 0 : i32
    %dma_wait3A_795 = tpu.memref_slice %arg6[%dma_wait3A_788, %dma_wait3A_794] : memref<16x50xi32, #tpu.memory_space<vmem>> -> memref<1x50xi32, #tpu.memory_space<vmem>>
    %dma_wait3A_796 = tpu.memref_squeeze %dma_wait3A_795 : memref<1x50xi32, #tpu.memory_space<vmem>> -> memref<50xi32, #tpu.memory_space<vmem>>
    %dma_wait3A_797 = arith.constant 0 : i32
    %dma_wait3A_798 = arith.constant 0 : i32
    %dma_wait3A_799 = tpu.memref_slice %arg3[%dma_wait3A_797, %dma_wait3A_798] : memref<1000000x32xf32, #tpu.memory_space<hbm>> -> memref<1000000x32xf32, #tpu.memory_space<hbm>>
    tpu.wait_indirect_dma semaphore(%arg12 : memref<!tpu.dma_semaphore, #tpu.memory_space<semaphore_mem>>) src(%dma_wait3A_799 : memref<1000000x32xf32, #tpu.memory_space<hbm>>) dst(%dma_wait3A_793 : memref<50x32xf32, #tpu.memory_space<vmem>>)
    %dma_wait3A_800 = arith.constant 15 : i32
    %dma_wait3A_801 = arith.constant 15 : i32
    %dma_wait3A_802 = arith.constant 0 : i32
    %dma_wait3A_803 = arith.constant 0 : i32
    %dma_wait3A_804 = tpu.memref_slice %arg8[%dma_wait3A_801, %dma_wait3A_802, %dma_wait3A_803] : memref<16x50x32xf32, #tpu.memory_space<vmem>> -> memref<1x50x32xf32, #tpu.memory_space<vmem>>
    %dma_wait3A_805 = tpu.memref_squeeze %dma_wait3A_804 : memref<1x50x32xf32, #tpu.memory_space<vmem>> -> memref<50x32xf32, #tpu.memory_space<vmem>>
    %dma_wait3A_806 = arith.constant 0 : i32
    %dma_wait3A_807 = tpu.memref_slice %arg6[%dma_wait3A_800, %dma_wait3A_806] : memref<16x50xi32, #tpu.memory_space<vmem>> -> memref<1x50xi32, #tpu.memory_space<vmem>>
    %dma_wait3A_808 = tpu.memref_squeeze %dma_wait3A_807 : memref<1x50xi32, #tpu.memory_space<vmem>> -> memref<50xi32, #tpu.memory_space<vmem>>
    %dma_wait3A_809 = arith.constant 0 : i32
    %dma_wait3A_810 = arith.constant 0 : i32
    %dma_wait3A_811 = tpu.memref_slice %arg3[%dma_wait3A_809, %dma_wait3A_810] : memref<1000000x32xf32, #tpu.memory_space<hbm>> -> memref<1000000x32xf32, #tpu.memory_space<hbm>>
    tpu.wait_indirect_dma semaphore(%arg12 : memref<!tpu.dma_semaphore, #tpu.memory_space<semaphore_mem>>) src(%dma_wait3A_811 : memref<1000000x32xf32, #tpu.memory_space<hbm>>) dst(%dma_wait3A_805 : memref<50x32xf32, #tpu.memory_space<vmem>>)
    %add3A_812 = arith.constant 496 : i32
    %add3A_813 = arith.addi %mul3A_2, %add3A_812 : i32
    %dma_start3A_814 = arith.constant 0 : i32
    %dma_start3A_815 = arith.constant 0 : i32
    %dma_start3A_816 = tpu.memref_slice %arg4[%add3A_813, %dma_start3A_814, %dma_start3A_815] : memref<16384x50x32xf32, #tpu.memory_space<hbm>> -> memref<16x50x32xf32, #tpu.memory_space<hbm>>
    %dma_start3A_817 = arith.constant 0 : i32
    %dma_start3A_818 = arith.constant 0 : i32
    %dma_start3A_819 = tpu.memref_slice %arg4[%add3A_813, %dma_start3A_817, %dma_start3A_818] : memref<16384x50x32xf32, #tpu.memory_space<hbm>> -> memref<16x50x32xf32, #tpu.memory_space<hbm>>
    tpu.enqueue_dma source(%arg8 : memref<16x50x32xf32, #tpu.memory_space<vmem>>) target(%dma_start3A_819 : memref<16x50x32xf32, #tpu.memory_space<hbm>>) target_semaphore(%arg14 : memref<!tpu.dma_semaphore, #tpu.memory_space<semaphore_mem>>)
    %add3A_820 = arith.constant 480 : i32
    %add3A_821 = arith.addi %mul3A_2, %add3A_820 : i32
    %dma_wait3A_822 = arith.constant 0 : i32
    %dma_wait3A_823 = arith.constant 0 : i32
    %dma_wait3A_824 = tpu.memref_slice %arg4[%add3A_821, %dma_wait3A_822, %dma_wait3A_823] : memref<16384x50x32xf32, #tpu.memory_space<hbm>> -> memref<16x50x32xf32, #tpu.memory_space<hbm>>
    %dma_wait3A_825 = arith.constant 0 : i32
    %dma_wait3A_826 = arith.constant 0 : i32
    %dma_wait3A_827 = tpu.memref_slice %arg4[%add3A_821, %dma_wait3A_825, %dma_wait3A_826] : memref<16384x50x32xf32, #tpu.memory_space<hbm>> -> memref<16x50x32xf32, #tpu.memory_space<hbm>>
    tpu.wait_dma2 semaphore(%arg13 : memref<!tpu.dma_semaphore, #tpu.memory_space<semaphore_mem>>) src(%arg7 : memref<16x50x32xf32, #tpu.memory_space<vmem>>) dst(%dma_wait3A_827 : memref<16x50x32xf32, #tpu.memory_space<hbm>>)
    %add3A_828 = arith.constant 496 : i32
    %add3A_829 = arith.addi %mul3A_2, %add3A_828 : i32
    %dma_wait3A_830 = arith.constant 0 : i32
    %dma_wait3A_831 = arith.constant 0 : i32
    %dma_wait3A_832 = tpu.memref_slice %arg4[%add3A_829, %dma_wait3A_830, %dma_wait3A_831] : memref<16384x50x32xf32, #tpu.memory_space<hbm>> -> memref<16x50x32xf32, #tpu.memory_space<hbm>>
    %dma_wait3A_833 = arith.constant 0 : i32
    %dma_wait3A_834 = arith.constant 0 : i32
    %dma_wait3A_835 = tpu.memref_slice %arg4[%add3A_829, %dma_wait3A_833, %dma_wait3A_834] : memref<16384x50x32xf32, #tpu.memory_space<hbm>> -> memref<16x50x32xf32, #tpu.memory_space<hbm>>
    tpu.wait_dma2 semaphore(%arg14 : memref<!tpu.dma_semaphore, #tpu.memory_space<semaphore_mem>>) src(%arg8 : memref<16x50x32xf32, #tpu.memory_space<vmem>>) dst(%dma_wait3A_835 : memref<16x50x32xf32, #tpu.memory_space<hbm>>)
    return
  }
}

</mosaic_0001>

<sc_bundles>
// kernel: _embedding_gather.3.cloned.1.call-start
scs
__scs_entry_jumppad:
0x0: {  	(pc) =	sbr.rel $0x88, $3  }
0x1: {  	(tag) =	ssettag $0x0;
	lr =	simm.s32 $0x1  }
0x2: {  	[smem:$0x3F9F] =	sst lr;
	_ =	strace $0xD0000000  }
0x3: {  	_ = 	snop  }
0x4: {  	_ = 	snop  }
0x5: {  	_ = 	snop  }
0x6: {  	_ = 	snop  }
0x7: {  	_ = 	snop  }
__scs_overlays_trampoline_lowered:
0x8: {  	[smem:$0x3FAE] =	sst s0  }
0x9: {  	[smem:$0x3FAF] =	sst s1  }
0xa: {  	[smem:$0x3FB0] =	sst s2  }
0xb: {  	[smem:$0x3FB1] =	sst s3  }
0xc: {  	[smem:$0x3FB2] =	sst s4  }
0xd: {  	[smem:$0x3FB3] =	sst s5  }
0xe: {  	[smem:$0x3FB4] =	sst s6  }
0xf: {  	[smem:$0x3FB5] =	sst s7  }
0x10: {  	[smem:$0x3FB6] =	sst s8  }
0x11: {  	[smem:$0x3FB7] =	sst s9;
	s0 =	simm.s32 @!p0 $0x0  }
0x12: {  	s1 =	sld [smem:$0x3F9D];
	s0 =	simm.s32 @p0 $0x1  }
0x13: {  	[smem:$0x3FB8] =	sst s0;
	s0 =	simm.s32 @!p1 $0x0  }
0x14: {  	s2 =	sld [smem:$0x3F9C];
	s0 =	simm.s32 @p1 $0x1  }
0x15: {  	[smem:$0x3FB9] =	sst s0;
	s0 =	simm.s32 @!p2 $0x0  }
0x16: {  	s3 =	sld [smem:$0x3FDB];
	s0 =	simm.s32 @p2 $0x1  }
0x17: {  	s4 =	simm.s32 $0x1BF5;
	[smem:$0x3FBB] =	sst s0  }
0x18: {  	s0 =	sld [smem:$0x3F9E];
	_ =	swait.ge [sflag:s4], $0x0  }
0x19: {  	s7 =	sld [smem:$0x3F9F]  }
0x1a: {  	s8 =	sadd.s32 $0xFFFFE003, lr  }
0x1b: {  	s9 =	sadd.s32 $0xFFFFFEF7, lr;
	s5 =	simm.s32 $0xFFFFFFFF;
	p2 =	slt.u32 s8, $0xFFFFF086  }
0x1c: {  	p1 =	slt.u32 s9, $0xF7A;
	s5 =	simm.s32 @!p2 $0x0  }
0x1d: {  	s5 =	simm.s32 @p1 $0x1;
	p0 =	seq.s32 s7, s2  }
0x1e: {  	s7 =	smul.u32 @!p0 $0xF7A, s2;
	p2 =	seq.s32 @!p0 s5, $0x0  }
0x1f: {  	s9 =	smul.u32 $0xF7A, s1;
	s8 =	simm.s32 @!p0 $0x1BF5;
	p2 =	por !p2, p0  }
0x20: {  	[sflag:s8] =	ssyncset.s32 @!p0 $0xFFFFF086;
	s6 =	sadd.s32 @!p0 s3, s7;
	s7 =	simm.s32 @!p0 $0x108  }
0x21: {  	s3 =	sadd.s32 s3, s9;
	s6 =	sadd.s32 @!p0 $0x88, s6;
	s7 =	simm.s32 @p2 $0x1082  }
0x22: {  	[simem:s7], [sflag:s8] =	dma.local @!p0 [hbm:s6], $0xF7A  }
0x23: {  	s9 =	sor.u32 $0xD0000000, s2;
	s6 =	simm.s32 $0x108;
	_ =	swait.ge @!p0 [sflag:s8], $0x0  }
0x24: {  	s3 =	sadd.s32 $0x88, s3;
	s6 =	simm.s32 @!p1 $0x1082;
	[sflag:s4] =	ssyncset.s32 $0xFFFFF086  }
0x25: {  	[simem:s6], [sflag:s4] =	dma.local [hbm:s3], $0xF7A  }
0x26: {  	[smem:$0x3F9F] =	sst s1;
	(tag) =	ssettag s2;
	_ =	strace s9  }
0x27: {  	s1 =	sld [smem:$0x3FAF]  }
0x28: {  	s2 =	sld [smem:$0x3FB0]  }
0x29: {  	s4 =	sld [smem:$0x3FB2]  }
0x2a: {  	p0 =	seq.s32 s5, $0x0;
	s5 =	sld [smem:$0x3FB3]  }
0x2b: {  	s6 =	sld [smem:$0x3FB4]  }
0x2c: {  	s7 =	sld [smem:$0x3FB5]  }
0x2d: {  	s3 =	simm.s32 $0x108;
	s8 =	sld [smem:$0x3FB6]  }
0x2e: {  	s3 =	simm.s32 @!p0 $0x1082;
	s9 =	sld [smem:$0x3FB7]  }
0x2f: {  	lr =	sadd.s32 s0, s3;
	s0 =	sld [smem:$0x3FAE]  }
0x30: {  	s3 =	sld [smem:$0x3FB1]  }
0x31: {  	[smem:$0x3FBA] =	sst s10  }
0x32: {  	s10 =	sld [smem:$0x3FB8];
	_ =	sdelay $0x3  }
0x33: {  	p0 =	seq.s32 s10, $0x1;
	s10 =	sld [smem:$0x3FBA];
	_ =	sdelay $0x3  }
0x34: {  	[smem:$0x3FBA] =	sst s10  }
0x35: {  	s10 =	sld [smem:$0x3FB9];
	_ =	sdelay $0x3  }
0x36: {  	p1 =	seq.s32 s10, $0x1;
	s10 =	sld [smem:$0x3FBA];
	_ =	sdelay $0x3  }
0x37: {  	[smem:$0x3FBA] =	sst s10  }
0x38: {  	s10 =	sld [smem:$0x3FBB]  }
0x39: {  	_ = 	snop;
	(pc) =	sbr.ind lr, $3  }
0x3a: {  	_ = 	snop  }
0x3b: {  	_ = 	snop  }
0x3c: {  	p2 =	seq.s32 s10, $0x1;
	s10 =	sld [smem:$0x3FBA]  }
0x3d: {  	_ =	shalt  }
0x3e: {  	_ =	shalt  }
0x3f: {  	_ =	shalt  }
0x40: {  	_ =	shalt  }
0x41: {  	_ =	shalt  }
0x42: {  	_ =	shalt  }
0x43: {  	_ =	shalt  }
0x44: {  	_ =	shalt  }
0x45: {  	_ =	shalt  }
0x46: {  	_ =	shalt  }
0x47: {  	_ =	shalt  }
0x48: {  	_ =	shalt  }
0x49: {  	_ =	shalt  }
0x4a: {  	_ =	shalt  }
0x4b: {  	_ =	shalt  }
0x4c: {  	_ =	shalt  }
0x4d: {  	_ =	shalt  }
0x4e: {  	_ =	shalt  }
0x4f: {  	_ =	shalt  }
0x50: {  	_ =	shalt  }
0x51: {  	_ =	shalt  }
0x52: {  	_ =	shalt  }
0x53: {  	_ =	shalt  }
0x54: {  	_ =	shalt  }
0x55: {  	_ =	shalt  }
0x56: {  	_ =	shalt  }
0x57: {  	_ =	shalt  }
0x58: {  	_ =	shalt  }
0x59: {  	_ =	shalt  }
0x5a: {  	_ =	shalt  }
0x5b: {  	_ =	shalt  }
0x5c: {  	_ =	shalt  }
0x5d: {  	_ =	shalt  }
0x5e: {  	_ =	shalt  }
0x5f: {  	_ =	shalt  }
0x60: {  	_ =	shalt  }
0x61: {  	_ =	shalt  }
0x62: {  	_ =	shalt  }
0x63: {  	_ =	shalt  }
0x64: {  	_ =	shalt  }
0x65: {  	_ =	shalt  }
0x66: {  	_ =	shalt  }
0x67: {  	_ =	shalt  }
0x68: {  	_ =	shalt  }
0x69: {  	_ =	shalt  }
0x6a: {  	_ =	shalt  }
0x6b: {  	_ =	shalt  }
0x6c: {  	_ =	shalt  }
0x6d: {  	_ =	shalt  }
0x6e: {  	_ =	shalt  }
0x6f: {  	_ =	shalt  }
0x70: {  	_ =	shalt  }
0x71: {  	_ =	shalt  }
0x72: {  	_ =	shalt  }
0x73: {  	_ =	shalt  }
0x74: {  	_ =	shalt  }
0x75: {  	_ =	shalt  }
0x76: {  	_ =	shalt  }
0x77: {  	_ =	shalt  }
0x78: {  	_ =	shalt  }
0x79: {  	_ =	shalt  }
0x7a: {  	_ =	shalt  }
0x7b: {  	_ =	shalt  }
0x7c: {  	_ =	shalt  }
0x7d: {  	_ =	shalt  }
0x7e: {  	_ =	shalt  }
0x7f: {  	_ =	shalt  }
0x80: {  	_ =	shalt  }
0x81: {  	_ =	shalt  }
0x82: {  	_ =	shalt  }
0x83: {  	_ =	shalt  }
0x84: {  	_ =	shalt  }
0x85: {  	_ =	shalt  }
0x86: {  	_ =	shalt  }
0x87: {  	_ =	shalt  }
.Lfunc_end0:
.L_simem_size_0:
called_computation.1_lowered:
.L_overlay_start_0:
0x88: {  	s2 =	sld [smem:$0x3FD9]  }
0x89: {  	s3 =	sld [smem:$0x3FFE];
	_ =	sdelay $0x1  }
0x8a: {  	s1 =	srdreg.scid  }
0x8b: {  	s0 =	sand.u32 $0x1, s1  }
0x8c: {  	s17 =	sshll.u32 s0, $0xA;
	s2 =	sadd.s32 s3, s2  }
0x8d: {  	s2 =	sadd.s32 s2, s17  }
0x8e: {  	[smem:$0x3FC6] =	sst s2  }
0x8f: {  	_ = 	snop  }
0x90: {  	s2 =	sld [smem:$0x3FD0];
	(tm) =	ssettm $0x1  }
0x91: {  	s18 =	sld [smem:$0x3FFB];
	_ =	sdelay $0x3  }
0x92: {  	_ =	strace s18  }
0x93: {  	s3 =	sld [smem:$0x3FFC];
	_ =	sdelay $0x3  }
0x94: {  	_ =	strace s3  }
0x95: {  	s3 =	sld [smem:$0x3FFD];
	_ =	sdelay $0x3  }
0x96: {  	_ =	strace s3  }
0x97: {  	_ =	strace $0x8FFFFFFF  }
0x98: {  	s19 =	sld [smem:$0x3FDB];
	_ =	sdelay $0x1  }
0x99: {  	s4 =	simm.s32 $_scs_section_size  }
0x9a: {  	s5 =	simm.s32 $_size__tile_overlayer_lowered;
	s6 =	simm.s32 $_tile_overlayer_lowered  }
0x9b: {  	s22 =	simm.s32 $0x1BFF;
	s21 =	sshll.u32 s6, $0x1;
	s3 =	sadd.s32 s4, s19  }
0x9c: {  	s7 =	simm.s32 $0x0;
	s20 =	sshll.u32 s5, $0x1;
	s5 =	sadd.s32 s21, s3  }
0x9d: {  	[timem:s7], [sflag:s22] =	dma.local [hbm:s5], s20  }
0x9e: {  	_ =	swait.ge [sflag:s22], s20  }
0x9f: {  	s4 =	ssub.s32 $0x0, s20;
	[sflag:s22] =	ssyncset.done $0x0  }
0xa0: {  	[sflag:s22] =	ssyncadd.s32 s4;
	_ =	sdelay $0x1  }
0xa1: {  	s23 =	simm.s32 $0x1B8B  }
0xa2: {  	_ =	swait.ge [sflag:s23], $0x1  }
0xa3: {  	[sflag:s23] =	ssyncset.done $0x0  }
0xa4: {  	s25 =	simm.s32 $0x1B8E;
	s24 =	sld [smem:$0x3FFE];
	[sflag:s23] =	ssyncadd.s32 $0xFFFFFFFF  }
0xa5: {  	s26 =	simm.s32 $execute0_lowered;
	[smem:$0x3FD2] =	sst s25  }
0xa6: {  	s5 =	sshll.u32 s26, $0x1;
	_ =	strace $0x80000046;
	[dreg:$0x1] =	wrdreg $0xFFFFFFFF  }
0xa7: {  	s28 =	simm.s32 $_size_execute0_lowered;
	s3 =	sadd.s32 s3, s5;
	[dreg:$0x0] =	wrdreg $0x0  }
0xa8: {  	s5 =	sshll.u32 s28, $0x1;
	[dreg:$0x2] =	wrdreg s3  }
0xa9: {  	[dreg:$0x3] =	wrdreg s5  }
0xaa: {  	[dreg:$0x4] =	wrdreg $0xC0  }
0xab: {  	_ =	task [dreg:s7], $0x5FFFF  }
0xac: {  	[dreg:$0x1] =	wrdreg $0xFFFFFFFF  }
0xad: {  	[dreg:$0x0] =	wrdreg $0x60  }
0xae: {  	[dreg:$0x2] =	wrdreg s24  }
0xaf: {  	[dreg:$0x3] =	wrdreg s2  }
0xb0: {  	[dreg:$0x4] =	wrdreg $0x9  }
0xb1: {  	_ =	task.clear_ibuf [dreg:s7], $0x5FFFF;
	_ =	strace $0x90000046  }
0xb2: {  	s29 =	simm.s32 $0x9;
	_ =	strace $0x80000048  }
0xb3: {  	_ =	swait.ge [sflag:s29], $0x1  }
0xb4: {  	[sflag:s29] =	ssyncadd.s32 $0xFFFFFFFF  }
0xb5: {  	_ =	strace $0x90000048  }
0xb6: {  	_ =	sfence  }
0xb7: {  	s30 =	sld [smem:$0x0];
	_ =	sdelay $0x2  }
0xb8: {  	s31 =	sshll.u32 s1, $0xD;
	s1 =	sshrl.u32 s1, $0x2  }
0xb9: {  	s3 =	sand.u32 $0x4000, s31;
	s1 =	sadd.s32 s1, s30  }
0xba: {  	s0 =	sor.u32 s3, s0;
	s1 =	sshll.u32 s1, $0x11  }
0xbb: {  	s0 =	sor.u32 s1, s0  }
0xbc: {  	s0 =	sadd.s32 $0x8F2B, s0  }
0xbd: {  	[sflag:s0] =	ssyncadd.remote.s32 $0x1  }
0xbe: {  	_ =	sfence.sel $0xFFFF  }
0xbf: {  	[dreg:$0x0] =	wrdreg $0xFFFFFFFF;
	(pc) =	sbr.abs _section_cstart, $3  }
0xc0: {  	[dreg:$0x1] =	wrdreg $0xFFFFFFFF  }
0xc1: {  	_ =	task.clear_ibuf [dreg:s7], $0x2FFFF;
	_ =	strace $0x9FFFFFFF  }
0xc2: {  	(tm) =	ssettm $0x7FFFFFFF  }
0xc3: {  	_ =	shalt  }
tec
execute0_lowered:
.L_overlay_start_1:
0x0: {  	(tag) =	ssettag $0x1  }
0x1: {  	s0 =	srdreg.scid;
	s1 =	rddreg [dreg:$0x0]  }
0x2: {  	s10 =	stileid.u32;
	s4 =	rddreg [dreg:$0x1];
	s2 =	simm.s32 $0x0  }
0x3: {  	s12 =	simm.s32 $0x380;
	s13 =	simm.s32 $0x1;
	s14 =	simm.s32 $0x32  }
0x4: {  	s15 =	simm.s32 $0x700;
	s17 =	simm.s32 $0xA340;
	s18 =	simm.s32 $0x5B0  }
0x5: {  	s19 =	simm.s32 $0xA980;
	s28 =	simm.s32 $0xBC40;
	s29 =	simm.s32 $0x690  }
0x6: {  	s30 =	simm.s32 $0xC280;
	s31 =	simm.s32 $0x6C8;
	s21 =	smul.u32 $0x1C00, s10  }
0x7: {  	s0 =	sand.u32 $0x1, s0;
	s3 =	sshll.u32 s10, $0xA;
	s24 =	smul.u32 $0x32000, s10  }
0x8: {  	[smem:$0x7FF] =	sst s2;
	s5 =	sshll.u32 s0, $0x9;
	s23 =	smul.u32 $0xE00, s0  }
0x9: {  	s20 =	ssub.s32 $0x2, s0;
	s0 =	smul.u32 $0x19000, s0;
	s5 =	sor.u32 s5, s3  }
0xa: {  	s7 =	sadd.s32 $0xA00, s1;
	_ =	strace $0x80000047;
	s6 =	smul.u32 $0x7, s5  }
0xb: {  	s3 =	sadd.s32 $0xF42E00, s1;
	s9 =	sshrl.u32 s20, $0x1;
	s8 =	smul.u32 $0xC8, s5  }
0xc: {  	s26 =	sadd.s32 s21, s7;
	s21 =	simm.s32 $0xAFC0;
	s5 =	smul.u32 $0x640, s5  }
0xd: {  	s1 =	ssub.s32 s20, s9;
	s10 =	sadd.s32 s23, s26;
	s23 =	simm.s32 $0x6B00  }
0xe: {  	s20 =	simm.s32 $0x5E8;
	s26 =	simm.s32 $0x658;
	s1 =	smax.u32 s1, $0x1  }
0xf: {  	s11 =	sadd.s32 s7, s6;
	s8 =	sadd.s32 s4, s8;
	s5 =	sshrl.u32 s5, $0x3  }
0x10: {  	[dreg:$0x8] =	wrdreg s1;
	s1 =	simm.s32 $0xC8C0;
	s6 =	simm.s32 $0x4  }
0x11: {  	s7 =	simm.s32 $0x6;
	s22 =	sadd.s32 $0x70, s11;
	[dreg:$0x5] =	wrdreg s8  }
0x12: {  	[dreg:$0x3] =	wrdreg s11;
	s25 =	sadd.s32 $0xE0, s11;
	s5 =	sadd.s32 s4, s5  }
.Ltmp0:
0x13: {  	s4 =	sadd.s32 s24, s4;
	[dreg:$0x4] =	wrdreg s22;
	(pc) =	sbr.rel .LBB2_1-.Ltmp0, $4  }
0x14: {  	s24 =	simm.s32 $0x620;
	s8 =	simm.s32 $0x0;
	[dreg:$0x6] =	wrdreg s25  }
0x15: {  	s5 =	sadd.s32 $0x18380, s5;
	s0 =	sadd.s32 s0, s4;
	s22 =	simm.s32 $0x2  }
0x16: {  	s25 =	simm.s32 $0xB600;
	[dreg:$0x7] =	wrdreg s5;
	s0 =	sadd.s32 $0xC80, s0  }
0x17: {  	s5 =	simm.s32 $0x5;
	[dreg:$0x9] =	wrdreg s0;
	s0 =	simm.s32 $0x3  }
.LBB2_4:
0x18: {  	_ =	swait.ge [sflag:s6], $0x640  }
0x19: {  	[sflag:s6] =	ssyncset.done $0x0  }
0x1a: {  	[sflag:s6] =	ssyncadd.s32 $0xFFFFF9C0  }
0x1b: {  	_ =	swait.ge [sflag:s6], $0x640  }
0x1c: {  	[sflag:s6] =	ssyncset.done $0x0  }
0x1d: {  	[sflag:s6] =	ssyncadd.s32 $0xFFFFF9C0  }
0x1e: {  	_ =	swait.ge [sflag:s6], $0x640  }
0x1f: {  	[sflag:s6] =	ssyncset.done $0x0  }
0x20: {  	[sflag:s6] =	ssyncadd.s32 $0xFFFFF9C0  }
0x21: {  	_ =	swait.ge [sflag:s6], $0x640  }
0x22: {  	[sflag:s6] =	ssyncset.done $0x0  }
0x23: {  	[sflag:s6] =	ssyncadd.s32 $0xFFFFF9C0  }
0x24: {  	_ =	swait.ge [sflag:s6], $0x640  }
0x25: {  	[sflag:s6] =	ssyncset.done $0x0  }
0x26: {  	[sflag:s6] =	ssyncadd.s32 $0xFFFFF9C0  }
0x27: {  	_ =	swait.ge [sflag:s6], $0x640  }
0x28: {  	[sflag:s6] =	ssyncset.done $0x0  }
0x29: {  	[sflag:s6] =	ssyncadd.s32 $0xFFFFF9C0  }
0x2a: {  	_ =	swait.ge [sflag:s6], $0x640  }
0x2b: {  	[sflag:s6] =	ssyncset.done $0x0  }
0x2c: {  	[sflag:s6] =	ssyncadd.s32 $0xFFFFF9C0  }
0x2d: {  	_ =	swait.ge [sflag:s6], $0x640  }
0x2e: {  	[sflag:s6] =	ssyncset.done $0x0  }
0x2f: {  	[sflag:s6] =	ssyncadd.s32 $0xFFFFF9C0  }
0x30: {  	_ =	swait.ge [sflag:s6], $0x640  }
0x31: {  	[sflag:s6] =	ssyncset.done $0x0  }
0x32: {  	[sflag:s6] =	ssyncadd.s32 $0xFFFFF9C0  }
0x33: {  	_ =	swait.ge [sflag:s6], $0x640  }
0x34: {  	[sflag:s6] =	ssyncset.done $0x0  }
0x35: {  	[sflag:s6] =	ssyncadd.s32 $0xFFFFF9C0  }
0x36: {  	_ =	swait.ge [sflag:s6], $0x640  }
0x37: {  	[sflag:s6] =	ssyncset.done $0x0  }
0x38: {  	[sflag:s6] =	ssyncadd.s32 $0xFFFFF9C0  }
0x39: {  	_ =	swait.ge [sflag:s6], $0x640  }
0x3a: {  	[sflag:s6] =	ssyncset.done $0x0  }
0x3b: {  	[sflag:s6] =	ssyncadd.s32 $0xFFFFF9C0  }
0x3c: {  	_ =	swait.ge [sflag:s6], $0x640  }
0x3d: {  	[sflag:s6] =	ssyncset.done $0x0  }
0x3e: {  	[sflag:s6] =	ssyncadd.s32 $0xFFFFF9C0  }
0x3f: {  	_ =	swait.ge [sflag:s6], $0x640  }
0x40: {  	[sflag:s6] =	ssyncset.done $0x0  }
0x41: {  	[sflag:s6] =	ssyncadd.s32 $0xFFFFF9C0  }
0x42: {  	_ =	swait.ge [sflag:s6], $0x640  }
0x43: {  	[sflag:s6] =	ssyncset.done $0x0  }
0x44: {  	[sflag:s6] =	ssyncadd.s32 $0xFFFFF9C0  }
0x45: {  	_ =	swait.ge [sflag:s6], $0x640  }
0x46: {  	[sflag:s6] =	ssyncset.done $0x0  }
0x47: {  	s4 =	rddreg [dreg:$0x7];
	[sflag:s6] =	ssyncadd.s32 $0xFFFFF9C0  }
0x48: {  	[hbm4b:s4+s2] =	stream.linear.scatter [tilespmem:s23], [sflag:$0x6], $0x6400, $0x38;
	[tilespmem:$0xCF00] =	vst v63  }
0x49: {  	_ =	swait.ge [sflag:s5], $0x6400  }
0x4a: {  	[sflag:s5] =	ssyncset.done $0x0  }
0x4b: {  	[sflag:s5] =	ssyncadd.s32 $0xFFFF9C00  }
0x4c: {  	_ =	swait.ge [sflag:s7], $0x6400  }
0x4d: {  	s8 =	rddreg [dreg:$0xa]  }
0x4e: {  	s16 =	rddreg [dreg:$0x8];
	s8 =	sadd.s32 $0x1, s8  }
0x4f: {  	p0 =	sne.s32 s8, s16  }
.Ltmp1:
0x50: {  	_ = 	snop;
	(pc) =	sbr.rel @!p0 .LBB2_5-.Ltmp1, $3  }
0x51: {  	_ =	sdelay $0x1  }
0x52: {  	[sflag:s7] =	ssyncset.done $0x0  }
0x53: {  	[sflag:s7] =	ssyncadd.s32 $0xFFFF9C00  }
.LBB2_1:
0x54: {  	[dreg:$0xa] =	wrdreg s8  }
0x55: {  	s4 =	rddreg [dreg:$0x3]  }
0x56: {  	[tilespmem:s2], [sflag:$0x1] =	stream.linear.gather [hbm4b:s4+s2], $0x380, $0x38;
	[tilespmem:$0xCF00] =	vst v63  }
0x57: {  	s9 =	rddreg [dreg:$0x4]  }
0x58: {  	[tilespmem:s12], [sflag:$0x2] =	stream.linear.gather [hbm4b:s9+s2], $0x380, $0x38;
	[tilespmem:$0xCF00] =	vst v63  }
0x59: {  	_ =	swait.ge [sflag:s13], $0x380  }
0x5a: {  	[sflag:s13] =	ssyncset.done $0x0  }
0x5b: {  	[sflag:s13] =	ssyncadd.s32 $0xFFFFFC80  }
0x5c: {  	[tilespmem:s15], [sflag:$0x3] =	stream.indirect.gather [hbm4b:s3+s14], $0x20, s2, s14, $0xb8;
	[tilespmem:$0xCF00] =	vst v63  }
0x5d: {  	s11 =	simm.s32 $0x38;
	s16 =	simm.s32 $0xD40  }
0x5e: {  	[tilespmem:s16], [sflag:$0x3] =	stream.indirect.gather [hbm4b:s3+s14], $0x20, s11, s14, $0xb8;
	[tilespmem:$0xCF00] =	vst v63  }
0x5f: {  	s8 =	simm.s32 $0x70;
	s9 =	simm.s32 $0x1380  }
0x60: {  	[tilespmem:s9], [sflag:$0x3] =	stream.indirect.gather [hbm4b:s3+s14], $0x20, s8, s14, $0xb8;
	[tilespmem:$0xCF00] =	vst v63  }
0x61: {  	s11 =	simm.s32 $0xA8;
	s16 =	simm.s32 $0x19C0  }
0x62: {  	[tilespmem:s16], [sflag:$0x3] =	stream.indirect.gather [hbm4b:s3+s14], $0x20, s11, s14, $0xb8;
	[tilespmem:$0xCF00] =	vst v63  }
0x63: {  	s8 =	simm.s32 $0xE0;
	s9 =	simm.s32 $0x2000  }
0x64: {  	[tilespmem:s9], [sflag:$0x3] =	stream.indirect.gather [hbm4b:s3+s14], $0x20, s8, s14, $0xb8;
	[tilespmem:$0xCF00] =	vst v63  }
0x65: {  	s11 =	simm.s32 $0x118;
	s16 =	simm.s32 $0x2640  }
0x66: {  	[tilespmem:s16], [sflag:$0x3] =	stream.indirect.gather [hbm4b:s3+s14], $0x20, s11, s14, $0xb8;
	[tilespmem:$0xCF00] =	vst v63  }
0x67: {  	s8 =	simm.s32 $0x150;
	s9 =	simm.s32 $0x2C80  }
0x68: {  	[tilespmem:s9], [sflag:$0x3] =	stream.indirect.gather [hbm4b:s3+s14], $0x20, s8, s14, $0xb8;
	[tilespmem:$0xCF00] =	vst v63  }
0x69: {  	s11 =	simm.s32 $0x188;
	s16 =	simm.s32 $0x32C0  }
0x6a: {  	[tilespmem:s16], [sflag:$0x3] =	stream.indirect.gather [hbm4b:s3+s14], $0x20, s11, s14, $0xb8;
	[tilespmem:$0xCF00] =	vst v63  }
0x6b: {  	s8 =	simm.s32 $0x1C0;
	s9 =	simm.s32 $0x3900  }
0x6c: {  	[tilespmem:s9], [sflag:$0x3] =	stream.indirect.gather [hbm4b:s3+s14], $0x20, s8, s14, $0xb8;
	[tilespmem:$0xCF00] =	vst v63  }
0x6d: {  	s11 =	simm.s32 $0x1F8;
	s16 =	simm.s32 $0x3F40  }
0x6e: {  	[tilespmem:s16], [sflag:$0x3] =	stream.indirect.gather [hbm4b:s3+s14], $0x20, s11, s14, $0xb8;
	[tilespmem:$0xCF00] =	vst v63  }
0x6f: {  	s8 =	simm.s32 $0x230;
	s9 =	simm.s32 $0x4580  }
0x70: {  	[tilespmem:s9], [sflag:$0x3] =	stream.indirect.gather [hbm4b:s3+s14], $0x20, s8, s14, $0xb8;
	[tilespmem:$0xCF00] =	vst v63  }
0x71: {  	s11 =	simm.s32 $0x268;
	s16 =	simm.s32 $0x4BC0  }
0x72: {  	[tilespmem:s16], [sflag:$0x3] =	stream.indirect.gather [hbm4b:s3+s14], $0x20, s11, s14, $0xb8;
	[tilespmem:$0xCF00] =	vst v63  }
0x73: {  	s8 =	simm.s32 $0x2A0;
	s9 =	simm.s32 $0x5200  }
0x74: {  	[tilespmem:s9], [sflag:$0x3] =	stream.indirect.gather [hbm4b:s3+s14], $0x20, s8, s14, $0xb8;
	[tilespmem:$0xCF00] =	vst v63  }
0x75: {  	s11 =	simm.s32 $0x2D8;
	s16 =	simm.s32 $0x5840  }
0x76: {  	[tilespmem:s16], [sflag:$0x3] =	stream.indirect.gather [hbm4b:s3+s14], $0x20, s11, s14, $0xb8;
	[tilespmem:$0xCF00] =	vst v63  }
0x77: {  	s8 =	simm.s32 $0x310;
	s9 =	simm.s32 $0x5E80  }
0x78: {  	[tilespmem:s9], [sflag:$0x3] =	stream.indirect.gather [hbm4b:s3+s14], $0x20, s8, s14, $0xb8;
	[tilespmem:$0xCF00] =	vst v63  }
0x79: {  	s11 =	simm.s32 $0x348;
	s16 =	simm.s32 $0x64C0  }
0x7a: {  	[tilespmem:s16], [sflag:$0x3] =	stream.indirect.gather [hbm4b:s3+s14], $0x20, s11, s14, $0xb8;
	[tilespmem:$0xCF00] =	vst v63  }
0x7b: {  	_ =	swait.ge [sflag:s22], $0x380  }
0x7c: {  	[sflag:s22] =	ssyncset.done $0x0  }
0x7d: {  	[sflag:s22] =	ssyncadd.s32 $0xFFFFFC80  }
0x7e: {  	[tilespmem:s23], [sflag:$0x4] =	stream.indirect.gather [hbm4b:s3+s14], $0x20, s12, s14, $0xb8;
	[tilespmem:$0xCF00] =	vst v63  }
0x7f: {  	s8 =	simm.s32 $0x3B8;
	s9 =	simm.s32 $0x7140  }
0x80: {  	[tilespmem:s9], [sflag:$0x4] =	stream.indirect.gather [hbm4b:s3+s14], $0x20, s8, s14, $0xb8;
	[tilespmem:$0xCF00] =	vst v63  }
0x81: {  	s11 =	simm.s32 $0x3F0;
	s16 =	simm.s32 $0x7780  }
0x82: {  	[tilespmem:s16], [sflag:$0x4] =	stream.indirect.gather [hbm4b:s3+s14], $0x20, s11, s14, $0xb8;
	[tilespmem:$0xCF00] =	vst v63  }
0x83: {  	s8 =	simm.s32 $0x428;
	s9 =	simm.s32 $0x7DC0  }
0x84: {  	[tilespmem:s9], [sflag:$0x4] =	stream.indirect.gather [hbm4b:s3+s14], $0x20, s8, s14, $0xb8;
	[tilespmem:$0xCF00] =	vst v63  }
0x85: {  	s11 =	simm.s32 $0x460;
	s16 =	simm.s32 $0x8400  }
0x86: {  	[tilespmem:s16], [sflag:$0x4] =	stream.indirect.gather [hbm4b:s3+s14], $0x20, s11, s14, $0xb8;
	[tilespmem:$0xCF00] =	vst v63  }
0x87: {  	s8 =	simm.s32 $0x498;
	s9 =	simm.s32 $0x8A40  }
0x88: {  	[tilespmem:s9], [sflag:$0x4] =	stream.indirect.gather [hbm4b:s3+s14], $0x20, s8, s14, $0xb8;
	[tilespmem:$0xCF00] =	vst v63  }
0x89: {  	s11 =	simm.s32 $0x4D0;
	s16 =	simm.s32 $0x9080  }
0x8a: {  	[tilespmem:s16], [sflag:$0x4] =	stream.indirect.gather [hbm4b:s3+s14], $0x20, s11, s14, $0xb8;
	[tilespmem:$0xCF00] =	vst v63  }
0x8b: {  	s8 =	simm.s32 $0x508;
	s9 =	simm.s32 $0x96C0  }
0x8c: {  	[tilespmem:s9], [sflag:$0x4] =	stream.indirect.gather [hbm4b:s3+s14], $0x20, s8, s14, $0xb8;
	[tilespmem:$0xCF00] =	vst v63  }
0x8d: {  	s11 =	simm.s32 $0x540;
	s16 =	simm.s32 $0x9D00  }
0x8e: {  	[tilespmem:s16], [sflag:$0x4] =	stream.indirect.gather [hbm4b:s3+s14], $0x20, s11, s14, $0xb8;
	[tilespmem:$0xCF00] =	vst v63  }
0x8f: {  	s9 =	simm.s32 $0x578  }
0x90: {  	[tilespmem:s17], [sflag:$0x4] =	stream.indirect.gather [hbm4b:s3+s14], $0x20, s9, s14, $0xb8;
	[tilespmem:$0xCF00] =	vst v63  }
0x91: {  	_ = 	snop  }
0x92: {  	[tilespmem:s19], [sflag:$0x4] =	stream.indirect.gather [hbm4b:s3+s14], $0x20, s18, s14, $0xb8;
	[tilespmem:$0xCF00] =	vst v63  }
0x93: {  	_ = 	snop  }
0x94: {  	[tilespmem:s21], [sflag:$0x4] =	stream.indirect.gather [hbm4b:s3+s14], $0x20, s20, s14, $0xb8;
	[tilespmem:$0xCF00] =	vst v63  }
0x95: {  	_ = 	snop  }
0x96: {  	[tilespmem:s25], [sflag:$0x4] =	stream.indirect.gather [hbm4b:s3+s14], $0x20, s24, s14, $0xb8;
	[tilespmem:$0xCF00] =	vst v63  }
0x97: {  	_ = 	snop  }
0x98: {  	[tilespmem:s28], [sflag:$0x4] =	stream.indirect.gather [hbm4b:s3+s14], $0x20, s26, s14, $0xb8;
	[tilespmem:$0xCF00] =	vst v63  }
0x99: {  	_ = 	snop  }
0x9a: {  	[tilespmem:s30], [sflag:$0x4] =	stream.indirect.gather [hbm4b:s3+s14], $0x20, s29, s14, $0xb8;
	[tilespmem:$0xCF00] =	vst v63  }
0x9b: {  	_ = 	snop  }
0x9c: {  	[tilespmem:s1], [sflag:$0x4] =	stream.indirect.gather [hbm4b:s3+s14], $0x20, s31, s14, $0xb8;
	[tilespmem:$0xCF00] =	vst v63  }
0x9d: {  	_ =	swait.ge [sflag:s0], $0x640  }
0x9e: {  	[sflag:s0] =	ssyncset.done $0x0  }
0x9f: {  	[sflag:s0] =	ssyncadd.s32 $0xFFFFF9C0  }
0xa0: {  	_ =	swait.ge [sflag:s0], $0x640  }
0xa1: {  	[sflag:s0] =	ssyncset.done $0x0  }
0xa2: {  	[sflag:s0] =	ssyncadd.s32 $0xFFFFF9C0  }
0xa3: {  	_ =	swait.ge [sflag:s0], $0x640  }
0xa4: {  	[sflag:s0] =	ssyncset.done $0x0  }
0xa5: {  	[sflag:s0] =	ssyncadd.s32 $0xFFFFF9C0  }
0xa6: {  	_ =	swait.ge [sflag:s0], $0x640  }
0xa7: {  	[sflag:s0] =	ssyncset.done $0x0  }
0xa8: {  	[sflag:s0] =	ssyncadd.s32 $0xFFFFF9C0  }
0xa9: {  	_ =	swait.ge [sflag:s0], $0x640  }
0xaa: {  	[sflag:s0] =	ssyncset.done $0x0  }
0xab: {  	[sflag:s0] =	ssyncadd.s32 $0xFFFFF9C0  }
0xac: {  	_ =	swait.ge [sflag:s0], $0x640  }
0xad: {  	[sflag:s0] =	ssyncset.done $0x0  }
0xae: {  	[sflag:s0] =	ssyncadd.s32 $0xFFFFF9C0  }
0xaf: {  	_ =	swait.ge [sflag:s0], $0x640  }
0xb0: {  	[sflag:s0] =	ssyncset.done $0x0  }
0xb1: {  	[sflag:s0] =	ssyncadd.s32 $0xFFFFF9C0  }
0xb2: {  	_ =	swait.ge [sflag:s0], $0x640  }
0xb3: {  	[sflag:s0] =	ssyncset.done $0x0  }
0xb4: {  	[sflag:s0] =	ssyncadd.s32 $0xFFFFF9C0  }
0xb5: {  	_ =	swait.ge [sflag:s0], $0x640  }
0xb6: {  	[sflag:s0] =	ssyncset.done $0x0  }
0xb7: {  	[sflag:s0] =	ssyncadd.s32 $0xFFFFF9C0  }
0xb8: {  	_ =	swait.ge [sflag:s0], $0x640  }
0xb9: {  	[sflag:s0] =	ssyncset.done $0x0  }
0xba: {  	[sflag:s0] =	ssyncadd.s32 $0xFFFFF9C0  }
0xbb: {  	_ =	swait.ge [sflag:s0], $0x640  }
0xbc: {  	[sflag:s0] =	ssyncset.done $0x0  }
0xbd: {  	[sflag:s0] =	ssyncadd.s32 $0xFFFFF9C0  }
0xbe: {  	_ =	swait.ge [sflag:s0], $0x640  }
0xbf: {  	[sflag:s0] =	ssyncset.done $0x0  }
0xc0: {  	[sflag:s0] =	ssyncadd.s32 $0xFFFFF9C0  }
0xc1: {  	_ =	swait.ge [sflag:s0], $0x640  }
0xc2: {  	[sflag:s0] =	ssyncset.done $0x0  }
0xc3: {  	[sflag:s0] =	ssyncadd.s32 $0xFFFFF9C0  }
0xc4: {  	_ =	swait.ge [sflag:s0], $0x640  }
0xc5: {  	[sflag:s0] =	ssyncset.done $0x0  }
0xc6: {  	[sflag:s0] =	ssyncadd.s32 $0xFFFFF9C0  }
0xc7: {  	_ =	swait.ge [sflag:s0], $0x640  }
0xc8: {  	[sflag:s0] =	ssyncset.done $0x0  }
0xc9: {  	[sflag:s0] =	ssyncadd.s32 $0xFFFFF9C0  }
0xca: {  	_ =	swait.ge [sflag:s0], $0x640  }
0xcb: {  	[sflag:s0] =	ssyncset.done $0x0;
	s11 =	rddreg [dreg:$0x5]  }
0xcc: {  	s16 =	rddreg [dreg:$0x6];
	[sflag:s0] =	ssyncadd.s32 $0xFFFFF9C0  }
0xcd: {  	[hbm4b:s11+s2] =	stream.linear.scatter [tilespmem:s15], [sflag:$0x5], $0x6400, $0x38;
	[tilespmem:$0xCF00] =	vst v63  }
0xce: {  	s9 =	simm.s32 $0x0;
	s8 =	rddreg [dreg:$0x9]  }
0xcf: {  	[tilespmem:s2], [sflag:$0x1] =	stream.linear.gather [hbm4b:s16+s2], $0x380, $0x38;
	[tilespmem:$0xCF00] =	vst v63  }
.LBB2_2:
0xd0: {  	_ =	swait.ge [sflag:s13], $0x380  }
0xd1: {  	[sflag:s13] =	ssyncset.done $0x0  }
0xd2: {  	[sflag:s13] =	ssyncadd.s32 $0xFFFFFC80  }
0xd3: {  	_ =	swait.ge [sflag:s5], $0x6400  }
0xd4: {  	[sflag:s5] =	ssyncset.done $0x0  }
0xd5: {  	[sflag:s5] =	ssyncadd.s32 $0xFFFF9C00  }
0xd6: {  	[tilespmem:s15], [sflag:$0x3] =	stream.indirect.gather [hbm4b:s3+s14], $0x20, s2, s14, $0xb8;
	[tilespmem:$0xCF00] =	vst v63  }
0xd7: {  	s4 =	simm.s32 $0x38;
	s11 =	simm.s32 $0xD40  }
0xd8: {  	[tilespmem:s11], [sflag:$0x3] =	stream.indirect.gather [hbm4b:s3+s14], $0x20, s4, s14, $0xb8;
	[tilespmem:$0xCF00] =	vst v63  }
0xd9: {  	s16 =	simm.s32 $0x1380;
	s11 =	simm.s32 $0x70  }
0xda: {  	[tilespmem:s16], [sflag:$0x3] =	stream.indirect.gather [hbm4b:s3+s14], $0x20, s11, s14, $0xb8;
	[tilespmem:$0xCF00] =	vst v63  }
0xdb: {  	s11 =	simm.s32 $0xA8;
	s16 =	simm.s32 $0x19C0  }
0xdc: {  	[tilespmem:s16], [sflag:$0x3] =	stream.indirect.gather [hbm4b:s3+s14], $0x20, s11, s14, $0xb8;
	[tilespmem:$0xCF00] =	vst v63  }
0xdd: {  	s11 =	simm.s32 $0xE0;
	s16 =	simm.s32 $0x2000  }
0xde: {  	[tilespmem:s16], [sflag:$0x3] =	stream.indirect.gather [hbm4b:s3+s14], $0x20, s11, s14, $0xb8;
	[tilespmem:$0xCF00] =	vst v63  }
0xdf: {  	s11 =	simm.s32 $0x118;
	s16 =	simm.s32 $0x2640  }
0xe0: {  	[tilespmem:s16], [sflag:$0x3] =	stream.indirect.gather [hbm4b:s3+s14], $0x20, s11, s14, $0xb8;
	[tilespmem:$0xCF00] =	vst v63  }
0xe1: {  	s11 =	simm.s32 $0x150;
	s16 =	simm.s32 $0x2C80  }
0xe2: {  	[tilespmem:s16], [sflag:$0x3] =	stream.indirect.gather [hbm4b:s3+s14], $0x20, s11, s14, $0xb8;
	[tilespmem:$0xCF00] =	vst v63  }
0xe3: {  	s11 =	simm.s32 $0x188;
	s16 =	simm.s32 $0x32C0  }
0xe4: {  	[tilespmem:s16], [sflag:$0x3] =	stream.indirect.gather [hbm4b:s3+s14], $0x20, s11, s14, $0xb8;
	[tilespmem:$0xCF00] =	vst v63  }
0xe5: {  	s11 =	simm.s32 $0x1C0;
	s16 =	simm.s32 $0x3900  }
0xe6: {  	[tilespmem:s16], [sflag:$0x3] =	stream.indirect.gather [hbm4b:s3+s14], $0x20, s11, s14, $0xb8;
	[tilespmem:$0xCF00] =	vst v63  }
0xe7: {  	s11 =	simm.s32 $0x1F8;
	s16 =	simm.s32 $0x3F40  }
0xe8: {  	[tilespmem:s16], [sflag:$0x3] =	stream.indirect.gather [hbm4b:s3+s14], $0x20, s11, s14, $0xb8;
	[tilespmem:$0xCF00] =	vst v63  }
0xe9: {  	s11 =	simm.s32 $0x230;
	s16 =	simm.s32 $0x4580  }
0xea: {  	[tilespmem:s16], [sflag:$0x3] =	stream.indirect.gather [hbm4b:s3+s14], $0x20, s11, s14, $0xb8;
	[tilespmem:$0xCF00] =	vst v63  }
0xeb: {  	s11 =	simm.s32 $0x268;
	s16 =	simm.s32 $0x4BC0  }
0xec: {  	[tilespmem:s16], [sflag:$0x3] =	stream.indirect.gather [hbm4b:s3+s14], $0x20, s11, s14, $0xb8;
	[tilespmem:$0xCF00] =	vst v63  }
0xed: {  	s11 =	simm.s32 $0x2A0;
	s16 =	simm.s32 $0x5200  }
0xee: {  	[tilespmem:s16], [sflag:$0x3] =	stream.indirect.gather [hbm4b:s3+s14], $0x20, s11, s14, $0xb8;
	[tilespmem:$0xCF00] =	vst v63  }
0xef: {  	s11 =	simm.s32 $0x2D8;
	s16 =	simm.s32 $0x5840  }
0xf0: {  	[tilespmem:s16], [sflag:$0x3] =	stream.indirect.gather [hbm4b:s3+s14], $0x20, s11, s14, $0xb8;
	[tilespmem:$0xCF00] =	vst v63  }
0xf1: {  	s11 =	simm.s32 $0x310;
	s16 =	simm.s32 $0x5E80  }
0xf2: {  	[tilespmem:s16], [sflag:$0x3] =	stream.indirect.gather [hbm4b:s3+s14], $0x20, s11, s14, $0xb8;
	[tilespmem:$0xCF00] =	vst v63  }
0xf3: {  	s11 =	simm.s32 $0x348;
	s16 =	simm.s32 $0x64C0  }
0xf4: {  	[tilespmem:s16], [sflag:$0x3] =	stream.indirect.gather [hbm4b:s3+s14], $0x20, s11, s14, $0xb8;
	[tilespmem:$0xCF00] =	vst v63  }
0xf5: {  	_ =	swait.ge [sflag:s6], $0x640  }
0xf6: {  	[sflag:s6] =	ssyncset.done $0x0  }
0xf7: {  	[sflag:s6] =	ssyncadd.s32 $0xFFFFF9C0  }
0xf8: {  	_ =	swait.ge [sflag:s6], $0x640  }
0xf9: {  	[sflag:s6] =	ssyncset.done $0x0  }
0xfa: {  	[sflag:s6] =	ssyncadd.s32 $0xFFFFF9C0  }
0xfb: {  	_ =	swait.ge [sflag:s6], $0x640  }
0xfc: {  	[sflag:s6] =	ssyncset.done $0x0  }
0xfd: {  	[sflag:s6] =	ssyncadd.s32 $0xFFFFF9C0  }
0xfe: {  	_ =	swait.ge [sflag:s6], $0x640  }
0xff: {  	[sflag:s6] =	ssyncset.done $0x0  }
0x100: {  	[sflag:s6] =	ssyncadd.s32 $0xFFFFF9C0  }
0x101: {  	_ =	swait.ge [sflag:s6], $0x640  }
0x102: {  	[sflag:s6] =	ssyncset.done $0x0  }
0x103: {  	[sflag:s6] =	ssyncadd.s32 $0xFFFFF9C0  }
0x104: {  	_ =	swait.ge [sflag:s6], $0x640  }
0x105: {  	[sflag:s6] =	ssyncset.done $0x0  }
0x106: {  	[sflag:s6] =	ssyncadd.s32 $0xFFFFF9C0  }
0x107: {  	_ =	swait.ge [sflag:s6], $0x640  }
0x108: {  	[sflag:s6] =	ssyncset.done $0x0  }
0x109: {  	[sflag:s6] =	ssyncadd.s32 $0xFFFFF9C0  }
0x10a: {  	_ =	swait.ge [sflag:s6], $0x640  }
0x10b: {  	[sflag:s6] =	ssyncset.done $0x0  }
0x10c: {  	[sflag:s6] =	ssyncadd.s32 $0xFFFFF9C0  }
0x10d: {  	_ =	swait.ge [sflag:s6], $0x640  }
0x10e: {  	[sflag:s6] =	ssyncset.done $0x0  }
0x10f: {  	[sflag:s6] =	ssyncadd.s32 $0xFFFFF9C0  }
0x110: {  	_ =	swait.ge [sflag:s6], $0x640  }
0x111: {  	[sflag:s6] =	ssyncset.done $0x0  }
0x112: {  	[sflag:s6] =	ssyncadd.s32 $0xFFFFF9C0  }
0x113: {  	_ =	swait.ge [sflag:s6], $0x640  }
0x114: {  	[sflag:s6] =	ssyncset.done $0x0  }
0x115: {  	[sflag:s6] =	ssyncadd.s32 $0xFFFFF9C0  }
0x116: {  	_ =	swait.ge [sflag:s6], $0x640  }
0x117: {  	[sflag:s6] =	ssyncset.done $0x0  }
0x118: {  	[sflag:s6] =	ssyncadd.s32 $0xFFFFF9C0  }
0x119: {  	_ =	swait.ge [sflag:s6], $0x640  }
0x11a: {  	[sflag:s6] =	ssyncset.done $0x0  }
0x11b: {  	[sflag:s6] =	ssyncadd.s32 $0xFFFFF9C0  }
0x11c: {  	_ =	swait.ge [sflag:s6], $0x640  }
0x11d: {  	[sflag:s6] =	ssyncset.done $0x0  }
0x11e: {  	[sflag:s6] =	ssyncadd.s32 $0xFFFFF9C0  }
0x11f: {  	_ =	swait.ge [sflag:s6], $0x640  }
0x120: {  	[sflag:s6] =	ssyncset.done $0x0  }
0x121: {  	[sflag:s6] =	ssyncadd.s32 $0xFFFFF9C0  }
0x122: {  	_ =	swait.ge [sflag:s6], $0x640  }
0x123: {  	[sflag:s6] =	ssyncset.done $0x0  }
0x124: {  	s11 =	sadd.s32 s9, s10;
	[sflag:s6] =	ssyncadd.s32 $0xFFFFF9C0  }
0x125: {  	[hbm4b:s8+s2] =	stream.linear.scatter [tilespmem:s23], [sflag:$0x6], $0x6400, $0x38;
	[tilespmem:$0xCF00] =	vst v63  }
0x126: {  	s16 =	sadd.s32 $0x150, s11  }
0x127: {  	[tilespmem:s12], [sflag:$0x2] =	stream.linear.gather [hbm4b:s16+s2], $0x380, $0x38;
	[tilespmem:$0xCF00] =	vst v63  }
0x128: {  	_ =	swait.ge [sflag:s22], $0x380  }
0x129: {  	[sflag:s22] =	ssyncset.done $0x0  }
0x12a: {  	[sflag:s22] =	ssyncadd.s32 $0xFFFFFC80  }
0x12b: {  	_ =	swait.ge [sflag:s7], $0x6400  }
0x12c: {  	[sflag:s7] =	ssyncset.done $0x0  }
0x12d: {  	[sflag:s7] =	ssyncadd.s32 $0xFFFF9C00  }
0x12e: {  	[tilespmem:s23], [sflag:$0x4] =	stream.indirect.gather [hbm4b:s3+s14], $0x20, s12, s14, $0xb8;
	[tilespmem:$0xCF00] =	vst v63  }
0x12f: {  	s4 =	simm.s32 $0x3B8;
	s16 =	simm.s32 $0x7140  }
0x130: {  	[tilespmem:s16], [sflag:$0x4] =	stream.indirect.gather [hbm4b:s3+s14], $0x20, s4, s14, $0xb8;
	[tilespmem:$0xCF00] =	vst v63  }
0x131: {  	s4 =	simm.s32 $0x3F0;
	s16 =	simm.s32 $0x7780  }
0x132: {  	[tilespmem:s16], [sflag:$0x4] =	stream.indirect.gather [hbm4b:s3+s14], $0x20, s4, s14, $0xb8;
	[tilespmem:$0xCF00] =	vst v63  }
0x133: {  	s4 =	simm.s32 $0x428;
	s16 =	simm.s32 $0x7DC0  }
0x134: {  	[tilespmem:s16], [sflag:$0x4] =	stream.indirect.gather [hbm4b:s3+s14], $0x20, s4, s14, $0xb8;
	[tilespmem:$0xCF00] =	vst v63  }
0x135: {  	s4 =	simm.s32 $0x460;
	s16 =	simm.s32 $0x8400  }
0x136: {  	[tilespmem:s16], [sflag:$0x4] =	stream.indirect.gather [hbm4b:s3+s14], $0x20, s4, s14, $0xb8;
	[tilespmem:$0xCF00] =	vst v63  }
0x137: {  	s4 =	simm.s32 $0x498;
	s16 =	simm.s32 $0x8A40  }
0x138: {  	[tilespmem:s16], [sflag:$0x4] =	stream.indirect.gather [hbm4b:s3+s14], $0x20, s4, s14, $0xb8;
	[tilespmem:$0xCF00] =	vst v63  }
0x139: {  	s4 =	simm.s32 $0x4D0;
	s16 =	simm.s32 $0x9080  }
0x13a: {  	[tilespmem:s16], [sflag:$0x4] =	stream.indirect.gather [hbm4b:s3+s14], $0x20, s4, s14, $0xb8;
	[tilespmem:$0xCF00] =	vst v63  }
0x13b: {  	s4 =	simm.s32 $0x508;
	s16 =	simm.s32 $0x96C0  }
0x13c: {  	[tilespmem:s16], [sflag:$0x4] =	stream.indirect.gather [hbm4b:s3+s14], $0x20, s4, s14, $0xb8;
	[tilespmem:$0xCF00] =	vst v63  }
0x13d: {  	s4 =	simm.s32 $0x540;
	s16 =	simm.s32 $0x9D00  }
0x13e: {  	[tilespmem:s16], [sflag:$0x4] =	stream.indirect.gather [hbm4b:s3+s14], $0x20, s4, s14, $0xb8;
	[tilespmem:$0xCF00] =	vst v63  }
0x13f: {  	s16 =	simm.s32 $0x578  }
0x140: {  	[tilespmem:s17], [sflag:$0x4] =	stream.indirect.gather [hbm4b:s3+s14], $0x20, s16, s14, $0xb8;
	[tilespmem:$0xCF00] =	vst v63  }
0x141: {  	_ = 	snop  }
0x142: {  	[tilespmem:s19], [sflag:$0x4] =	stream.indirect.gather [hbm4b:s3+s14], $0x20, s18, s14, $0xb8;
	[tilespmem:$0xCF00] =	vst v63  }
0x143: {  	_ = 	snop  }
0x144: {  	[tilespmem:s21], [sflag:$0x4] =	stream.indirect.gather [hbm4b:s3+s14], $0x20, s20, s14, $0xb8;
	[tilespmem:$0xCF00] =	vst v63  }
0x145: {  	_ = 	snop  }
0x146: {  	[tilespmem:s25], [sflag:$0x4] =	stream.indirect.gather [hbm4b:s3+s14], $0x20, s24, s14, $0xb8;
	[tilespmem:$0xCF00] =	vst v63  }
0x147: {  	_ = 	snop  }
0x148: {  	[tilespmem:s28], [sflag:$0x4] =	stream.indirect.gather [hbm4b:s3+s14], $0x20, s26, s14, $0xb8;
	[tilespmem:$0xCF00] =	vst v63  }
0x149: {  	_ = 	snop  }
0x14a: {  	[tilespmem:s30], [sflag:$0x4] =	stream.indirect.gather [hbm4b:s3+s14], $0x20, s29, s14, $0xb8;
	[tilespmem:$0xCF00] =	vst v63  }
0x14b: {  	_ = 	snop  }
0x14c: {  	[tilespmem:s1], [sflag:$0x4] =	stream.indirect.gather [hbm4b:s3+s14], $0x20, s31, s14, $0xb8;
	[tilespmem:$0xCF00] =	vst v63  }
0x14d: {  	_ =	swait.ge [sflag:s0], $0x640  }
0x14e: {  	[sflag:s0] =	ssyncset.done $0x0  }
0x14f: {  	[sflag:s0] =	ssyncadd.s32 $0xFFFFF9C0  }
0x150: {  	_ =	swait.ge [sflag:s0], $0x640  }
0x151: {  	[sflag:s0] =	ssyncset.done $0x0  }
0x152: {  	[sflag:s0] =	ssyncadd.s32 $0xFFFFF9C0  }
0x153: {  	_ =	swait.ge [sflag:s0], $0x640  }
0x154: {  	[sflag:s0] =	ssyncset.done $0x0  }
0x155: {  	[sflag:s0] =	ssyncadd.s32 $0xFFFFF9C0  }
0x156: {  	_ =	swait.ge [sflag:s0], $0x640  }
0x157: {  	[sflag:s0] =	ssyncset.done $0x0  }
0x158: {  	[sflag:s0] =	ssyncadd.s32 $0xFFFFF9C0  }
0x159: {  	_ =	swait.ge [sflag:s0], $0x640  }
0x15a: {  	[sflag:s0] =	ssyncset.done $0x0  }
0x15b: {  	[sflag:s0] =	ssyncadd.s32 $0xFFFFF9C0  }
0x15c: {  	_ =	swait.ge [sflag:s0], $0x640  }
0x15d: {  	[sflag:s0] =	ssyncset.done $0x0  }
0x15e: {  	[sflag:s0] =	ssyncadd.s32 $0xFFFFF9C0  }
0x15f: {  	_ =	swait.ge [sflag:s0], $0x640  }
0x160: {  	[sflag:s0] =	ssyncset.done $0x0  }
0x161: {  	[sflag:s0] =	ssyncadd.s32 $0xFFFFF9C0  }
0x162: {  	_ =	swait.ge [sflag:s0], $0x640  }
0x163: {  	[sflag:s0] =	ssyncset.done $0x0  }
0x164: {  	[sflag:s0] =	ssyncadd.s32 $0xFFFFF9C0  }
0x165: {  	_ =	swait.ge [sflag:s0], $0x640  }
0x166: {  	[sflag:s0] =	ssyncset.done $0x0  }
0x167: {  	[sflag:s0] =	ssyncadd.s32 $0xFFFFF9C0  }
0x168: {  	_ =	swait.ge [sflag:s0], $0x640  }
0x169: {  	[sflag:s0] =	ssyncset.done $0x0  }
0x16a: {  	[sflag:s0] =	ssyncadd.s32 $0xFFFFF9C0  }
0x16b: {  	_ =	swait.ge [sflag:s0], $0x640  }
0x16c: {  	[sflag:s0] =	ssyncset.done $0x0  }
0x16d: {  	[sflag:s0] =	ssyncadd.s32 $0xFFFFF9C0  }
0x16e: {  	_ =	swait.ge [sflag:s0], $0x640  }
0x16f: {  	[sflag:s0] =	ssyncset.done $0x0  }
0x170: {  	[sflag:s0] =	ssyncadd.s32 $0xFFFFF9C0  }
0x171: {  	_ =	swait.ge [sflag:s0], $0x640  }
0x172: {  	[sflag:s0] =	ssyncset.done $0x0  }
0x173: {  	[sflag:s0] =	ssyncadd.s32 $0xFFFFF9C0  }
0x174: {  	_ =	swait.ge [sflag:s0], $0x640  }
0x175: {  	[sflag:s0] =	ssyncset.done $0x0  }
0x176: {  	[sflag:s0] =	ssyncadd.s32 $0xFFFFF9C0  }
0x177: {  	_ =	swait.ge [sflag:s0], $0x640  }
0x178: {  	p0 =	seq.s32 s9, $0xC40;
	[sflag:s0] =	ssyncset.done $0x0  }
.Ltmp2:
0x179: {  	[sflag:s0] =	ssyncadd.s32 $0xFFFFF9C0;
	(pc) =	sbr.rel @p0 .LBB2_4-.Ltmp2, $4  }
0x17a: {  	_ =	swait.ge [sflag:s0], $0x640  }
0x17b: {  	[sflag:s0] =	ssyncset.done $0x0  }
0x17c: {  	s16 =	sadd.s32 $0xC80, s8;
	[sflag:s0] =	ssyncadd.s32 $0xFFFFF9C0  }
0x17d: {  	[hbm4b:s16+s2] =	stream.linear.scatter [tilespmem:s15], [sflag:$0x5], $0x6400, $0x38;
	[tilespmem:$0xCF00] =	vst v63  }
.Ltmp3:
0x17e: {  	(pc) =	sbr.rel .LBB2_2-.Ltmp3, $3  }
0x17f: {  	_ =	sdelay $0x1  }
0x180: {  	s4 =	sadd.s32 $0x1C0, s11;
	s9 =	sadd.s32 $0xE0, s9;
	s8 =	sadd.s32 $0x1900, s8  }
0x181: {  	[tilespmem:s2], [sflag:$0x1] =	stream.linear.gather [hbm4b:s4+s2], $0x380, $0x38;
	[tilespmem:$0xCF00] =	vst v63  }
.LBB2_5:
0x182: {  	_ =	sfence.sel $0x180000  }
0x183: {  	[bflag:$0x0] =	sbarrier.arrive $0xFFFF  }
0x184: {  	_ =	strace $0x90000047  }
0x185: {  	s0 =	stileid.u32;
	[bflag:$0x2] =	sbarrier.arrive $0xFFFF  }
0x186: {  	p0 =	sne.s32 s0, $0x0;
	s0 =	rddreg [dreg:$0x2]  }
0x187: {  	s0 =	sadd.s32 @!p0 $0x100000, s0  }
0x188: {  	[sflag:s0] =	ssyncadd.tile.s32 @!p0 $0x1;
	_ =	shalt  }
.Lfunc_end2:
_tile_overlayer_lowered:
.L_overlay_start_2:
0x189: {  	(tag) =	ssettag $0x2  }
0x18a: {  	s0 =	rddreg [dreg:$0x0];
	s2 =	stileid.u32  }
0x18b: {  	s1 =	rddreg [dreg:$0x1];
	p0 =	sne.s32 s2, $0x0  }
0x18c: {  	s3 =	rddreg [dreg:$0x2];
	[bflag:$0x3] =	sbarrier.arrive $0xFFFF;
	s2 =	simm.s32 @!p0 $0x1C07  }
0x18d: {  	[timem:s3], [sflag:s2] =	dma.local @!p0 [hbm:s0], s1  }
0x18e: {  	s0 =	simm.s32 @!p0 $0x7  }
0x18f: {  	_ =	swait.ge @!p0 [sflag:s0], s1  }
0x190: {  	s1 =	ssub.s32 @!p0 $0x0, s1;
	[sflag:s0] =	ssyncset.done @!p0 $0x0  }
0x191: {  	[sflag:s0] =	ssyncadd.s32 @!p0 s1  }
0x192: {  	[bflag:$0x3] =	sbarrier.arrive $0xFFFF  }
0x193: {  	_ =	shalt  }

// kernel: sparse-core-data-format-call.cloned.1.call-start
scs
called_computation_lowered:
.L_overlay_start_0:
0x0: {  	s2 =	sld [smem:$0x3FD9]  }
0x1: {  	s3 =	sld [smem:$0x3FFE];
	_ =	sdelay $0x1  }
0x2: {  	s1 =	srdreg.scid  }
0x3: {  	s0 =	sand.u32 $0x1, s1  }
0x4: {  	s18 =	sshll.u32 s0, $0xA;
	s2 =	sadd.s32 s3, s2  }
0x5: {  	s2 =	sadd.s32 s2, s18  }
0x6: {  	[smem:$0x3FC6] =	sst s2  }
0x7: {  	_ = 	snop  }
0x8: {  	s2 =	sld [smem:$0x3FD0];
	(tm) =	ssettm $0x1  }
0x9: {  	s19 =	sld [smem:$0x3FFB];
	_ =	sdelay $0x3  }
0xa: {  	_ =	strace s19  }
0xb: {  	s3 =	sld [smem:$0x3FFC];
	_ =	sdelay $0x3  }
0xc: {  	_ =	strace s3  }
0xd: {  	s3 =	sld [smem:$0x3FFD];
	_ =	sdelay $0x3  }
0xe: {  	_ =	strace s3  }
0xf: {  	_ =	strace $0x8FFFFFFF  }
0x10: {  	s20 =	sld [smem:$0x3FDB];
	_ =	sdelay $0x1  }
0x11: {  	s4 =	simm.s32 $_scs_section_size  }
0x12: {  	s5 =	simm.s32 $_size__tile_overlayer_lowered;
	s6 =	simm.s32 $_tile_overlayer_lowered  }
0x13: {  	s23 =	simm.s32 $0x1BFF;
	s22 =	sshll.u32 s6, $0x1;
	s3 =	sadd.s32 s4, s20  }
0x14: {  	s7 =	simm.s32 $0x0;
	s21 =	sshll.u32 s5, $0x1;
	s5 =	sadd.s32 s22, s3  }
0x15: {  	[timem:s7], [sflag:s23] =	dma.local [hbm:s5], s21  }
0x16: {  	_ =	swait.ge [sflag:s23], s21  }
0x17: {  	s4 =	ssub.s32 $0x0, s21;
	[sflag:s23] =	ssyncset.done $0x0  }
0x18: {  	[sflag:s23] =	ssyncadd.s32 s4;
	_ =	sdelay $0x1  }
0x19: {  	s24 =	simm.s32 $0x1B8B  }
0x1a: {  	_ =	swait.ge [sflag:s24], $0x1  }
0x1b: {  	[sflag:s24] =	ssyncset.done $0x0  }
0x1c: {  	s26 =	simm.s32 $0x1B8E;
	s25 =	sld [smem:$0x3FFE];
	[sflag:s24] =	ssyncadd.s32 $0xFFFFFFFF  }
0x1d: {  	s27 =	simm.s32 $execute0_lowered;
	[smem:$0x3FD2] =	sst s26  }
0x1e: {  	s5 =	sshll.u32 s27, $0x1;
	_ =	strace $0x80000049;
	[dreg:$0x1] =	wrdreg $0xFFFFFFFF  }
0x1f: {  	s28 =	simm.s32 $_size_execute0_lowered;
	s3 =	sadd.s32 s3, s5;
	[dreg:$0x0] =	wrdreg $0x0  }
0x20: {  	s5 =	sshll.u32 s28, $0x1;
	[dreg:$0x2] =	wrdreg s3  }
0x21: {  	[dreg:$0x3] =	wrdreg s5  }
0x22: {  	[dreg:$0x4] =	wrdreg $0xC0  }
0x23: {  	_ =	task [dreg:s7], $0x5FFFF  }
0x24: {  	[dreg:$0x1] =	wrdreg $0xFFFFFFFF  }
0x25: {  	[dreg:$0x0] =	wrdreg $0x60  }
0x26: {  	[dreg:$0x2] =	wrdreg s25  }
0x27: {  	[dreg:$0x3] =	wrdreg s2  }
0x28: {  	[dreg:$0x4] =	wrdreg $0x9  }
0x29: {  	_ =	task.clear_ibuf [dreg:s7], $0x5FFFF;
	_ =	strace $0x90000049  }
0x2a: {  	s29 =	simm.s32 $0x9;
	_ =	strace $0x8000004B  }
0x2b: {  	_ =	swait.ge [sflag:s29], $0x1  }
0x2c: {  	[sflag:s29] =	ssyncadd.s32 $0xFFFFFFFF  }
0x2d: {  	_ =	strace $0x9000004B  }
0x2e: {  	_ =	sfence  }
0x2f: {  	s30 =	sld [smem:$0x0];
	_ =	sdelay $0x2  }
0x30: {  	s31 =	sshll.u32 s1, $0xD;
	s1 =	sshrl.u32 s1, $0x2  }
0x31: {  	s3 =	sand.u32 $0x4000, s31;
	s1 =	sadd.s32 s1, s30  }
0x32: {  	s0 =	sor.u32 s3, s0;
	s1 =	sshll.u32 s1, $0x11  }
0x33: {  	s0 =	sor.u32 s1, s0  }
0x34: {  	s0 =	sadd.s32 $0x8F2B, s0  }
0x35: {  	[sflag:s0] =	ssyncadd.remote.s32 $0x1  }
0x36: {  	_ =	sfence.sel $0xFFFF  }
0x37: {  	[dreg:$0x0] =	wrdreg $0xFFFFFFFF;
	(pc) =	sbr.abs _section_cstart, $3  }
0x38: {  	[dreg:$0x1] =	wrdreg $0xFFFFFFFF  }
0x39: {  	_ =	task.clear_ibuf [dreg:s7], $0x2FFFF;
	_ =	strace $0x9FFFFFFF  }
0x3a: {  	(tm) =	ssettm $0x7FFFFFFF  }
0x3b: {  	_ =	shalt  }
tec
execute0_lowered:
.L_overlay_start_1:
0x0: {  	(tag) =	ssettag $0x1  }
0x1: {  	s0 =	srdreg.scid  }
0x2: {  	s1 =	sshll.u32 s0, $0x4  }
0x3: {  	s0 =	stileid.u32;
	s1 =	sand.u32 $0x10, s1  }
0x4: {  	s1 =	sor.u32 s0, s1  }
0x5: {  	s6 =	rddreg [dreg:$0x0];
	s4 =	simm.s32 $0x1;
	s2 =	sshll.u32 s1, $0x7  }
0x6: {  	s7 =	simm.s32 $0x2;
	s12 =	simm.s32 $0x0;
	s1 =	ssub.s32 $0x4000, s2  }
0x7: {  	s8 =	simm.s32 $0x20000;
	s13 =	simm.s32 $0x0;
	s3 =	sand.u32 $0xF80, s1  }
0x8: {  	s9 =	simm.s32 $0x0;
	s5 =	sshrl.u32 s1, $0xC;
	p0 =	sne.s32 s3, $0x0  }
.Ltmp0:
0x9: {  	s1 =	rddreg [dreg:$0x2];
	s4 =	simm.s32 @!p0 $0x0;
	(pc) =	sbr.rel .LBB1_1-.Ltmp0, $4  }
0xa: {  	s11 =	simm.s32 $0x0;
	s3 =	rddreg [dreg:$0x1];
	s5 =	sadd.s32 s4, s5  }
0xb: {  	_ =	strace $0x8000004A;
	s4 =	simm.s32 $0x1;
	s5 =	smul.u32 $0x32, s5  }
0xc: {  	s6 =	sadd.s32 $0xA00, s6;
	s10 =	smov.u32 s2;
	[sflag:s4] =	ssyncpa.u1 $0x0  }
0xd: {  	p0 =	por $0x0, $0x0;
	[sflag:s7] =	ssyncpa.u1 $0x0;
	s7 =	sor.u32 $0x1, s5  }
.LBB1_4:
0xe: {  	s16 =	sshll.u32 s13, $0x3;
	s17 =	sand.u32 $0x78, s13  }
0xf: {  	s30 =	sand.u32 $0xF800, s13;
	s12 =	sshll.u32 s12, $0x10;
	s16 =	sand.u32 $0x3C00, s16  }
0x10: {  	s31 =	sand.u32 $0x7, s13;
	s16 =	sor.u32 s17, s16;
	s17 =	sadd.s32 s3, s30  }
0x11: {  	s13 =	sshll.u32 s31, $0x12;
	s16 =	sshrl.u32 s16, $0x3;
	s12 =	sadd.s32 s12, s17  }
0x12: {  	[tilespmem:s15+$0x0 ss:$0x81] =	vst.msk $0xffff, v0;
	s13 =	sor.u32 $0x400, s13;
	s12 =	sadd.s32 s16, s12  }
0x13: {  	[hbm4b:s12+s13] =	stream.strided.scatter [tilespmem:s14], [sflag:$0x2], $0x1000, s8, s13, $0x20;
	[tilespmem:$0x4040] =	vst v63  }
.LBB1_5:
0x14: {  	s14 =	sadd.s32 $0x1, s9  }
0x15: {  	s12 =	sadd.s32 $0x1000, s10;
	s16 =	smov.u32 s10;
	p2 =	sgt.s32 s14, $0x31  }
0x16: {  	s16 =	smov.u32 @p2 s12  }
0x17: {  	s14 =	simm.s32 @p2 $0x0;
	p2 =	sgt.s32 s16, $0x3FFF  }
0x18: {  	s16 =	smov.u32 @p2 s2;
	p2 =	sne.s32 s11, s7  }
.Ltmp1:
0x19: {  	p1 =	slt.u32 s11, $0x2;
	(pc) =	sbr.rel @!p2 .LBB1_6-.Ltmp1, $4  }
0x1a: {  	s15 =	simm.s32 @!p1 $0x2  }
0x1b: {  	s13 =	smov.u32 s10;
	p0 =	por !p0, !p0;
	_ =	swait.ge @!p1 [sflag:s15], $0x1000  }
0x1c: {  	s12 =	smov.u32 s9;
	[sflag:s15] =	ssyncset.done @!p1 $0x0;
	s9 =	smov.u32 s14  }
0x1d: {  	s11 =	sadd.s32 $0x1, s11;
	[sflag:s15] =	ssyncadd.s32 @!p1 $0xFFFFF000;
	s10 =	smov.u32 s16  }
.LBB1_1:
0x1e: {  	p1 =	sge.u32 s11, s5  }
0x1f: {  	s14 =	sand.u32 @!p1 $0x1FFFFFF, s9  }
0x20: {  	s15 =	smulhi.u32 @!p1 $0x4924925, s14;
	_ =	sdelay $0x1  }
0x21: {  	s15 =	smul.u32 @!p1 $0x38, s15  }
0x22: {  	s16 =	sxor.u32 @!p1 $0xFFFFFFFF, s11;
	s17 =	smul.u32 @!p1 $0x380, s10  }
0x23: {  	s31 =	sadd.s32 $0xFFFFFFFF, s11;
	s16 =	sshll.u32 @!p1 s16, $0xC;
	s14 =	ssub.s32 @!p1 s14, s15  }
0x24: {  	s15 =	sand.u32 @!p1 $0x1000, s16;
	s16 =	sadd.s32 @!p1 s6, s17;
	s14 =	sshll.u32 @!p1 s14, $0x4  }
0x25: {  	s17 =	simm.s32 @!p1 $0x1C00;
	s14 =	sadd.s32 @!p1 s14, s16;
	s16 =	simm.s32 @!p1 $0x20  }
0x26: {  	[tilespmem:s15], [sflag:$0x1] =	stream.strided.gather @!p1 [hbm4b:s14+s16], $0x1000, s17, s16, $0x38;
	[tilespmem:$0x4040] =	vst v63  }
0x27: {  	p1 =	sge.u32 s31, s5  }
.Ltmp2:
0x28: {  	_ = 	snop;
	(pc) =	sbr.rel @p1 .LBB1_5-.Ltmp2, $1  }
0x29: {  	_ =	sdelay $0x3  }
0x2a: {  	s14 =	simm.s32 $0x1  }
0x2b: {  	_ =	swait.ge [sflag:s4], $0x1000;
	s14 =	simm.s32 @!p0 $0x0  }
0x2c: {  	[sflag:s4] =	ssyncset.done $0x0;
	s15 =	sshll.u32 s14, $0xC  }
0x2d: {  	[sflag:s4] =	ssyncadd.s32 $0xFFFFF000;
	s18 =	sor.u32 $0x10, s15  }
0x2e: {  	s14 =	smul.u32 $0x4080, s14;
	v1 =	vld [tilespmem:s18+$0x0]  }
0x2f: {  	s30 =	sand.u32 $0x1, s11;
	v0 =	vld [tilespmem:s18+$0xFFFFFFF0]  }
0x30: {  	s15 =	smul.u32 $0x4080, s30;
	s14 =	sshrl.u32 s14, $0x2  }
0x31: {  	s16 =	sor.u32 $0x2000, s14  }
0x32: {  	s31 =	sshrl.u32 s15, $0x2;
	s15 =	sadd.s32 $0x0, s16  }
0x33: {  	s17 =	simm.s32 $0x4;
	s18 =	sadd.s32 $0x20, s18;
	s14 =	sor.u32 $0x2000, s31;
	[tilespmem:s15+$0x810 ss:$0x81] =	vst.msk $0xffff, v1  }
.LBB1_3:
0x34: {  	v1 =	vld [tilespmem:s18+$0x0];
	p1 =	sne.s32 s17, $0x1FC;
	[tilespmem:s15+$0x0 ss:$0x81] =	vst.msk $0xffff, v0;
	s15 =	smov.u32 s17;
	s17 =	sadd.s32 $0x4, s17  }
.Ltmp3:
0x35: {  	v0 =	vld [tilespmem:s18+$0xFFFFFFF0];
	(pc) =	sbr.rel @p1 .LBB1_3-.Ltmp3, $4  }
0x36: {  	_ = 	snop  }
0x37: {  	s15 =	sshra.s32 s15, $0x2  }
0x38: {  	s15 =	sadd.s32 s15, s16  }
0x39: {  	s18 =	sadd.s32 $0x20, s18;
	[tilespmem:s15+$0x810 ss:$0x81] =	vst.msk $0xffff, v1  }
.Ltmp4:
0x3a: {  	_ = 	snop;
	(pc) =	sbr.rel .LBB1_4-.Ltmp4, $1  }
0x3b: {  	_ =	sdelay $0x3  }
.LBB1_6:
0x3c: {  	_ =	sfence.sel $0x180000  }
0x3d: {  	s2 =	simm.s32 $0x1;
	[bflag:$0x0] =	sbarrier.arrive $0xFFFF  }
0x3e: {  	s31 =	simm.s32 $0x2;
	[sflag:s2] =	ssyncpa.u1 $0x1  }
0x3f: {  	[sflag:s31] =	ssyncpa.u1 $0x1  }
0x40: {  	p0 =	sne.s32 s0, $0x0;
	_ =	strace $0x9000004A  }
0x41: {  	s0 =	sadd.s32 @!p0 $0x100000, s1;
	[bflag:$0x2] =	sbarrier.arrive $0xFFFF  }
0x42: {  	[sflag:s0] =	ssyncadd.tile.s32 @!p0 $0x1;
	_ =	shalt  }
.Lfunc_end1:
_tile_overlayer_lowered:
.L_overlay_start_2:
0x43: {  	(tag) =	ssettag $0x2  }
0x44: {  	s0 =	rddreg [dreg:$0x0];
	s2 =	stileid.u32  }
0x45: {  	s1 =	rddreg [dreg:$0x1];
	p0 =	sne.s32 s2, $0x0  }
0x46: {  	s3 =	rddreg [dreg:$0x2];
	[bflag:$0x3] =	sbarrier.arrive $0xFFFF;
	s2 =	simm.s32 @!p0 $0x1C01  }
0x47: {  	[timem:s3], [sflag:s2] =	dma.local @!p0 [hbm:s0], s1  }
0x48: {  	s0 =	simm.s32 @!p0 $0x1  }
0x49: {  	_ =	swait.ge @!p0 [sflag:s0], s1  }
0x4a: {  	s1 =	ssub.s32 @!p0 $0x0, s1;
	[sflag:s0] =	ssyncset.done @!p0 $0x0  }
0x4b: {  	[sflag:s0] =	ssyncadd.s32 @!p0 s1  }
0x4c: {  	[bflag:$0x3] =	sbarrier.arrive $0xFFFF  }
0x4d: {  	_ =	shalt  }

</sc_bundles>
